<compile_context>
chip_gen: v7x
topology: tpu7x:2x2x1
jax: 0.10.2.dev20260603
libtpu: 0.0.44.dev20260713+nightly
codegen_flags: <defaults>
</compile_context>

<pallas_src>
import functools

import jax
import jax.numpy as jnp
from jax import lax
from jax.experimental import pallas as pl
from jax.experimental.pallas import tpu as pltpu
from jax.experimental.pallas import tpu_sc as plsc

_NC = 2
_NS = 16
_NW = _NC * _NS
_CHUNK = 320


def _sc_gather(table, idx, n, d):
    per_w = n // _NW
    nchunks = per_w // _CHUNK
    dt = table.dtype
    mesh = plsc.VectorSubcoreMesh(core_axis_name="c", subcore_axis_name="s")

    @functools.partial(
        pl.kernel,
        mesh=mesh,
        out_type=jax.ShapeDtypeStruct((n, d), dt),
        scratch_types=[
            pltpu.VMEM((per_w,), jnp.int32),
            pltpu.VMEM((_CHUNK, d), dt),
            pltpu.VMEM((_CHUNK, d), dt),
            pltpu.SemaphoreType.DMA,
            pltpu.SemaphoreType.DMA,
        ],
        compiler_params=pltpu.CompilerParams(use_tc_tiling_on_sc=True),
    )
    def k(table_hbm, idx_hbm, out_hbm, idx_v, rows0, rows1, sem0, sem1):
        wid = lax.axis_index("s") * _NC + lax.axis_index("c")
        base = wid * per_w
        pltpu.sync_copy(idx_hbm.at[pl.ds(base, per_w)], idx_v)

        def mk_gather(j, rows, sem):
            off = pl.multiple_of(j * _CHUNK, _CHUNK)
            return pltpu.make_async_copy(
                table_hbm.at[idx_v.at[pl.ds(off, _CHUNK)]], rows, sem
            )

        def store(j, rows):
            off = pl.multiple_of(j * _CHUNK, _CHUNK)
            pltpu.sync_copy(rows, out_hbm.at[pl.ds(base + off, _CHUNK)])

        mk_gather(0, rows0, sem0).start()

        def pair(i, carry):
            j0 = i * 2
            mk_gather(j0 + 1, rows1, sem1).start()
            mk_gather(j0, rows0, sem0).wait()
            store(j0, rows0)

            @pl.when(j0 + 2 < nchunks)
            def _():
                mk_gather(j0 + 2, rows0, sem0).start()

            mk_gather(j0 + 1, rows1, sem1).wait()
            store(j0 + 1, rows1)
            return carry

        lax.fori_loop(0, nchunks // 2, pair, 0)
        if nchunks % 2:
            j = nchunks - 1
            mk_gather(j, rows0, sem0).wait()
            store(j, rows0)

    return k(table, idx)


def _tc_body(g_ref, x_ref, y_ref, t_ref, dy_ref, w1t_ref, b1_ref, w2_ref,
             b2_ref, wp_ref, bp_ref, gm_ref, bt_ref, tt_ref, dt_ref, o_ref,
             wpc_s, w2p_s, ttp_s, dtp_s):
    f32 = jnp.float32
    bf16 = jnp.bfloat16
    tb, d_model = o_ref.shape

    @pl.when(pl.program_id(0) == 0)
    def _init():
        wp = wp_ref[...]
        wpc = wp - jnp.mean(wp, axis=1, keepdims=True)
        wpc_s[...] = wpc.astype(bf16)
        w2p = jnp.dot(w2_ref[...], wpc[128:192, :], preferred_element_type=f32)
        w2p_s[...] = w2p.astype(bf16)
        b2p = jnp.dot(b2_ref[...], w2p, preferred_element_type=f32)
        ttp = jnp.dot(tt_ref[...], wpc[192:224, :], preferred_element_type=f32)
        dtp = jnp.dot(dt_ref[...], wpc[224:256, :], preferred_element_type=f32)
        bpc = bp_ref[...] - jnp.mean(bp_ref[...], axis=1, keepdims=True)
        ttp_s[...] = (ttp + b2p + bpc).astype(bf16)
        dtp_s[...] = jnp.concatenate(
            [dtp, jnp.zeros((1, d_model), f32)], axis=0).astype(bf16)

    g = g_ref[...].astype(bf16)
    cx = x_ref[0]
    cy = y_ref[0]

    hT = jnp.maximum(w1t_ref[:, 0:1] * cx + w1t_ref[:, 1:2] * cy + b1_ref[...],
                     0.0).astype(bf16)

    n_t = ttp_s.shape[0]
    n_d = dtp_s.shape[0]
    ohtT = (lax.broadcasted_iota(jnp.int32, (n_t, tb), 0) == t_ref[0]).astype(bf16)
    ohdT = (lax.broadcasted_iota(jnp.int32, (n_d, tb), 0) == dy_ref[0]).astype(bf16)

    tdot = lambda a, b: lax.dot_general(a, b, (((0,), (0,)), ((), ())),
                                        preferred_element_type=f32)
    x = (jnp.dot(g, wpc_s[0:128, :], preferred_element_type=f32)
         + tdot(hT, w2p_s[...])
         + tdot(ohtT, ttp_s[...])
         + tdot(ohdT, dtp_s[...]))

    jmat = jnp.full((d_model, d_model), 1.0 / d_model, dtype=bf16)
    var = jnp.dot((x * x).astype(bf16), jmat, preferred_element_type=f32)
    o_ref[...] = x * lax.rsqrt(var + 1e-5) * gm_ref[...] + bt_ref[...]


def _tc_call(g, xs, ys, t3, d3, weights, TB, nblk, D, N, blk0, full_prev):
    const = lambda *_: (0, 0)
    row = lambda i: (i, 0)
    out_row = lambda i: (i + blk0, 0)
    blk3 = lambda i: (i, 0, 0)
    in_specs = [
        pl.BlockSpec((TB, D), row),
        pl.BlockSpec((1, 1, TB), blk3),
        pl.BlockSpec((1, 1, TB), blk3),
        pl.BlockSpec((1, 1, TB), blk3),
        pl.BlockSpec((1, 1, TB), blk3),
        pl.BlockSpec((D // 2, 2), const),
        pl.BlockSpec((D // 2, 1), const),
        pl.BlockSpec((D // 2, D // 2), const),
        pl.BlockSpec((1, D // 2), const),
        pl.BlockSpec((2 * D, D), const),
        pl.BlockSpec((1, D), const),
        pl.BlockSpec((1, D), const),
        pl.BlockSpec((1, D), const),
        pl.BlockSpec((48, D // 4), const),
        pl.BlockSpec((7, D // 4), const),
    ]
    args = [g, xs, ys, t3, d3, *weights]
    aliases = {}
    if full_prev is not None:
        in_specs.append(pl.BlockSpec(memory_space=pl.ANY))
        args.append(full_prev)
        aliases = {len(args) - 1: 0}
    body = _tc_body
    if full_prev is not None:
        def body(*refs):
            _tc_body(*refs[:15], *refs[16:])
    return pl.pallas_call(
        body,
        grid=(nblk,),
        in_specs=in_specs,
        out_specs=pl.BlockSpec((TB, D), out_row),
        out_shape=jax.ShapeDtypeStruct((N, D), jnp.float32),
        input_output_aliases=aliases,
        scratch_shapes=[
            pltpu.VMEM((2 * D, D), jnp.bfloat16),
            pltpu.VMEM((D // 2, D), jnp.bfloat16),
            pltpu.VMEM((48, D), jnp.bfloat16),
            pltpu.VMEM((8, D), jnp.bfloat16),
        ],
    )(*args)


def kernel(poi_ids, coordinates, time_slots, days, poi_table, time_table,
           day_table, W1, b1, W2, b2, Wp, bp, gamma, beta):
    B, L = poi_ids.shape
    V, D = poi_table.shape
    N = B * L
    S = 4
    NS_ = N // S
    TB = 6400
    nblk = NS_ // TB

    ids = poi_ids.T.reshape(N).astype(jnp.int32)
    xs = coordinates[:, :, 0].T.reshape(S, nblk, 1, TB)
    ys = coordinates[:, :, 1].T.reshape(S, nblk, 1, TB)
    t4 = time_slots.T.reshape(S, nblk, 1, TB).astype(jnp.int32)
    d4 = days.T.reshape(S, nblk, 1, TB).astype(jnp.int32)

    weights = (W1.T, b1.reshape(D // 2, 1), W2, b2.reshape(1, -1),
               Wp, bp.reshape(1, -1), gamma.reshape(1, -1),
               beta.reshape(1, -1), time_table, day_table)

    out = None
    for s in range(S):
        g = _sc_gather(poi_table, lax.slice(ids, (s * NS_,), ((s + 1) * NS_,)),
                       NS_, D)
        out = _tc_call(g, xs[s], ys[s], t4[s], d4[s], weights, TB, nblk, D,
                       N, s * nblk, out)

    return out.reshape(L, B, D).swapaxes(0, 1)

# --- scband reference (transcript-rebuilt; emitter-appended) ---
"""Pipeline reference for scband-spatio-temporal-embedding-45810121179175 (READ-ONLY COPY).

The authoritative reference and input builder live on the scoring server;
editing this copy changes nothing except your own understanding.
"""

import jax, jax.numpy as jnp
import numpy as np

B, L = 4096, 50
V, D = 100000, 128
T_SLOTS, DAYS = 48, 7

def setup_inputs(seed: int = 0) -> dict:
    key = jax.random.key(seed)
    ks = jax.random.split(key, 16)
    poi_ids = jax.random.randint(ks[0], (B, L), 0, V, dtype=jnp.int64) if jax.config.jax_enable_x64 else jax.random.randint(ks[0], (B, L), 0, V, dtype=jnp.int32)
    coordinates = jax.random.normal(ks[1], (B, L, 2), dtype=jnp.float32)
    time_slots = jax.random.randint(ks[2], (B, L), 0, T_SLOTS, dtype=jnp.int32)
    days = jax.random.randint(ks[3], (B, L), 0, DAYS, dtype=jnp.int32)
    poi_table = jax.random.normal(ks[4], (V, D), dtype=jnp.float32) * 0.02
    time_table = jax.random.normal(ks[5], (T_SLOTS, D // 4), dtype=jnp.float32) * 0.02
    day_table = jax.random.normal(ks[6], (DAYS, D // 4), dtype=jnp.float32) * 0.02
    W1 = jax.random.normal(ks[7], (2, D // 2), dtype=jnp.float32) * (1.0 / np.sqrt(2))
    b1 = jnp.zeros((D // 2,), dtype=jnp.float32)
    W2 = jax.random.normal(ks[8], (D // 2, D // 2), dtype=jnp.float32) * (1.0 / np.sqrt(D // 2))
    b2 = jnp.zeros((D // 2,), dtype=jnp.float32)
    Wp = jax.random.normal(ks[9], (2 * D, D), dtype=jnp.float32) * (1.0 / np.sqrt(2 * D))
    bp = jnp.zeros((D,), dtype=jnp.float32)
    gamma = jnp.ones((D,), dtype=jnp.float32)
    beta = jnp.zeros((D,), dtype=jnp.float32)
    return {"poi_ids": poi_ids, "coordinates": coordinates, "time_slots": time_slots, "days": days,
            "poi_table": poi_table, "time_table": time_table, "day_table": day_table,
            "W1": W1, "b1": b1, "W2": W2, "b2": b2, "Wp": Wp, "bp": bp, "gamma": gamma, "beta": beta}

def _layer_norm(x, gamma, beta, eps=1e-5):
    mu = jnp.mean(x, axis=-1, keepdims=True)
    var = jnp.mean((x - mu) ** 2, axis=-1, keepdims=True)
    return (x - mu) / jnp.sqrt(var + eps) * gamma + beta

def reference(poi_ids, coordinates, time_slots, days, poi_table, time_table, day_table,
              W1, b1, W2, b2, Wp, bp, gamma, beta):
    poi_emb = jnp.take(poi_table, poi_ids, axis=0)
    time_emb = jnp.take(time_table, time_slots, axis=0)
    day_emb = jnp.take(day_table, days, axis=0)
    h = jax.nn.relu(coordinates @ W1 + b1)
    spatial_emb = h @ W2 + b2
    combined = jnp.concatenate([poi_emb, spatial_emb, time_emb, day_emb], axis=-1)
    out = combined @ Wp + bp
    out = _layer_norm(out, gamma, beta)
    # dropout p=0.0 -> identity
    return out

if __name__ == "__main__":
    import jax
    _d = setup_inputs()
    print(jax.jit(kernel)(*tuple(_d.values())))

</pallas_src>

<mosaic_0001>
#map = affine_map<(d0, d1) -> (0, 0)>
#map1 = affine_map<(d0, d1) -> (0)>
module attributes {stable_mosaic.version = 14 : i64} {
  func.func @k(%arg0: i32, %arg1: i32, %arg2: memref<100000x128xf32, #tpu.memory_space<hbm>>, %arg3: memref<51200xi32, #tpu.memory_space<hbm>>, %arg4: memref<51200x128xf32, #tpu.memory_space<hbm>>, %arg5: memref<1600xi32, #tpu.memory_space<vmem>>, %arg6: memref<320x128xf32, #tpu.memory_space<vmem>>, %arg7: memref<320x128xf32, #tpu.memory_space<vmem>>, %arg8: memref<!tpu.dma_semaphore, #tpu.memory_space<semaphore_mem>>, %arg9: memref<!tpu.dma_semaphore, #tpu.memory_space<semaphore_mem>>) attributes {dimension_semantics = [#tpu.dimension_semantics<core_parallel>, #tpu.dimension_semantics<subcore_parallel>], iteration_bounds = array<i64: 2, 16>, scalar_prefetch = 0 : i64, scratch_operands = 5 : i64, tpu.core_type = #tpu.core_type<sc_vector_subcore>, window_params = [{transform_indices = #map}, {transform_indices = #map1}, {transform_indices = #map}]} {
    %mul3A = arith.constant 2 : i32
    %mul3A_0 = arith.muli %arg1, %mul3A : i32
    %add3A = arith.addi %mul3A_0, %arg0 : i32
    %mul3A_1 = arith.constant 1600 : i32
    %mul3A_2 = arith.muli %add3A, %mul3A_1 : i32
    "tpu.region"() ({
      %run_scoped3A = tpu.sem_alloc : memref<!tpu.dma_semaphore, #tpu.memory_space<semaphore_mem>>
      %dma_start3A_20 = tpu.memref_slice %arg3[%mul3A_2] : memref<51200xi32, #tpu.memory_space<hbm>> -> memref<1600xi32, #tpu.memory_space<hbm>>
      %dma_start3A_21 = tpu.memref_slice %arg3[%mul3A_2] : memref<51200xi32, #tpu.memory_space<hbm>> -> memref<1600xi32, #tpu.memory_space<hbm>>
      tpu.enqueue_dma source(%dma_start3A_21 : memref<1600xi32, #tpu.memory_space<hbm>>) target(%arg5 : memref<1600xi32, #tpu.memory_space<vmem>>) target_semaphore(%run_scoped3A : memref<!tpu.dma_semaphore, #tpu.memory_space<semaphore_mem>>)
      %dma_wait3A_22 = tpu.memref_slice %arg3[%mul3A_2] : memref<51200xi32, #tpu.memory_space<hbm>> -> memref<1600xi32, #tpu.memory_space<hbm>>
      %dma_wait3A_23 = tpu.memref_slice %arg3[%mul3A_2] : memref<51200xi32, #tpu.memory_space<hbm>> -> memref<1600xi32, #tpu.memory_space<hbm>>
      tpu.wait_dma2 semaphore(%run_scoped3A : memref<!tpu.dma_semaphore, #tpu.memory_space<semaphore_mem>>) src(%dma_wait3A_23 : memref<1600xi32, #tpu.memory_space<hbm>>) dst(%arg5 : memref<1600xi32, #tpu.memory_space<vmem>>)
      tpu.yield
    }) : () -> ()
    %multiple_of3A = arith.constant 0 : i32
    %multiple_of3A_3 = tpu.assume_multiple %multiple_of3A, 320 : i32
    %dma_start3A = tpu.memref_slice %arg5[%multiple_of3A_3] : memref<1600xi32, #tpu.memory_space<vmem>> -> memref<320xi32, #tpu.memory_space<vmem>>
    %dma_start3A_4 = arith.constant 0 : i32
    %dma_start3A_5 = arith.constant 0 : i32
    %dma_start3A_6 = tpu.memref_slice %arg2[%dma_start3A_4, %dma_start3A_5] : memref<100000x128xf32, #tpu.memory_space<hbm>> -> memref<100000x128xf32, #tpu.memory_space<hbm>>
    tpu.enqueue_indirect_dma source(%dma_start3A_6 : memref<100000x128xf32, #tpu.memory_space<hbm>>) target(%arg6 : memref<320x128xf32, #tpu.memory_space<vmem>>) offsets(%dma_start3A : memref<320xi32, #tpu.memory_space<vmem>>) semaphore(%arg8 : memref<!tpu.dma_semaphore, #tpu.memory_space<semaphore_mem>>)
    %scan3A = arith.constant 0 : i32
    %scan3A_7 = arith.constant 0 : i32
    %scan3A_8 = arith.constant 2 : i32
    %scan3A_9 = arith.addi %scan3A_7, %scan3A_8 : i32
    %scan3A_10 = arith.constant 1 : i32
    scf.for %scan3A_20 = %scan3A_7 to %scan3A_9 step %scan3A_10  : i32 {
      %mul3A_21 = arith.constant 2 : i32
      %mul3A_22 = arith.muli %scan3A_20, %mul3A_21 : i32
      %add3A_23 = arith.constant 1 : i32
      %add3A_24 = arith.addi %mul3A_22, %add3A_23 : i32
      %mul3A_25 = arith.constant 320 : i32
      %mul3A_26 = arith.muli %add3A_24, %mul3A_25 : i32
      %multiple_of3A_27 = tpu.assume_multiple %mul3A_26, 320 : i32
      %dma_start3A_28 = tpu.memref_slice %arg5[%multiple_of3A_27] : memref<1600xi32, #tpu.memory_space<vmem>> -> memref<320xi32, #tpu.memory_space<vmem>>
      %dma_start3A_29 = arith.constant 0 : i32
      %dma_start3A_30 = arith.constant 0 : i32
      %dma_start3A_31 = tpu.memref_slice %arg2[%dma_start3A_29, %dma_start3A_30] : memref<100000x128xf32, #tpu.memory_space<hbm>> -> memref<100000x128xf32, #tpu.memory_space<hbm>>
      tpu.enqueue_indirect_dma source(%dma_start3A_31 : memref<100000x128xf32, #tpu.memory_space<hbm>>) target(%arg7 : memref<320x128xf32, #tpu.memory_space<vmem>>) offsets(%dma_start3A_28 : memref<320xi32, #tpu.memory_space<vmem>>) semaphore(%arg9 : memref<!tpu.dma_semaphore, #tpu.memory_space<semaphore_mem>>)
      %mul3A_32 = arith.constant 320 : i32
      %mul3A_33 = arith.muli %mul3A_22, %mul3A_32 : i32
      %multiple_of3A_34 = tpu.assume_multiple %mul3A_33, 320 : i32
      %dma_wait3A_35 = tpu.memref_slice %arg5[%multiple_of3A_34] : memref<1600xi32, #tpu.memory_space<vmem>> -> memref<320xi32, #tpu.memory_space<vmem>>
      %dma_wait3A_36 = arith.constant 0 : i32
      %dma_wait3A_37 = arith.constant 0 : i32
      %dma_wait3A_38 = tpu.memref_slice %arg2[%dma_wait3A_36, %dma_wait3A_37] : memref<100000x128xf32, #tpu.memory_space<hbm>> -> memref<100000x128xf32, #tpu.memory_space<hbm>>
      tpu.wait_indirect_dma semaphore(%arg8 : memref<!tpu.dma_semaphore, #tpu.memory_space<semaphore_mem>>) src(%dma_wait3A_38 : memref<100000x128xf32, #tpu.memory_space<hbm>>) dst(%arg6 : memref<320x128xf32, #tpu.memory_space<vmem>>)
      %mul3A_39 = arith.constant 320 : i32
      %mul3A_40 = arith.muli %mul3A_22, %mul3A_39 : i32
      %multiple_of3A_41 = tpu.assume_multiple %mul3A_40, 320 : i32
      %add3A_42 = arith.addi %mul3A_2, %multiple_of3A_41 : i32
      "tpu.region"() ({
        %run_scoped3A = tpu.sem_alloc : memref<!tpu.dma_semaphore, #tpu.memory_space<semaphore_mem>>
        %dma_start3A_62 = arith.constant 0 : i32
        %dma_start3A_63 = tpu.memref_slice %arg4[%add3A_42, %dma_start3A_62] : memref<51200x128xf32, #tpu.memory_space<hbm>> -> memref<320x128xf32, #tpu.memory_space<hbm>>
        %dma_start3A_64 = arith.constant 0 : i32
        %dma_start3A_65 = tpu.memref_slice %arg4[%add3A_42, %dma_start3A_64] : memref<51200x128xf32, #tpu.memory_space<hbm>> -> memref<320x128xf32, #tpu.memory_space<hbm>>
        tpu.enqueue_dma source(%arg6 : memref<320x128xf32, #tpu.memory_space<vmem>>) target(%dma_start3A_65 : memref<320x128xf32, #tpu.memory_space<hbm>>) target_semaphore(%run_scoped3A : memref<!tpu.dma_semaphore, #tpu.memory_space<semaphore_mem>>)
        %dma_wait3A_66 = arith.constant 0 : i32
        %dma_wait3A_67 = tpu.memref_slice %arg4[%add3A_42, %dma_wait3A_66] : memref<51200x128xf32, #tpu.memory_space<hbm>> -> memref<320x128xf32, #tpu.memory_space<hbm>>
        %dma_wait3A_68 = arith.constant 0 : i32
        %dma_wait3A_69 = tpu.memref_slice %arg4[%add3A_42, %dma_wait3A_68] : memref<51200x128xf32, #tpu.memory_space<hbm>> -> memref<320x128xf32, #tpu.memory_space<hbm>>
        tpu.wait_dma2 semaphore(%run_scoped3A : memref<!tpu.dma_semaphore, #tpu.memory_space<semaphore_mem>>) src(%arg6 : memref<320x128xf32, #tpu.memory_space<vmem>>) dst(%dma_wait3A_69 : memref<320x128xf32, #tpu.memory_space<hbm>>)
        tpu.yield
      }) : () -> ()
      %add3A_43 = arith.constant 2 : i32
      %add3A_44 = arith.addi %mul3A_22, %add3A_43 : i32
      %lt3A = arith.constant 5 : i32
      %lt3A_45 = arith.cmpi slt, %add3A_44, %lt3A : i32
      %convert_element_type3A = arith.extui %lt3A_45 : i1 to i32
      %cond3A = arith.constant 0 : i32
      %cond3A_46 = arith.cmpi ne, %convert_element_type3A, %cond3A : i32
      scf.if %cond3A_46 {
        %add3A_62 = arith.constant 2 : i32
        %add3A_63 = arith.addi %mul3A_22, %add3A_62 : i32
        %mul3A_64 = arith.constant 320 : i32
        %mul3A_65 = arith.muli %add3A_63, %mul3A_64 : i32
        %multiple_of3A_66 = tpu.assume_multiple %mul3A_65, 320 : i32
        %dma_start3A_67 = tpu.memref_slice %arg5[%multiple_of3A_66] : memref<1600xi32, #tpu.memory_space<vmem>> -> memref<320xi32, #tpu.memory_space<vmem>>
        %dma_start3A_68 = arith.constant 0 : i32
        %dma_start3A_69 = arith.constant 0 : i32
        %dma_start3A_70 = tpu.memref_slice %arg2[%dma_start3A_68, %dma_start3A_69] : memref<100000x128xf32, #tpu.memory_space<hbm>> -> memref<100000x128xf32, #tpu.memory_space<hbm>>
        tpu.enqueue_indirect_dma source(%dma_start3A_70 : memref<100000x128xf32, #tpu.memory_space<hbm>>) target(%arg6 : memref<320x128xf32, #tpu.memory_space<vmem>>) offsets(%dma_start3A_67 : memref<320xi32, #tpu.memory_space<vmem>>) semaphore(%arg8 : memref<!tpu.dma_semaphore, #tpu.memory_space<semaphore_mem>>)
      } else {
      }
      %add3A_47 = arith.constant 1 : i32
      %add3A_48 = arith.addi %mul3A_22, %add3A_47 : i32
      %mul3A_49 = arith.constant 320 : i32
      %mul3A_50 = arith.muli %add3A_48, %mul3A_49 : i32
      %multiple_of3A_51 = tpu.assume_multiple %mul3A_50, 320 : i32
      %dma_wait3A_52 = tpu.memref_slice %arg5[%multiple_of3A_51] : memref<1600xi32, #tpu.memory_space<vmem>> -> memref<320xi32, #tpu.memory_space<vmem>>
      %dma_wait3A_53 = arith.constant 0 : i32
      %dma_wait3A_54 = arith.constant 0 : i32
      %dma_wait3A_55 = tpu.memref_slice %arg2[%dma_wait3A_53, %dma_wait3A_54] : memref<100000x128xf32, #tpu.memory_space<hbm>> -> memref<100000x128xf32, #tpu.memory_space<hbm>>
      tpu.wait_indirect_dma semaphore(%arg9 : memref<!tpu.dma_semaphore, #tpu.memory_space<semaphore_mem>>) src(%dma_wait3A_55 : memref<100000x128xf32, #tpu.memory_space<hbm>>) dst(%arg7 : memref<320x128xf32, #tpu.memory_space<vmem>>)
      %add3A_56 = arith.constant 1 : i32
      %add3A_57 = arith.addi %mul3A_22, %add3A_56 : i32
      %mul3A_58 = arith.constant 320 : i32
      %mul3A_59 = arith.muli %add3A_57, %mul3A_58 : i32
      %multiple_of3A_60 = tpu.assume_multiple %mul3A_59, 320 : i32
      %add3A_61 = arith.addi %mul3A_2, %multiple_of3A_60 : i32
      "tpu.region"() ({
        %run_scoped3A = tpu.sem_alloc : memref<!tpu.dma_semaphore, #tpu.memory_space<semaphore_mem>>
        %dma_start3A_62 = arith.constant 0 : i32
        %dma_start3A_63 = tpu.memref_slice %arg4[%add3A_61, %dma_start3A_62] : memref<51200x128xf32, #tpu.memory_space<hbm>> -> memref<320x128xf32, #tpu.memory_space<hbm>>
        %dma_start3A_64 = arith.constant 0 : i32
        %dma_start3A_65 = tpu.memref_slice %arg4[%add3A_61, %dma_start3A_64] : memref<51200x128xf32, #tpu.memory_space<hbm>> -> memref<320x128xf32, #tpu.memory_space<hbm>>
        tpu.enqueue_dma source(%arg7 : memref<320x128xf32, #tpu.memory_space<vmem>>) target(%dma_start3A_65 : memref<320x128xf32, #tpu.memory_space<hbm>>) target_semaphore(%run_scoped3A : memref<!tpu.dma_semaphore, #tpu.memory_space<semaphore_mem>>)
        %dma_wait3A_66 = arith.constant 0 : i32
        %dma_wait3A_67 = tpu.memref_slice %arg4[%add3A_61, %dma_wait3A_66] : memref<51200x128xf32, #tpu.memory_space<hbm>> -> memref<320x128xf32, #tpu.memory_space<hbm>>
        %dma_wait3A_68 = arith.constant 0 : i32
        %dma_wait3A_69 = tpu.memref_slice %arg4[%add3A_61, %dma_wait3A_68] : memref<51200x128xf32, #tpu.memory_space<hbm>> -> memref<320x128xf32, #tpu.memory_space<hbm>>
        tpu.wait_dma2 semaphore(%run_scoped3A : memref<!tpu.dma_semaphore, #tpu.memory_space<semaphore_mem>>) src(%arg7 : memref<320x128xf32, #tpu.memory_space<vmem>>) dst(%dma_wait3A_69 : memref<320x128xf32, #tpu.memory_space<hbm>>)
        tpu.yield
      }) : () -> ()
    }
    %scan3A_11 = arith.constant 2 : i32
    %multiple_of3A_12 = arith.constant 1280 : i32
    %multiple_of3A_13 = tpu.assume_multiple %multiple_of3A_12, 320 : i32
    %dma_wait3A = tpu.memref_slice %arg5[%multiple_of3A_13] : memref<1600xi32, #tpu.memory_space<vmem>> -> memref<320xi32, #tpu.memory_space<vmem>>
    %dma_wait3A_14 = arith.constant 0 : i32
    %dma_wait3A_15 = arith.constant 0 : i32
    %dma_wait3A_16 = tpu.memref_slice %arg2[%dma_wait3A_14, %dma_wait3A_15] : memref<100000x128xf32, #tpu.memory_space<hbm>> -> memref<100000x128xf32, #tpu.memory_space<hbm>>
    tpu.wait_indirect_dma semaphore(%arg8 : memref<!tpu.dma_semaphore, #tpu.memory_space<semaphore_mem>>) src(%dma_wait3A_16 : memref<100000x128xf32, #tpu.memory_space<hbm>>) dst(%arg6 : memref<320x128xf32, #tpu.memory_space<vmem>>)
    %multiple_of3A_17 = arith.constant 1280 : i32
    %multiple_of3A_18 = tpu.assume_multiple %multiple_of3A_17, 320 : i32
    %add3A_19 = arith.addi %mul3A_2, %multiple_of3A_18 : i32
    "tpu.region"() ({
      %run_scoped3A = tpu.sem_alloc : memref<!tpu.dma_semaphore, #tpu.memory_space<semaphore_mem>>
      %dma_start3A_20 = arith.constant 0 : i32
      %dma_start3A_21 = tpu.memref_slice %arg4[%add3A_19, %dma_start3A_20] : memref<51200x128xf32, #tpu.memory_space<hbm>> -> memref<320x128xf32, #tpu.memory_space<hbm>>
      %dma_start3A_22 = arith.constant 0 : i32
      %dma_start3A_23 = tpu.memref_slice %arg4[%add3A_19, %dma_start3A_22] : memref<51200x128xf32, #tpu.memory_space<hbm>> -> memref<320x128xf32, #tpu.memory_space<hbm>>
      tpu.enqueue_dma source(%arg6 : memref<320x128xf32, #tpu.memory_space<vmem>>) target(%dma_start3A_23 : memref<320x128xf32, #tpu.memory_space<hbm>>) target_semaphore(%run_scoped3A : memref<!tpu.dma_semaphore, #tpu.memory_space<semaphore_mem>>)
      %dma_wait3A_24 = arith.constant 0 : i32
      %dma_wait3A_25 = tpu.memref_slice %arg4[%add3A_19, %dma_wait3A_24] : memref<51200x128xf32, #tpu.memory_space<hbm>> -> memref<320x128xf32, #tpu.memory_space<hbm>>
      %dma_wait3A_26 = arith.constant 0 : i32
      %dma_wait3A_27 = tpu.memref_slice %arg4[%add3A_19, %dma_wait3A_26] : memref<51200x128xf32, #tpu.memory_space<hbm>> -> memref<320x128xf32, #tpu.memory_space<hbm>>
      tpu.wait_dma2 semaphore(%run_scoped3A : memref<!tpu.dma_semaphore, #tpu.memory_space<semaphore_mem>>) src(%arg6 : memref<320x128xf32, #tpu.memory_space<vmem>>) dst(%dma_wait3A_27 : memref<320x128xf32, #tpu.memory_space<hbm>>)
      tpu.yield
    }) : () -> ()
    return
  }
}

#map = affine_map<(d0, d1) -> (0, 0)>
#map1 = affine_map<(d0, d1) -> (0)>
module attributes {stable_mosaic.version = 14 : i64} {
  func.func @k(%arg0: i32, %arg1: i32, %arg2: memref<100000x128xf32, #tpu.memory_space<hbm>>, %arg3: memref<51200xi32, #tpu.memory_space<hbm>>, %arg4: memref<51200x128xf32, #tpu.memory_space<hbm>>, %arg5: memref<1600xi32, #tpu.memory_space<vmem>>, %arg6: memref<320x128xf32, #tpu.memory_space<vmem>>, %arg7: memref<320x128xf32, #tpu.memory_space<vmem>>, %arg8: memref<!tpu.dma_semaphore, #tpu.memory_space<semaphore_mem>>, %arg9: memref<!tpu.dma_semaphore, #tpu.memory_space<semaphore_mem>>) attributes {dimension_semantics = [#tpu.dimension_semantics<core_parallel>, #tpu.dimension_semantics<subcore_parallel>], iteration_bounds = array<i64: 2, 16>, scalar_prefetch = 0 : i64, scratch_operands = 5 : i64, tpu.core_type = #tpu.core_type<sc_vector_subcore>, window_params = [{transform_indices = #map}, {transform_indices = #map1}, {transform_indices = #map}]} {
    %mul3A = arith.constant 2 : i32
    %mul3A_0 = arith.muli %arg1, %mul3A : i32
    %add3A = arith.addi %mul3A_0, %arg0 : i32
    %mul3A_1 = arith.constant 1600 : i32
    %mul3A_2 = arith.muli %add3A, %mul3A_1 : i32
    "tpu.region"() ({
      %run_scoped3A = tpu.sem_alloc : memref<!tpu.dma_semaphore, #tpu.memory_space<semaphore_mem>>
      %dma_start3A_20 = tpu.memref_slice %arg3[%mul3A_2] : memref<51200xi32, #tpu.memory_space<hbm>> -> memref<1600xi32, #tpu.memory_space<hbm>>
      %dma_start3A_21 = tpu.memref_slice %arg3[%mul3A_2] : memref<51200xi32, #tpu.memory_space<hbm>> -> memref<1600xi32, #tpu.memory_space<hbm>>
      tpu.enqueue_dma source(%dma_start3A_21 : memref<1600xi32, #tpu.memory_space<hbm>>) target(%arg5 : memref<1600xi32, #tpu.memory_space<vmem>>) target_semaphore(%run_scoped3A : memref<!tpu.dma_semaphore, #tpu.memory_space<semaphore_mem>>)
      %dma_wait3A_22 = tpu.memref_slice %arg3[%mul3A_2] : memref<51200xi32, #tpu.memory_space<hbm>> -> memref<1600xi32, #tpu.memory_space<hbm>>
      %dma_wait3A_23 = tpu.memref_slice %arg3[%mul3A_2] : memref<51200xi32, #tpu.memory_space<hbm>> -> memref<1600xi32, #tpu.memory_space<hbm>>
      tpu.wait_dma2 semaphore(%run_scoped3A : memref<!tpu.dma_semaphore, #tpu.memory_space<semaphore_mem>>) src(%dma_wait3A_23 : memref<1600xi32, #tpu.memory_space<hbm>>) dst(%arg5 : memref<1600xi32, #tpu.memory_space<vmem>>)
      tpu.yield
    }) : () -> ()
    %multiple_of3A = arith.constant 0 : i32
    %multiple_of3A_3 = tpu.assume_multiple %multiple_of3A, 320 : i32
    %dma_start3A = tpu.memref_slice %arg5[%multiple_of3A_3] : memref<1600xi32, #tpu.memory_space<vmem>> -> memref<320xi32, #tpu.memory_space<vmem>>
    %dma_start3A_4 = arith.constant 0 : i32
    %dma_start3A_5 = arith.constant 0 : i32
    %dma_start3A_6 = tpu.memref_slice %arg2[%dma_start3A_4, %dma_start3A_5] : memref<100000x128xf32, #tpu.memory_space<hbm>> -> memref<100000x128xf32, #tpu.memory_space<hbm>>
    tpu.enqueue_indirect_dma source(%dma_start3A_6 : memref<100000x128xf32, #tpu.memory_space<hbm>>) target(%arg6 : memref<320x128xf32, #tpu.memory_space<vmem>>) offsets(%dma_start3A : memref<320xi32, #tpu.memory_space<vmem>>) semaphore(%arg8 : memref<!tpu.dma_semaphore, #tpu.memory_space<semaphore_mem>>)
    %scan3A = arith.constant 0 : i32
    %scan3A_7 = arith.constant 0 : i32
    %scan3A_8 = arith.constant 2 : i32
    %scan3A_9 = arith.addi %scan3A_7, %scan3A_8 : i32
    %scan3A_10 = arith.constant 1 : i32
    scf.for %scan3A_20 = %scan3A_7 to %scan3A_9 step %scan3A_10  : i32 {
      %mul3A_21 = arith.constant 2 : i32
      %mul3A_22 = arith.muli %scan3A_20, %mul3A_21 : i32
      %add3A_23 = arith.constant 1 : i32
      %add3A_24 = arith.addi %mul3A_22, %add3A_23 : i32
      %mul3A_25 = arith.constant 320 : i32
      %mul3A_26 = arith.muli %add3A_24, %mul3A_25 : i32
      %multiple_of3A_27 = tpu.assume_multiple %mul3A_26, 320 : i32
      %dma_start3A_28 = tpu.memref_slice %arg5[%multiple_of3A_27] : memref<1600xi32, #tpu.memory_space<vmem>> -> memref<320xi32, #tpu.memory_space<vmem>>
      %dma_start3A_29 = arith.constant 0 : i32
      %dma_start3A_30 = arith.constant 0 : i32
      %dma_start3A_31 = tpu.memref_slice %arg2[%dma_start3A_29, %dma_start3A_30] : memref<100000x128xf32, #tpu.memory_space<hbm>> -> memref<100000x128xf32, #tpu.memory_space<hbm>>
      tpu.enqueue_indirect_dma source(%dma_start3A_31 : memref<100000x128xf32, #tpu.memory_space<hbm>>) target(%arg7 : memref<320x128xf32, #tpu.memory_space<vmem>>) offsets(%dma_start3A_28 : memref<320xi32, #tpu.memory_space<vmem>>) semaphore(%arg9 : memref<!tpu.dma_semaphore, #tpu.memory_space<semaphore_mem>>)
      %mul3A_32 = arith.constant 320 : i32
      %mul3A_33 = arith.muli %mul3A_22, %mul3A_32 : i32
      %multiple_of3A_34 = tpu.assume_multiple %mul3A_33, 320 : i32
      %dma_wait3A_35 = tpu.memref_slice %arg5[%multiple_of3A_34] : memref<1600xi32, #tpu.memory_space<vmem>> -> memref<320xi32, #tpu.memory_space<vmem>>
      %dma_wait3A_36 = arith.constant 0 : i32
      %dma_wait3A_37 = arith.constant 0 : i32
      %dma_wait3A_38 = tpu.memref_slice %arg2[%dma_wait3A_36, %dma_wait3A_37] : memref<100000x128xf32, #tpu.memory_space<hbm>> -> memref<100000x128xf32, #tpu.memory_space<hbm>>
      tpu.wait_indirect_dma semaphore(%arg8 : memref<!tpu.dma_semaphore, #tpu.memory_space<semaphore_mem>>) src(%dma_wait3A_38 : memref<100000x128xf32, #tpu.memory_space<hbm>>) dst(%arg6 : memref<320x128xf32, #tpu.memory_space<vmem>>)
      %mul3A_39 = arith.constant 320 : i32
      %mul3A_40 = arith.muli %mul3A_22, %mul3A_39 : i32
      %multiple_of3A_41 = tpu.assume_multiple %mul3A_40, 320 : i32
      %add3A_42 = arith.addi %mul3A_2, %multiple_of3A_41 : i32
      "tpu.region"() ({
        %run_scoped3A = tpu.sem_alloc : memref<!tpu.dma_semaphore, #tpu.memory_space<semaphore_mem>>
        %dma_start3A_62 = arith.constant 0 : i32
        %dma_start3A_63 = tpu.memref_slice %arg4[%add3A_42, %dma_start3A_62] : memref<51200x128xf32, #tpu.memory_space<hbm>> -> memref<320x128xf32, #tpu.memory_space<hbm>>
        %dma_start3A_64 = arith.constant 0 : i32
        %dma_start3A_65 = tpu.memref_slice %arg4[%add3A_42, %dma_start3A_64] : memref<51200x128xf32, #tpu.memory_space<hbm>> -> memref<320x128xf32, #tpu.memory_space<hbm>>
        tpu.enqueue_dma source(%arg6 : memref<320x128xf32, #tpu.memory_space<vmem>>) target(%dma_start3A_65 : memref<320x128xf32, #tpu.memory_space<hbm>>) target_semaphore(%run_scoped3A : memref<!tpu.dma_semaphore, #tpu.memory_space<semaphore_mem>>)
        %dma_wait3A_66 = arith.constant 0 : i32
        %dma_wait3A_67 = tpu.memref_slice %arg4[%add3A_42, %dma_wait3A_66] : memref<51200x128xf32, #tpu.memory_space<hbm>> -> memref<320x128xf32, #tpu.memory_space<hbm>>
        %dma_wait3A_68 = arith.constant 0 : i32
        %dma_wait3A_69 = tpu.memref_slice %arg4[%add3A_42, %dma_wait3A_68] : memref<51200x128xf32, #tpu.memory_space<hbm>> -> memref<320x128xf32, #tpu.memory_space<hbm>>
        tpu.wait_dma2 semaphore(%run_scoped3A : memref<!tpu.dma_semaphore, #tpu.memory_space<semaphore_mem>>) src(%arg6 : memref<320x128xf32, #tpu.memory_space<vmem>>) dst(%dma_wait3A_69 : memref<320x128xf32, #tpu.memory_space<hbm>>)
        tpu.yield
      }) : () -> ()
      %add3A_43 = arith.constant 2 : i32
      %add3A_44 = arith.addi %mul3A_22, %add3A_43 : i32
      %lt3A = arith.constant 5 : i32
      %lt3A_45 = arith.cmpi slt, %add3A_44, %lt3A : i32
      %convert_element_type3A = arith.extui %lt3A_45 : i1 to i32
      %cond3A = arith.constant 0 : i32
      %cond3A_46 = arith.cmpi ne, %convert_element_type3A, %cond3A : i32
      scf.if %cond3A_46 {
        %add3A_62 = arith.constant 2 : i32
        %add3A_63 = arith.addi %mul3A_22, %add3A_62 : i32
        %mul3A_64 = arith.constant 320 : i32
        %mul3A_65 = arith.muli %add3A_63, %mul3A_64 : i32
        %multiple_of3A_66 = tpu.assume_multiple %mul3A_65, 320 : i32
        %dma_start3A_67 = tpu.memref_slice %arg5[%multiple_of3A_66] : memref<1600xi32, #tpu.memory_space<vmem>> -> memref<320xi32, #tpu.memory_space<vmem>>
        %dma_start3A_68 = arith.constant 0 : i32
        %dma_start3A_69 = arith.constant 0 : i32
        %dma_start3A_70 = tpu.memref_slice %arg2[%dma_start3A_68, %dma_start3A_69] : memref<100000x128xf32, #tpu.memory_space<hbm>> -> memref<100000x128xf32, #tpu.memory_space<hbm>>
        tpu.enqueue_indirect_dma source(%dma_start3A_70 : memref<100000x128xf32, #tpu.memory_space<hbm>>) target(%arg6 : memref<320x128xf32, #tpu.memory_space<vmem>>) offsets(%dma_start3A_67 : memref<320xi32, #tpu.memory_space<vmem>>) semaphore(%arg8 : memref<!tpu.dma_semaphore, #tpu.memory_space<semaphore_mem>>)
      } else {
      }
      %add3A_47 = arith.constant 1 : i32
      %add3A_48 = arith.addi %mul3A_22, %add3A_47 : i32
      %mul3A_49 = arith.constant 320 : i32
      %mul3A_50 = arith.muli %add3A_48, %mul3A_49 : i32
      %multiple_of3A_51 = tpu.assume_multiple %mul3A_50, 320 : i32
      %dma_wait3A_52 = tpu.memref_slice %arg5[%multiple_of3A_51] : memref<1600xi32, #tpu.memory_space<vmem>> -> memref<320xi32, #tpu.memory_space<vmem>>
      %dma_wait3A_53 = arith.constant 0 : i32
      %dma_wait3A_54 = arith.constant 0 : i32
      %dma_wait3A_55 = tpu.memref_slice %arg2[%dma_wait3A_53, %dma_wait3A_54] : memref<100000x128xf32, #tpu.memory_space<hbm>> -> memref<100000x128xf32, #tpu.memory_space<hbm>>
      tpu.wait_indirect_dma semaphore(%arg9 : memref<!tpu.dma_semaphore, #tpu.memory_space<semaphore_mem>>) src(%dma_wait3A_55 : memref<100000x128xf32, #tpu.memory_space<hbm>>) dst(%arg7 : memref<320x128xf32, #tpu.memory_space<vmem>>)
      %add3A_56 = arith.constant 1 : i32
      %add3A_57 = arith.addi %mul3A_22, %add3A_56 : i32
      %mul3A_58 = arith.constant 320 : i32
      %mul3A_59 = arith.muli %add3A_57, %mul3A_58 : i32
      %multiple_of3A_60 = tpu.assume_multiple %mul3A_59, 320 : i32
      %add3A_61 = arith.addi %mul3A_2, %multiple_of3A_60 : i32
      "tpu.region"() ({
        %run_scoped3A = tpu.sem_alloc : memref<!tpu.dma_semaphore, #tpu.memory_space<semaphore_mem>>
        %dma_start3A_62 = arith.constant 0 : i32
        %dma_start3A_63 = tpu.memref_slice %arg4[%add3A_61, %dma_start3A_62] : memref<51200x128xf32, #tpu.memory_space<hbm>> -> memref<320x128xf32, #tpu.memory_space<hbm>>
        %dma_start3A_64 = arith.constant 0 : i32
        %dma_start3A_65 = tpu.memref_slice %arg4[%add3A_61, %dma_start3A_64] : memref<51200x128xf32, #tpu.memory_space<hbm>> -> memref<320x128xf32, #tpu.memory_space<hbm>>
        tpu.enqueue_dma source(%arg7 : memref<320x128xf32, #tpu.memory_space<vmem>>) target(%dma_start3A_65 : memref<320x128xf32, #tpu.memory_space<hbm>>) target_semaphore(%run_scoped3A : memref<!tpu.dma_semaphore, #tpu.memory_space<semaphore_mem>>)
        %dma_wait3A_66 = arith.constant 0 : i32
        %dma_wait3A_67 = tpu.memref_slice %arg4[%add3A_61, %dma_wait3A_66] : memref<51200x128xf32, #tpu.memory_space<hbm>> -> memref<320x128xf32, #tpu.memory_space<hbm>>
        %dma_wait3A_68 = arith.constant 0 : i32
        %dma_wait3A_69 = tpu.memref_slice %arg4[%add3A_61, %dma_wait3A_68] : memref<51200x128xf32, #tpu.memory_space<hbm>> -> memref<320x128xf32, #tpu.memory_space<hbm>>
        tpu.wait_dma2 semaphore(%run_scoped3A : memref<!tpu.dma_semaphore, #tpu.memory_space<semaphore_mem>>) src(%arg7 : memref<320x128xf32, #tpu.memory_space<vmem>>) dst(%dma_wait3A_69 : memref<320x128xf32, #tpu.memory_space<hbm>>)
        tpu.yield
      }) : () -> ()
    }
    %scan3A_11 = arith.constant 2 : i32
    %multiple_of3A_12 = arith.constant 1280 : i32
    %multiple_of3A_13 = tpu.assume_multiple %multiple_of3A_12, 320 : i32
    %dma_wait3A = tpu.memref_slice %arg5[%multiple_of3A_13] : memref<1600xi32, #tpu.memory_space<vmem>> -> memref<320xi32, #tpu.memory_space<vmem>>
    %dma_wait3A_14 = arith.constant 0 : i32
    %dma_wait3A_15 = arith.constant 0 : i32
    %dma_wait3A_16 = tpu.memref_slice %arg2[%dma_wait3A_14, %dma_wait3A_15] : memref<100000x128xf32, #tpu.memory_space<hbm>> -> memref<100000x128xf32, #tpu.memory_space<hbm>>
    tpu.wait_indirect_dma semaphore(%arg8 : memref<!tpu.dma_semaphore, #tpu.memory_space<semaphore_mem>>) src(%dma_wait3A_16 : memref<100000x128xf32, #tpu.memory_space<hbm>>) dst(%arg6 : memref<320x128xf32, #tpu.memory_space<vmem>>)
    %multiple_of3A_17 = arith.constant 1280 : i32
    %multiple_of3A_18 = tpu.assume_multiple %multiple_of3A_17, 320 : i32
    %add3A_19 = arith.addi %mul3A_2, %multiple_of3A_18 : i32
    "tpu.region"() ({
      %run_scoped3A = tpu.sem_alloc : memref<!tpu.dma_semaphore, #tpu.memory_space<semaphore_mem>>
      %dma_start3A_20 = arith.constant 0 : i32
      %dma_start3A_21 = tpu.memref_slice %arg4[%add3A_19, %dma_start3A_20] : memref<51200x128xf32, #tpu.memory_space<hbm>> -> memref<320x128xf32, #tpu.memory_space<hbm>>
      %dma_start3A_22 = arith.constant 0 : i32
      %dma_start3A_23 = tpu.memref_slice %arg4[%add3A_19, %dma_start3A_22] : memref<51200x128xf32, #tpu.memory_space<hbm>> -> memref<320x128xf32, #tpu.memory_space<hbm>>
      tpu.enqueue_dma source(%arg6 : memref<320x128xf32, #tpu.memory_space<vmem>>) target(%dma_start3A_23 : memref<320x128xf32, #tpu.memory_space<hbm>>) target_semaphore(%run_scoped3A : memref<!tpu.dma_semaphore, #tpu.memory_space<semaphore_mem>>)
      %dma_wait3A_24 = arith.constant 0 : i32
      %dma_wait3A_25 = tpu.memref_slice %arg4[%add3A_19, %dma_wait3A_24] : memref<51200x128xf32, #tpu.memory_space<hbm>> -> memref<320x128xf32, #tpu.memory_space<hbm>>
      %dma_wait3A_26 = arith.constant 0 : i32
      %dma_wait3A_27 = tpu.memref_slice %arg4[%add3A_19, %dma_wait3A_26] : memref<51200x128xf32, #tpu.memory_space<hbm>> -> memref<320x128xf32, #tpu.memory_space<hbm>>
      tpu.wait_dma2 semaphore(%run_scoped3A : memref<!tpu.dma_semaphore, #tpu.memory_space<semaphore_mem>>) src(%arg6 : memref<320x128xf32, #tpu.memory_space<vmem>>) dst(%dma_wait3A_27 : memref<320x128xf32, #tpu.memory_space<hbm>>)
      tpu.yield
    }) : () -> ()
    return
  }
}

#map = affine_map<(d0, d1) -> (0, 0)>
#map1 = affine_map<(d0, d1) -> (0)>
module attributes {stable_mosaic.version = 14 : i64} {
  func.func @k(%arg0: i32, %arg1: i32, %arg2: memref<100000x128xf32, #tpu.memory_space<hbm>>, %arg3: memref<51200xi32, #tpu.memory_space<hbm>>, %arg4: memref<51200x128xf32, #tpu.memory_space<hbm>>, %arg5: memref<1600xi32, #tpu.memory_space<vmem>>, %arg6: memref<320x128xf32, #tpu.memory_space<vmem>>, %arg7: memref<320x128xf32, #tpu.memory_space<vmem>>, %arg8: memref<!tpu.dma_semaphore, #tpu.memory_space<semaphore_mem>>, %arg9: memref<!tpu.dma_semaphore, #tpu.memory_space<semaphore_mem>>) attributes {dimension_semantics = [#tpu.dimension_semantics<core_parallel>, #tpu.dimension_semantics<subcore_parallel>], iteration_bounds = array<i64: 2, 16>, scalar_prefetch = 0 : i64, scratch_operands = 5 : i64, tpu.core_type = #tpu.core_type<sc_vector_subcore>, window_params = [{transform_indices = #map}, {transform_indices = #map1}, {transform_indices = #map}]} {
    %mul3A = arith.constant 2 : i32
    %mul3A_0 = arith.muli %arg1, %mul3A : i32
    %add3A = arith.addi %mul3A_0, %arg0 : i32
    %mul3A_1 = arith.constant 1600 : i32
    %mul3A_2 = arith.muli %add3A, %mul3A_1 : i32
    "tpu.region"() ({
      %run_scoped3A = tpu.sem_alloc : memref<!tpu.dma_semaphore, #tpu.memory_space<semaphore_mem>>
      %dma_start3A_20 = tpu.memref_slice %arg3[%mul3A_2] : memref<51200xi32, #tpu.memory_space<hbm>> -> memref<1600xi32, #tpu.memory_space<hbm>>
      %dma_start3A_21 = tpu.memref_slice %arg3[%mul3A_2] : memref<51200xi32, #tpu.memory_space<hbm>> -> memref<1600xi32, #tpu.memory_space<hbm>>
      tpu.enqueue_dma source(%dma_start3A_21 : memref<1600xi32, #tpu.memory_space<hbm>>) target(%arg5 : memref<1600xi32, #tpu.memory_space<vmem>>) target_semaphore(%run_scoped3A : memref<!tpu.dma_semaphore, #tpu.memory_space<semaphore_mem>>)
      %dma_wait3A_22 = tpu.memref_slice %arg3[%mul3A_2] : memref<51200xi32, #tpu.memory_space<hbm>> -> memref<1600xi32, #tpu.memory_space<hbm>>
      %dma_wait3A_23 = tpu.memref_slice %arg3[%mul3A_2] : memref<51200xi32, #tpu.memory_space<hbm>> -> memref<1600xi32, #tpu.memory_space<hbm>>
      tpu.wait_dma2 semaphore(%run_scoped3A : memref<!tpu.dma_semaphore, #tpu.memory_space<semaphore_mem>>) src(%dma_wait3A_23 : memref<1600xi32, #tpu.memory_space<hbm>>) dst(%arg5 : memref<1600xi32, #tpu.memory_space<vmem>>)
      tpu.yield
    }) : () -> ()
    %multiple_of3A = arith.constant 0 : i32
    %multiple_of3A_3 = tpu.assume_multiple %multiple_of3A, 320 : i32
    %dma_start3A = tpu.memref_slice %arg5[%multiple_of3A_3] : memref<1600xi32, #tpu.memory_space<vmem>> -> memref<320xi32, #tpu.memory_space<vmem>>
    %dma_start3A_4 = arith.constant 0 : i32
    %dma_start3A_5 = arith.constant 0 : i32
    %dma_start3A_6 = tpu.memref_slice %arg2[%dma_start3A_4, %dma_start3A_5] : memref<100000x128xf32, #tpu.memory_space<hbm>> -> memref<100000x128xf32, #tpu.memory_space<hbm>>
    tpu.enqueue_indirect_dma source(%dma_start3A_6 : memref<100000x128xf32, #tpu.memory_space<hbm>>) target(%arg6 : memref<320x128xf32, #tpu.memory_space<vmem>>) offsets(%dma_start3A : memref<320xi32, #tpu.memory_space<vmem>>) semaphore(%arg8 : memref<!tpu.dma_semaphore, #tpu.memory_space<semaphore_mem>>)
    %scan3A = arith.constant 0 : i32
    %scan3A_7 = arith.constant 0 : i32
    %scan3A_8 = arith.constant 2 : i32
    %scan3A_9 = arith.addi %scan3A_7, %scan3A_8 : i32
    %scan3A_10 = arith.constant 1 : i32
    scf.for %scan3A_20 = %scan3A_7 to %scan3A_9 step %scan3A_10  : i32 {
      %mul3A_21 = arith.constant 2 : i32
      %mul3A_22 = arith.muli %scan3A_20, %mul3A_21 : i32
      %add3A_23 = arith.constant 1 : i32
      %add3A_24 = arith.addi %mul3A_22, %add3A_23 : i32
      %mul3A_25 = arith.constant 320 : i32
      %mul3A_26 = arith.muli %add3A_24, %mul3A_25 : i32
      %multiple_of3A_27 = tpu.assume_multiple %mul3A_26, 320 : i32
      %dma_start3A_28 = tpu.memref_slice %arg5[%multiple_of3A_27] : memref<1600xi32, #tpu.memory_space<vmem>> -> memref<320xi32, #tpu.memory_space<vmem>>
      %dma_start3A_29 = arith.constant 0 : i32
      %dma_start3A_30 = arith.constant 0 : i32
      %dma_start3A_31 = tpu.memref_slice %arg2[%dma_start3A_29, %dma_start3A_30] : memref<100000x128xf32, #tpu.memory_space<hbm>> -> memref<100000x128xf32, #tpu.memory_space<hbm>>
      tpu.enqueue_indirect_dma source(%dma_start3A_31 : memref<100000x128xf32, #tpu.memory_space<hbm>>) target(%arg7 : memref<320x128xf32, #tpu.memory_space<vmem>>) offsets(%dma_start3A_28 : memref<320xi32, #tpu.memory_space<vmem>>) semaphore(%arg9 : memref<!tpu.dma_semaphore, #tpu.memory_space<semaphore_mem>>)
      %mul3A_32 = arith.constant 320 : i32
      %mul3A_33 = arith.muli %mul3A_22, %mul3A_32 : i32
      %multiple_of3A_34 = tpu.assume_multiple %mul3A_33, 320 : i32
      %dma_wait3A_35 = tpu.memref_slice %arg5[%multiple_of3A_34] : memref<1600xi32, #tpu.memory_space<vmem>> -> memref<320xi32, #tpu.memory_space<vmem>>
      %dma_wait3A_36 = arith.constant 0 : i32
      %dma_wait3A_37 = arith.constant 0 : i32
      %dma_wait3A_38 = tpu.memref_slice %arg2[%dma_wait3A_36, %dma_wait3A_37] : memref<100000x128xf32, #tpu.memory_space<hbm>> -> memref<100000x128xf32, #tpu.memory_space<hbm>>
      tpu.wait_indirect_dma semaphore(%arg8 : memref<!tpu.dma_semaphore, #tpu.memory_space<semaphore_mem>>) src(%dma_wait3A_38 : memref<100000x128xf32, #tpu.memory_space<hbm>>) dst(%arg6 : memref<320x128xf32, #tpu.memory_space<vmem>>)
      %mul3A_39 = arith.constant 320 : i32
      %mul3A_40 = arith.muli %mul3A_22, %mul3A_39 : i32
      %multiple_of3A_41 = tpu.assume_multiple %mul3A_40, 320 : i32
      %add3A_42 = arith.addi %mul3A_2, %multiple_of3A_41 : i32
      "tpu.region"() ({
        %run_scoped3A = tpu.sem_alloc : memref<!tpu.dma_semaphore, #tpu.memory_space<semaphore_mem>>
        %dma_start3A_62 = arith.constant 0 : i32
        %dma_start3A_63 = tpu.memref_slice %arg4[%add3A_42, %dma_start3A_62] : memref<51200x128xf32, #tpu.memory_space<hbm>> -> memref<320x128xf32, #tpu.memory_space<hbm>>
        %dma_start3A_64 = arith.constant 0 : i32
        %dma_start3A_65 = tpu.memref_slice %arg4[%add3A_42, %dma_start3A_64] : memref<51200x128xf32, #tpu.memory_space<hbm>> -> memref<320x128xf32, #tpu.memory_space<hbm>>
        tpu.enqueue_dma source(%arg6 : memref<320x128xf32, #tpu.memory_space<vmem>>) target(%dma_start3A_65 : memref<320x128xf32, #tpu.memory_space<hbm>>) target_semaphore(%run_scoped3A : memref<!tpu.dma_semaphore, #tpu.memory_space<semaphore_mem>>)
        %dma_wait3A_66 = arith.constant 0 : i32
        %dma_wait3A_67 = tpu.memref_slice %arg4[%add3A_42, %dma_wait3A_66] : memref<51200x128xf32, #tpu.memory_space<hbm>> -> memref<320x128xf32, #tpu.memory_space<hbm>>
        %dma_wait3A_68 = arith.constant 0 : i32
        %dma_wait3A_69 = tpu.memref_slice %arg4[%add3A_42, %dma_wait3A_68] : memref<51200x128xf32, #tpu.memory_space<hbm>> -> memref<320x128xf32, #tpu.memory_space<hbm>>
        tpu.wait_dma2 semaphore(%run_scoped3A : memref<!tpu.dma_semaphore, #tpu.memory_space<semaphore_mem>>) src(%arg6 : memref<320x128xf32, #tpu.memory_space<vmem>>) dst(%dma_wait3A_69 : memref<320x128xf32, #tpu.memory_space<hbm>>)
        tpu.yield
      }) : () -> ()
      %add3A_43 = arith.constant 2 : i32
      %add3A_44 = arith.addi %mul3A_22, %add3A_43 : i32
      %lt3A = arith.constant 5 : i32
      %lt3A_45 = arith.cmpi slt, %add3A_44, %lt3A : i32
      %convert_element_type3A = arith.extui %lt3A_45 : i1 to i32
      %cond3A = arith.constant 0 : i32
      %cond3A_46 = arith.cmpi ne, %convert_element_type3A, %cond3A : i32
      scf.if %cond3A_46 {
        %add3A_62 = arith.constant 2 : i32
        %add3A_63 = arith.addi %mul3A_22, %add3A_62 : i32
        %mul3A_64 = arith.constant 320 : i32
        %mul3A_65 = arith.muli %add3A_63, %mul3A_64 : i32
        %multiple_of3A_66 = tpu.assume_multiple %mul3A_65, 320 : i32
        %dma_start3A_67 = tpu.memref_slice %arg5[%multiple_of3A_66] : memref<1600xi32, #tpu.memory_space<vmem>> -> memref<320xi32, #tpu.memory_space<vmem>>
        %dma_start3A_68 = arith.constant 0 : i32
        %dma_start3A_69 = arith.constant 0 : i32
        %dma_start3A_70 = tpu.memref_slice %arg2[%dma_start3A_68, %dma_start3A_69] : memref<100000x128xf32, #tpu.memory_space<hbm>> -> memref<100000x128xf32, #tpu.memory_space<hbm>>
        tpu.enqueue_indirect_dma source(%dma_start3A_70 : memref<100000x128xf32, #tpu.memory_space<hbm>>) target(%arg6 : memref<320x128xf32, #tpu.memory_space<vmem>>) offsets(%dma_start3A_67 : memref<320xi32, #tpu.memory_space<vmem>>) semaphore(%arg8 : memref<!tpu.dma_semaphore, #tpu.memory_space<semaphore_mem>>)
      } else {
      }
      %add3A_47 = arith.constant 1 : i32
      %add3A_48 = arith.addi %mul3A_22, %add3A_47 : i32
      %mul3A_49 = arith.constant 320 : i32
      %mul3A_50 = arith.muli %add3A_48, %mul3A_49 : i32
      %multiple_of3A_51 = tpu.assume_multiple %mul3A_50, 320 : i32
      %dma_wait3A_52 = tpu.memref_slice %arg5[%multiple_of3A_51] : memref<1600xi32, #tpu.memory_space<vmem>> -> memref<320xi32, #tpu.memory_space<vmem>>
      %dma_wait3A_53 = arith.constant 0 : i32
      %dma_wait3A_54 = arith.constant 0 : i32
      %dma_wait3A_55 = tpu.memref_slice %arg2[%dma_wait3A_53, %dma_wait3A_54] : memref<100000x128xf32, #tpu.memory_space<hbm>> -> memref<100000x128xf32, #tpu.memory_space<hbm>>
      tpu.wait_indirect_dma semaphore(%arg9 : memref<!tpu.dma_semaphore, #tpu.memory_space<semaphore_mem>>) src(%dma_wait3A_55 : memref<100000x128xf32, #tpu.memory_space<hbm>>) dst(%arg7 : memref<320x128xf32, #tpu.memory_space<vmem>>)
      %add3A_56 = arith.constant 1 : i32
      %add3A_57 = arith.addi %mul3A_22, %add3A_56 : i32
      %mul3A_58 = arith.constant 320 : i32
      %mul3A_59 = arith.muli %add3A_57, %mul3A_58 : i32
      %multiple_of3A_60 = tpu.assume_multiple %mul3A_59, 320 : i32
      %add3A_61 = arith.addi %mul3A_2, %multiple_of3A_60 : i32
      "tpu.region"() ({
        %run_scoped3A = tpu.sem_alloc : memref<!tpu.dma_semaphore, #tpu.memory_space<semaphore_mem>>
        %dma_start3A_62 = arith.constant 0 : i32
        %dma_start3A_63 = tpu.memref_slice %arg4[%add3A_61, %dma_start3A_62] : memref<51200x128xf32, #tpu.memory_space<hbm>> -> memref<320x128xf32, #tpu.memory_space<hbm>>
        %dma_start3A_64 = arith.constant 0 : i32
        %dma_start3A_65 = tpu.memref_slice %arg4[%add3A_61, %dma_start3A_64] : memref<51200x128xf32, #tpu.memory_space<hbm>> -> memref<320x128xf32, #tpu.memory_space<hbm>>
        tpu.enqueue_dma source(%arg7 : memref<320x128xf32, #tpu.memory_space<vmem>>) target(%dma_start3A_65 : memref<320x128xf32, #tpu.memory_space<hbm>>) target_semaphore(%run_scoped3A : memref<!tpu.dma_semaphore, #tpu.memory_space<semaphore_mem>>)
        %dma_wait3A_66 = arith.constant 0 : i32
        %dma_wait3A_67 = tpu.memref_slice %arg4[%add3A_61, %dma_wait3A_66] : memref<51200x128xf32, #tpu.memory_space<hbm>> -> memref<320x128xf32, #tpu.memory_space<hbm>>
        %dma_wait3A_68 = arith.constant 0 : i32
        %dma_wait3A_69 = tpu.memref_slice %arg4[%add3A_61, %dma_wait3A_68] : memref<51200x128xf32, #tpu.memory_space<hbm>> -> memref<320x128xf32, #tpu.memory_space<hbm>>
        tpu.wait_dma2 semaphore(%run_scoped3A : memref<!tpu.dma_semaphore, #tpu.memory_space<semaphore_mem>>) src(%arg7 : memref<320x128xf32, #tpu.memory_space<vmem>>) dst(%dma_wait3A_69 : memref<320x128xf32, #tpu.memory_space<hbm>>)
        tpu.yield
      }) : () -> ()
    }
    %scan3A_11 = arith.constant 2 : i32
    %multiple_of3A_12 = arith.constant 1280 : i32
    %multiple_of3A_13 = tpu.assume_multiple %multiple_of3A_12, 320 : i32
    %dma_wait3A = tpu.memref_slice %arg5[%multiple_of3A_13] : memref<1600xi32, #tpu.memory_space<vmem>> -> memref<320xi32, #tpu.memory_space<vmem>>
    %dma_wait3A_14 = arith.constant 0 : i32
    %dma_wait3A_15 = arith.constant 0 : i32
    %dma_wait3A_16 = tpu.memref_slice %arg2[%dma_wait3A_14, %dma_wait3A_15] : memref<100000x128xf32, #tpu.memory_space<hbm>> -> memref<100000x128xf32, #tpu.memory_space<hbm>>
    tpu.wait_indirect_dma semaphore(%arg8 : memref<!tpu.dma_semaphore, #tpu.memory_space<semaphore_mem>>) src(%dma_wait3A_16 : memref<100000x128xf32, #tpu.memory_space<hbm>>) dst(%arg6 : memref<320x128xf32, #tpu.memory_space<vmem>>)
    %multiple_of3A_17 = arith.constant 1280 : i32
    %multiple_of3A_18 = tpu.assume_multiple %multiple_of3A_17, 320 : i32
    %add3A_19 = arith.addi %mul3A_2, %multiple_of3A_18 : i32
    "tpu.region"() ({
      %run_scoped3A = tpu.sem_alloc : memref<!tpu.dma_semaphore, #tpu.memory_space<semaphore_mem>>
      %dma_start3A_20 = arith.constant 0 : i32
      %dma_start3A_21 = tpu.memref_slice %arg4[%add3A_19, %dma_start3A_20] : memref<51200x128xf32, #tpu.memory_space<hbm>> -> memref<320x128xf32, #tpu.memory_space<hbm>>
      %dma_start3A_22 = arith.constant 0 : i32
      %dma_start3A_23 = tpu.memref_slice %arg4[%add3A_19, %dma_start3A_22] : memref<51200x128xf32, #tpu.memory_space<hbm>> -> memref<320x128xf32, #tpu.memory_space<hbm>>
      tpu.enqueue_dma source(%arg6 : memref<320x128xf32, #tpu.memory_space<vmem>>) target(%dma_start3A_23 : memref<320x128xf32, #tpu.memory_space<hbm>>) target_semaphore(%run_scoped3A : memref<!tpu.dma_semaphore, #tpu.memory_space<semaphore_mem>>)
      %dma_wait3A_24 = arith.constant 0 : i32
      %dma_wait3A_25 = tpu.memref_slice %arg4[%add3A_19, %dma_wait3A_24] : memref<51200x128xf32, #tpu.memory_space<hbm>> -> memref<320x128xf32, #tpu.memory_space<hbm>>
      %dma_wait3A_26 = arith.constant 0 : i32
      %dma_wait3A_27 = tpu.memref_slice %arg4[%add3A_19, %dma_wait3A_26] : memref<51200x128xf32, #tpu.memory_space<hbm>> -> memref<320x128xf32, #tpu.memory_space<hbm>>
      tpu.wait_dma2 semaphore(%run_scoped3A : memref<!tpu.dma_semaphore, #tpu.memory_space<semaphore_mem>>) src(%arg6 : memref<320x128xf32, #tpu.memory_space<vmem>>) dst(%dma_wait3A_27 : memref<320x128xf32, #tpu.memory_space<hbm>>)
      tpu.yield
    }) : () -> ()
    return
  }
}

#map = affine_map<(d0, d1) -> (0, 0)>
#map1 = affine_map<(d0, d1) -> (0)>
module attributes {stable_mosaic.version = 14 : i64} {
  func.func @k(%arg0: i32, %arg1: i32, %arg2: memref<100000x128xf32, #tpu.memory_space<hbm>>, %arg3: memref<51200xi32, #tpu.memory_space<hbm>>, %arg4: memref<51200x128xf32, #tpu.memory_space<hbm>>, %arg5: memref<1600xi32, #tpu.memory_space<vmem>>, %arg6: memref<320x128xf32, #tpu.memory_space<vmem>>, %arg7: memref<320x128xf32, #tpu.memory_space<vmem>>, %arg8: memref<!tpu.dma_semaphore, #tpu.memory_space<semaphore_mem>>, %arg9: memref<!tpu.dma_semaphore, #tpu.memory_space<semaphore_mem>>) attributes {dimension_semantics = [#tpu.dimension_semantics<core_parallel>, #tpu.dimension_semantics<subcore_parallel>], iteration_bounds = array<i64: 2, 16>, scalar_prefetch = 0 : i64, scratch_operands = 5 : i64, tpu.core_type = #tpu.core_type<sc_vector_subcore>, window_params = [{transform_indices = #map}, {transform_indices = #map1}, {transform_indices = #map}]} {
    %mul3A = arith.constant 2 : i32
    %mul3A_0 = arith.muli %arg1, %mul3A : i32
    %add3A = arith.addi %mul3A_0, %arg0 : i32
    %mul3A_1 = arith.constant 1600 : i32
    %mul3A_2 = arith.muli %add3A, %mul3A_1 : i32
    "tpu.region"() ({
      %run_scoped3A = tpu.sem_alloc : memref<!tpu.dma_semaphore, #tpu.memory_space<semaphore_mem>>
      %dma_start3A_20 = tpu.memref_slice %arg3[%mul3A_2] : memref<51200xi32, #tpu.memory_space<hbm>> -> memref<1600xi32, #tpu.memory_space<hbm>>
      %dma_start3A_21 = tpu.memref_slice %arg3[%mul3A_2] : memref<51200xi32, #tpu.memory_space<hbm>> -> memref<1600xi32, #tpu.memory_space<hbm>>
      tpu.enqueue_dma source(%dma_start3A_21 : memref<1600xi32, #tpu.memory_space<hbm>>) target(%arg5 : memref<1600xi32, #tpu.memory_space<vmem>>) target_semaphore(%run_scoped3A : memref<!tpu.dma_semaphore, #tpu.memory_space<semaphore_mem>>)
      %dma_wait3A_22 = tpu.memref_slice %arg3[%mul3A_2] : memref<51200xi32, #tpu.memory_space<hbm>> -> memref<1600xi32, #tpu.memory_space<hbm>>
      %dma_wait3A_23 = tpu.memref_slice %arg3[%mul3A_2] : memref<51200xi32, #tpu.memory_space<hbm>> -> memref<1600xi32, #tpu.memory_space<hbm>>
      tpu.wait_dma2 semaphore(%run_scoped3A : memref<!tpu.dma_semaphore, #tpu.memory_space<semaphore_mem>>) src(%dma_wait3A_23 : memref<1600xi32, #tpu.memory_space<hbm>>) dst(%arg5 : memref<1600xi32, #tpu.memory_space<vmem>>)
      tpu.yield
    }) : () -> ()
    %multiple_of3A = arith.constant 0 : i32
    %multiple_of3A_3 = tpu.assume_multiple %multiple_of3A, 320 : i32
    %dma_start3A = tpu.memref_slice %arg5[%multiple_of3A_3] : memref<1600xi32, #tpu.memory_space<vmem>> -> memref<320xi32, #tpu.memory_space<vmem>>
    %dma_start3A_4 = arith.constant 0 : i32
    %dma_start3A_5 = arith.constant 0 : i32
    %dma_start3A_6 = tpu.memref_slice %arg2[%dma_start3A_4, %dma_start3A_5] : memref<100000x128xf32, #tpu.memory_space<hbm>> -> memref<100000x128xf32, #tpu.memory_space<hbm>>
    tpu.enqueue_indirect_dma source(%dma_start3A_6 : memref<100000x128xf32, #tpu.memory_space<hbm>>) target(%arg6 : memref<320x128xf32, #tpu.memory_space<vmem>>) offsets(%dma_start3A : memref<320xi32, #tpu.memory_space<vmem>>) semaphore(%arg8 : memref<!tpu.dma_semaphore, #tpu.memory_space<semaphore_mem>>)
    %scan3A = arith.constant 0 : i32
    %scan3A_7 = arith.constant 0 : i32
    %scan3A_8 = arith.constant 2 : i32
    %scan3A_9 = arith.addi %scan3A_7, %scan3A_8 : i32
    %scan3A_10 = arith.constant 1 : i32
    scf.for %scan3A_20 = %scan3A_7 to %scan3A_9 step %scan3A_10  : i32 {
      %mul3A_21 = arith.constant 2 : i32
      %mul3A_22 = arith.muli %scan3A_20, %mul3A_21 : i32
      %add3A_23 = arith.constant 1 : i32
      %add3A_24 = arith.addi %mul3A_22, %add3A_23 : i32
      %mul3A_25 = arith.constant 320 : i32
      %mul3A_26 = arith.muli %add3A_24, %mul3A_25 : i32
      %multiple_of3A_27 = tpu.assume_multiple %mul3A_26, 320 : i32
      %dma_start3A_28 = tpu.memref_slice %arg5[%multiple_of3A_27] : memref<1600xi32, #tpu.memory_space<vmem>> -> memref<320xi32, #tpu.memory_space<vmem>>
      %dma_start3A_29 = arith.constant 0 : i32
      %dma_start3A_30 = arith.constant 0 : i32
      %dma_start3A_31 = tpu.memref_slice %arg2[%dma_start3A_29, %dma_start3A_30] : memref<100000x128xf32, #tpu.memory_space<hbm>> -> memref<100000x128xf32, #tpu.memory_space<hbm>>
      tpu.enqueue_indirect_dma source(%dma_start3A_31 : memref<100000x128xf32, #tpu.memory_space<hbm>>) target(%arg7 : memref<320x128xf32, #tpu.memory_space<vmem>>) offsets(%dma_start3A_28 : memref<320xi32, #tpu.memory_space<vmem>>) semaphore(%arg9 : memref<!tpu.dma_semaphore, #tpu.memory_space<semaphore_mem>>)
      %mul3A_32 = arith.constant 320 : i32
      %mul3A_33 = arith.muli %mul3A_22, %mul3A_32 : i32
      %multiple_of3A_34 = tpu.assume_multiple %mul3A_33, 320 : i32
      %dma_wait3A_35 = tpu.memref_slice %arg5[%multiple_of3A_34] : memref<1600xi32, #tpu.memory_space<vmem>> -> memref<320xi32, #tpu.memory_space<vmem>>
      %dma_wait3A_36 = arith.constant 0 : i32
      %dma_wait3A_37 = arith.constant 0 : i32
      %dma_wait3A_38 = tpu.memref_slice %arg2[%dma_wait3A_36, %dma_wait3A_37] : memref<100000x128xf32, #tpu.memory_space<hbm>> -> memref<100000x128xf32, #tpu.memory_space<hbm>>
      tpu.wait_indirect_dma semaphore(%arg8 : memref<!tpu.dma_semaphore, #tpu.memory_space<semaphore_mem>>) src(%dma_wait3A_38 : memref<100000x128xf32, #tpu.memory_space<hbm>>) dst(%arg6 : memref<320x128xf32, #tpu.memory_space<vmem>>)
      %mul3A_39 = arith.constant 320 : i32
      %mul3A_40 = arith.muli %mul3A_22, %mul3A_39 : i32
      %multiple_of3A_41 = tpu.assume_multiple %mul3A_40, 320 : i32
      %add3A_42 = arith.addi %mul3A_2, %multiple_of3A_41 : i32
      "tpu.region"() ({
        %run_scoped3A = tpu.sem_alloc : memref<!tpu.dma_semaphore, #tpu.memory_space<semaphore_mem>>
        %dma_start3A_62 = arith.constant 0 : i32
        %dma_start3A_63 = tpu.memref_slice %arg4[%add3A_42, %dma_start3A_62] : memref<51200x128xf32, #tpu.memory_space<hbm>> -> memref<320x128xf32, #tpu.memory_space<hbm>>
        %dma_start3A_64 = arith.constant 0 : i32
        %dma_start3A_65 = tpu.memref_slice %arg4[%add3A_42, %dma_start3A_64] : memref<51200x128xf32, #tpu.memory_space<hbm>> -> memref<320x128xf32, #tpu.memory_space<hbm>>
        tpu.enqueue_dma source(%arg6 : memref<320x128xf32, #tpu.memory_space<vmem>>) target(%dma_start3A_65 : memref<320x128xf32, #tpu.memory_space<hbm>>) target_semaphore(%run_scoped3A : memref<!tpu.dma_semaphore, #tpu.memory_space<semaphore_mem>>)
        %dma_wait3A_66 = arith.constant 0 : i32
        %dma_wait3A_67 = tpu.memref_slice %arg4[%add3A_42, %dma_wait3A_66] : memref<51200x128xf32, #tpu.memory_space<hbm>> -> memref<320x128xf32, #tpu.memory_space<hbm>>
        %dma_wait3A_68 = arith.constant 0 : i32
        %dma_wait3A_69 = tpu.memref_slice %arg4[%add3A_42, %dma_wait3A_68] : memref<51200x128xf32, #tpu.memory_space<hbm>> -> memref<320x128xf32, #tpu.memory_space<hbm>>
        tpu.wait_dma2 semaphore(%run_scoped3A : memref<!tpu.dma_semaphore, #tpu.memory_space<semaphore_mem>>) src(%arg6 : memref<320x128xf32, #tpu.memory_space<vmem>>) dst(%dma_wait3A_69 : memref<320x128xf32, #tpu.memory_space<hbm>>)
        tpu.yield
      }) : () -> ()
      %add3A_43 = arith.constant 2 : i32
      %add3A_44 = arith.addi %mul3A_22, %add3A_43 : i32
      %lt3A = arith.constant 5 : i32
      %lt3A_45 = arith.cmpi slt, %add3A_44, %lt3A : i32
      %convert_element_type3A = arith.extui %lt3A_45 : i1 to i32
      %cond3A = arith.constant 0 : i32
      %cond3A_46 = arith.cmpi ne, %convert_element_type3A, %cond3A : i32
      scf.if %cond3A_46 {
        %add3A_62 = arith.constant 2 : i32
        %add3A_63 = arith.addi %mul3A_22, %add3A_62 : i32
        %mul3A_64 = arith.constant 320 : i32
        %mul3A_65 = arith.muli %add3A_63, %mul3A_64 : i32
        %multiple_of3A_66 = tpu.assume_multiple %mul3A_65, 320 : i32
        %dma_start3A_67 = tpu.memref_slice %arg5[%multiple_of3A_66] : memref<1600xi32, #tpu.memory_space<vmem>> -> memref<320xi32, #tpu.memory_space<vmem>>
        %dma_start3A_68 = arith.constant 0 : i32
        %dma_start3A_69 = arith.constant 0 : i32
        %dma_start3A_70 = tpu.memref_slice %arg2[%dma_start3A_68, %dma_start3A_69] : memref<100000x128xf32, #tpu.memory_space<hbm>> -> memref<100000x128xf32, #tpu.memory_space<hbm>>
        tpu.enqueue_indirect_dma source(%dma_start3A_70 : memref<100000x128xf32, #tpu.memory_space<hbm>>) target(%arg6 : memref<320x128xf32, #tpu.memory_space<vmem>>) offsets(%dma_start3A_67 : memref<320xi32, #tpu.memory_space<vmem>>) semaphore(%arg8 : memref<!tpu.dma_semaphore, #tpu.memory_space<semaphore_mem>>)
      } else {
      }
      %add3A_47 = arith.constant 1 : i32
      %add3A_48 = arith.addi %mul3A_22, %add3A_47 : i32
      %mul3A_49 = arith.constant 320 : i32
      %mul3A_50 = arith.muli %add3A_48, %mul3A_49 : i32
      %multiple_of3A_51 = tpu.assume_multiple %mul3A_50, 320 : i32
      %dma_wait3A_52 = tpu.memref_slice %arg5[%multiple_of3A_51] : memref<1600xi32, #tpu.memory_space<vmem>> -> memref<320xi32, #tpu.memory_space<vmem>>
      %dma_wait3A_53 = arith.constant 0 : i32
      %dma_wait3A_54 = arith.constant 0 : i32
      %dma_wait3A_55 = tpu.memref_slice %arg2[%dma_wait3A_53, %dma_wait3A_54] : memref<100000x128xf32, #tpu.memory_space<hbm>> -> memref<100000x128xf32, #tpu.memory_space<hbm>>
      tpu.wait_indirect_dma semaphore(%arg9 : memref<!tpu.dma_semaphore, #tpu.memory_space<semaphore_mem>>) src(%dma_wait3A_55 : memref<100000x128xf32, #tpu.memory_space<hbm>>) dst(%arg7 : memref<320x128xf32, #tpu.memory_space<vmem>>)
      %add3A_56 = arith.constant 1 : i32
      %add3A_57 = arith.addi %mul3A_22, %add3A_56 : i32
      %mul3A_58 = arith.constant 320 : i32
      %mul3A_59 = arith.muli %add3A_57, %mul3A_58 : i32
      %multiple_of3A_60 = tpu.assume_multiple %mul3A_59, 320 : i32
      %add3A_61 = arith.addi %mul3A_2, %multiple_of3A_60 : i32
      "tpu.region"() ({
        %run_scoped3A = tpu.sem_alloc : memref<!tpu.dma_semaphore, #tpu.memory_space<semaphore_mem>>
        %dma_start3A_62 = arith.constant 0 : i32
        %dma_start3A_63 = tpu.memref_slice %arg4[%add3A_61, %dma_start3A_62] : memref<51200x128xf32, #tpu.memory_space<hbm>> -> memref<320x128xf32, #tpu.memory_space<hbm>>
        %dma_start3A_64 = arith.constant 0 : i32
        %dma_start3A_65 = tpu.memref_slice %arg4[%add3A_61, %dma_start3A_64] : memref<51200x128xf32, #tpu.memory_space<hbm>> -> memref<320x128xf32, #tpu.memory_space<hbm>>
        tpu.enqueue_dma source(%arg7 : memref<320x128xf32, #tpu.memory_space<vmem>>) target(%dma_start3A_65 : memref<320x128xf32, #tpu.memory_space<hbm>>) target_semaphore(%run_scoped3A : memref<!tpu.dma_semaphore, #tpu.memory_space<semaphore_mem>>)
        %dma_wait3A_66 = arith.constant 0 : i32
        %dma_wait3A_67 = tpu.memref_slice %arg4[%add3A_61, %dma_wait3A_66] : memref<51200x128xf32, #tpu.memory_space<hbm>> -> memref<320x128xf32, #tpu.memory_space<hbm>>
        %dma_wait3A_68 = arith.constant 0 : i32
        %dma_wait3A_69 = tpu.memref_slice %arg4[%add3A_61, %dma_wait3A_68] : memref<51200x128xf32, #tpu.memory_space<hbm>> -> memref<320x128xf32, #tpu.memory_space<hbm>>
        tpu.wait_dma2 semaphore(%run_scoped3A : memref<!tpu.dma_semaphore, #tpu.memory_space<semaphore_mem>>) src(%arg7 : memref<320x128xf32, #tpu.memory_space<vmem>>) dst(%dma_wait3A_69 : memref<320x128xf32, #tpu.memory_space<hbm>>)
        tpu.yield
      }) : () -> ()
    }
    %scan3A_11 = arith.constant 2 : i32
    %multiple_of3A_12 = arith.constant 1280 : i32
    %multiple_of3A_13 = tpu.assume_multiple %multiple_of3A_12, 320 : i32
    %dma_wait3A = tpu.memref_slice %arg5[%multiple_of3A_13] : memref<1600xi32, #tpu.memory_space<vmem>> -> memref<320xi32, #tpu.memory_space<vmem>>
    %dma_wait3A_14 = arith.constant 0 : i32
    %dma_wait3A_15 = arith.constant 0 : i32
    %dma_wait3A_16 = tpu.memref_slice %arg2[%dma_wait3A_14, %dma_wait3A_15] : memref<100000x128xf32, #tpu.memory_space<hbm>> -> memref<100000x128xf32, #tpu.memory_space<hbm>>
    tpu.wait_indirect_dma semaphore(%arg8 : memref<!tpu.dma_semaphore, #tpu.memory_space<semaphore_mem>>) src(%dma_wait3A_16 : memref<100000x128xf32, #tpu.memory_space<hbm>>) dst(%arg6 : memref<320x128xf32, #tpu.memory_space<vmem>>)
    %multiple_of3A_17 = arith.constant 1280 : i32
    %multiple_of3A_18 = tpu.assume_multiple %multiple_of3A_17, 320 : i32
    %add3A_19 = arith.addi %mul3A_2, %multiple_of3A_18 : i32
    "tpu.region"() ({
      %run_scoped3A = tpu.sem_alloc : memref<!tpu.dma_semaphore, #tpu.memory_space<semaphore_mem>>
      %dma_start3A_20 = arith.constant 0 : i32
      %dma_start3A_21 = tpu.memref_slice %arg4[%add3A_19, %dma_start3A_20] : memref<51200x128xf32, #tpu.memory_space<hbm>> -> memref<320x128xf32, #tpu.memory_space<hbm>>
      %dma_start3A_22 = arith.constant 0 : i32
      %dma_start3A_23 = tpu.memref_slice %arg4[%add3A_19, %dma_start3A_22] : memref<51200x128xf32, #tpu.memory_space<hbm>> -> memref<320x128xf32, #tpu.memory_space<hbm>>
      tpu.enqueue_dma source(%arg6 : memref<320x128xf32, #tpu.memory_space<vmem>>) target(%dma_start3A_23 : memref<320x128xf32, #tpu.memory_space<hbm>>) target_semaphore(%run_scoped3A : memref<!tpu.dma_semaphore, #tpu.memory_space<semaphore_mem>>)
      %dma_wait3A_24 = arith.constant 0 : i32
      %dma_wait3A_25 = tpu.memref_slice %arg4[%add3A_19, %dma_wait3A_24] : memref<51200x128xf32, #tpu.memory_space<hbm>> -> memref<320x128xf32, #tpu.memory_space<hbm>>
      %dma_wait3A_26 = arith.constant 0 : i32
      %dma_wait3A_27 = tpu.memref_slice %arg4[%add3A_19, %dma_wait3A_26] : memref<51200x128xf32, #tpu.memory_space<hbm>> -> memref<320x128xf32, #tpu.memory_space<hbm>>
      tpu.wait_dma2 semaphore(%run_scoped3A : memref<!tpu.dma_semaphore, #tpu.memory_space<semaphore_mem>>) src(%arg6 : memref<320x128xf32, #tpu.memory_space<vmem>>) dst(%dma_wait3A_27 : memref<320x128xf32, #tpu.memory_space<hbm>>)
      tpu.yield
    }) : () -> ()
    return
  }
}

module attributes {stable_mosaic.version = 14 : i64} {
  func.func @_tc_body(%arg0: i32, %arg1: memref<6400x128xf32, #tpu.memory_space<vmem>>, %arg2: memref<1x1x6400xf32, #tpu.memory_space<vmem>>, %arg3: memref<1x1x6400xf32, #tpu.memory_space<vmem>>, %arg4: memref<1x1x6400xi32, #tpu.memory_space<vmem>>, %arg5: memref<1x1x6400xi32, #tpu.memory_space<vmem>>, %arg6: memref<64x2xf32, #tpu.memory_space<vmem>>, %arg7: memref<64x1xf32, #tpu.memory_space<vmem>>, %arg8: memref<64x64xf32, #tpu.memory_space<vmem>>, %arg9: memref<1x64xf32, #tpu.memory_space<vmem>>, %arg10: memref<256x128xf32, #tpu.memory_space<vmem>>, %arg11: memref<1x128xf32, #tpu.memory_space<vmem>>, %arg12: memref<1x128xf32, #tpu.memory_space<vmem>>, %arg13: memref<1x128xf32, #tpu.memory_space<vmem>>, %arg14: memref<48x32xf32, #tpu.memory_space<vmem>>, %arg15: memref<7x32xf32, #tpu.memory_space<vmem>>, %arg16: memref<6400x128xf32, #tpu.memory_space<vmem>>, %arg17: memref<256x128xbf16, #tpu.memory_space<vmem>>, %arg18: memref<64x128xbf16, #tpu.memory_space<vmem>>, %arg19: memref<48x128xbf16, #tpu.memory_space<vmem>>, %arg20: memref<8x128xbf16, #tpu.memory_space<vmem>>) attributes {dimension_semantics = [#tpu.dimension_semantics<arbitrary>], iteration_bounds = array<i64: 8>, scalar_prefetch = 0 : i64, scratch_operands = 4 : i64, tpu.core_type = #tpu.core_type<tc>, window_params = [{transform_indices = @transform_0, window_bounds = array<i64: 6400, 128>}, {transform_indices = @transform_1, window_bounds = array<i64: 1, 1, 6400>}, {transform_indices = @transform_2, window_bounds = array<i64: 1, 1, 6400>}, {transform_indices = @transform_3, window_bounds = array<i64: 1, 1, 6400>}, {transform_indices = @transform_4, window_bounds = array<i64: 1, 1, 6400>}, {pipeline_mode = #tpu.pipeline_mode<synchronous>, transform_indices = @transform_5, window_bounds = array<i64: 64, 2>}, {pipeline_mode = #tpu.pipeline_mode<synchronous>, transform_indices = @transform_6, window_bounds = array<i64: 64, 1>}, {pipeline_mode = #tpu.pipeline_mode<synchronous>, transform_indices = @transform_7, window_bounds = array<i64: 64, 64>}, {pipeline_mode = #tpu.pipeline_mode<synchronous>, transform_indices = @transform_8, window_bounds = array<i64: 1, 64>}, {pipeline_mode = #tpu.pipeline_mode<synchronous>, transform_indices = @transform_9, window_bounds = array<i64: 256, 128>}, {pipeline_mode = #tpu.pipeline_mode<synchronous>, transform_indices = @transform_10, window_bounds = array<i64: 1, 128>}, {pipeline_mode = #tpu.pipeline_mode<synchronous>, transform_indices = @transform_11, window_bounds = array<i64: 1, 128>}, {pipeline_mode = #tpu.pipeline_mode<synchronous>, transform_indices = @transform_12, window_bounds = array<i64: 1, 128>}, {pipeline_mode = #tpu.pipeline_mode<synchronous>, transform_indices = @transform_13, window_bounds = array<i64: 48, 32>}, {pipeline_mode = #tpu.pipeline_mode<synchronous>, transform_indices = @transform_14, window_bounds = array<i64: 7, 32>}, {transform_indices = @transform_15, window_bounds = array<i64: 6400, 128>}]} {
    %eq3A = arith.constant 0 : i32
    %eq3A_0 = arith.cmpi eq, %arg0, %eq3A : i32
    %convert_element_type3A = arith.extui %eq3A_0 : i1 to i32
    %cond3A = arith.constant 0 : i32
    %cond3A_1 = arith.cmpi ne, %convert_element_type3A, %cond3A : i32
    scf.if %cond3A_1 {
      %get3A_98 = arith.constant 0 : index
      %get3A_99 = arith.constant 0 : index
      %get3A_100 = vector.load %arg10[%get3A_98, %get3A_99] : memref<256x128xf32, #tpu.memory_space<vmem>>, vector<256x128xf32>
      %reduce_sum3A = arith.constant dense<0.000000e+00> : vector<256xf32>
      %reduce_sum3A_101 = vector.multi_reduction <add>, %get3A_100, %reduce_sum3A [1] : vector<256x128xf32> to vector<256xf32>
      %broadcast_in_dim3A_102 = vector.shape_cast %reduce_sum3A_101 : vector<256xf32> to vector<256x1xf32>
      %div3A = arith.constant 1.280000e+02 : f32
      %div3A_103 = vector.broadcast %div3A : f32 to vector<256x1xf32>
      %div3A_104 = arith.divf %broadcast_in_dim3A_102, %div3A_103 : vector<256x1xf32>
      %sub3A = vector.broadcast %div3A_104 : vector<256x1xf32> to vector<256x128xf32>
      %sub3A_105 = arith.subf %get3A_100, %sub3A : vector<256x128xf32>
      %convert_element_type3A_106 = arith.truncf %sub3A_105 : vector<256x128xf32> to vector<256x128xbf16>
      %swap3A_107 = arith.constant 0 : index
      %swap3A_108 = arith.constant 0 : index
      %swap3A_109 = vector.load %arg17[%swap3A_107, %swap3A_108] : memref<256x128xbf16, #tpu.memory_space<vmem>>, vector<256x128xbf16>
      tpu.vector_store %arg17[%swap3A_107, %swap3A_108], %convert_element_type3A_106 {strides = array<i32>} : memref<256x128xbf16, #tpu.memory_space<vmem>>, vector<256x128xbf16>,
      %get3A_110 = arith.constant 0 : index
      %get3A_111 = arith.constant 0 : index
      %get3A_112 = vector.load %arg8[%get3A_110, %get3A_111] : memref<64x64xf32, #tpu.memory_space<vmem>>, vector<64x64xf32>
      %slice3A = vector.extract_strided_slice %sub3A_105 {offsets = [128, 0], sizes = [64, 128], strides = [1, 1]} : vector<256x128xf32> to vector<64x128xf32>
      %dot_general3A_113 = arith.constant dense<0.000000e+00> : vector<64x128xf32>
      %dot_general3A_114 = tpu.matmul %get3A_112, %slice3A, %dot_general3A_113 {dimension_numbers = #tpu.dot_dimension_numbers<[1], [0], [0], [1], [0, 0, 1, 1], [], []>, transpose_lhs_hint = false} : vector<64x64xf32>, vector<64x128xf32>, vector<64x128xf32> -> vector<64x128xf32>
      %convert_element_type3A_115 = arith.truncf %dot_general3A_114 : vector<64x128xf32> to vector<64x128xbf16>
      %swap3A_116 = arith.constant 0 : index
      %swap3A_117 = arith.constant 0 : index
      %swap3A_118 = vector.load %arg18[%swap3A_116, %swap3A_117] : memref<64x128xbf16, #tpu.memory_space<vmem>>, vector<64x128xbf16>
      tpu.vector_store %arg18[%swap3A_116, %swap3A_117], %convert_element_type3A_115 {strides = array<i32>} : memref<64x128xbf16, #tpu.memory_space<vmem>>, vector<64x128xbf16>,
      %get3A_119 = arith.constant 0 : index
      %get3A_120 = arith.constant 0 : index
      %get3A_121 = vector.load %arg9[%get3A_119, %get3A_120] : memref<1x64xf32, #tpu.memory_space<vmem>>, vector<1x64xf32>
      %dot_general3A_122 = arith.constant dense<0.000000e+00> : vector<1x128xf32>
      %dot_general3A_123 = tpu.matmul %get3A_121, %dot_general3A_114, %dot_general3A_122 {dimension_numbers = #tpu.dot_dimension_numbers<[1], [0], [0], [1], [0, 0, 1, 1], [], []>, transpose_lhs_hint = false} : vector<1x64xf32>, vector<64x128xf32>, vector<1x128xf32> -> vector<1x128xf32>
      %get3A_124 = arith.constant 0 : index
      %get3A_125 = arith.constant 0 : index
      %get3A_126 = vector.load %arg14[%get3A_124, %get3A_125] : memref<48x32xf32, #tpu.memory_space<vmem>>, vector<48x32xf32>
      %slice3A_127 = vector.extract_strided_slice %sub3A_105 {offsets = [192, 0], sizes = [32, 128], strides = [1, 1]} : vector<256x128xf32> to vector<32x128xf32>
      %dot_general3A_128 = arith.constant dense<0.000000e+00> : vector<48x128xf32>
      %dot_general3A_129 = tpu.matmul %get3A_126, %slice3A_127, %dot_general3A_128 {dimension_numbers = #tpu.dot_dimension_numbers<[1], [0], [0], [1], [0, 0, 1, 1], [], []>, transpose_lhs_hint = false} : vector<48x32xf32>, vector<32x128xf32>, vector<48x128xf32> -> vector<48x128xf32>
      %get3A_130 = arith.constant 0 : index
      %get3A_131 = arith.constant 0 : index
      %get3A_132 = vector.load %arg15[%get3A_130, %get3A_131] : memref<7x32xf32, #tpu.memory_space<vmem>>, vector<7x32xf32>
      %slice3A_133 = vector.extract_strided_slice %sub3A_105 {offsets = [224, 0], sizes = [32, 128], strides = [1, 1]} : vector<256x128xf32> to vector<32x128xf32>
      %dot_general3A_134 = arith.constant dense<0.000000e+00> : vector<7x128xf32>
      %dot_general3A_135 = tpu.matmul %get3A_132, %slice3A_133, %dot_general3A_134 {dimension_numbers = #tpu.dot_dimension_numbers<[1], [0], [0], [1], [0, 0, 1, 1], [], []>, transpose_lhs_hint = false} : vector<7x32xf32>, vector<32x128xf32>, vector<7x128xf32> -> vector<7x128xf32>
      %get3A_136 = arith.constant 0 : index
      %get3A_137 = arith.constant 0 : index
      %get3A_138 = vector.load %arg11[%get3A_136, %get3A_137] : memref<1x128xf32, #tpu.memory_space<vmem>>, vector<1x128xf32>
      %get3A_139 = arith.constant 0 : index
      %get3A_140 = arith.constant 0 : index
      %get3A_141 = vector.load %arg11[%get3A_139, %get3A_140] : memref<1x128xf32, #tpu.memory_space<vmem>>, vector<1x128xf32>
      %reduce_sum3A_142 = arith.constant dense<0.000000e+00> : vector<1xf32>
      %reduce_sum3A_143 = vector.multi_reduction <add>, %get3A_141, %reduce_sum3A_142 [1] : vector<1x128xf32> to vector<1xf32>
      %broadcast_in_dim3A_144 = vector.shape_cast %reduce_sum3A_143 : vector<1xf32> to vector<1x1xf32>
      %div3A_145 = arith.constant 1.280000e+02 : f32
      %div3A_146 = vector.broadcast %div3A_145 : f32 to vector<1x1xf32>
      %div3A_147 = arith.divf %broadcast_in_dim3A_144, %div3A_146 : vector<1x1xf32>
      %sub3A_148 = vector.broadcast %div3A_147 : vector<1x1xf32> to vector<1x128xf32>
      %sub3A_149 = arith.subf %get3A_138, %sub3A_148 : vector<1x128xf32>
      %add3A_150 = vector.broadcast %dot_general3A_123 : vector<1x128xf32> to vector<48x128xf32>
      %add3A_151 = arith.addf %dot_general3A_129, %add3A_150 : vector<48x128xf32>
      %add3A_152 = vector.broadcast %sub3A_149 : vector<1x128xf32> to vector<48x128xf32>
      %add3A_153 = arith.addf %add3A_151, %add3A_152 : vector<48x128xf32>
      %convert_element_type3A_154 = arith.truncf %add3A_153 : vector<48x128xf32> to vector<48x128xbf16>
      %swap3A_155 = arith.constant 0 : index
      %swap3A_156 = arith.constant 0 : index
      %swap3A_157 = vector.load %arg19[%swap3A_155, %swap3A_156] : memref<48x128xbf16, #tpu.memory_space<vmem>>, vector<48x128xbf16>
      tpu.vector_store %arg19[%swap3A_155, %swap3A_156], %convert_element_type3A_154 {strides = array<i32>} : memref<48x128xbf16, #tpu.memory_space<vmem>>, vector<48x128xbf16>,
      %broadcast_in_dim3A_158 = arith.constant 0.000000e+00 : f32
      %broadcast_in_dim3A_159 = vector.broadcast %broadcast_in_dim3A_158 : f32 to vector<1x128xf32>
      %concatenate3A = tpu.concatenate %dot_general3A_135, %broadcast_in_dim3A_159 in 0 : vector<7x128xf32>, vector<1x128xf32> -> vector<8x128xf32>
      %convert_element_type3A_160 = arith.truncf %concatenate3A : vector<8x128xf32> to vector<8x128xbf16>
      %swap3A_161 = arith.constant 0 : index
      %swap3A_162 = arith.constant 0 : index
      %swap3A_163 = vector.load %arg20[%swap3A_161, %swap3A_162] : memref<8x128xbf16, #tpu.memory_space<vmem>>, vector<8x128xbf16>
      tpu.vector_store %arg20[%swap3A_161, %swap3A_162], %convert_element_type3A_160 {strides = array<i32>} : memref<8x128xbf16, #tpu.memory_space<vmem>>, vector<8x128xbf16>,
    } else {
    }
    %get3A = arith.constant 0 : index
    %get3A_2 = arith.constant 0 : index
    %get3A_3 = vector.load %arg1[%get3A, %get3A_2] : memref<6400x128xf32, #tpu.memory_space<vmem>>, vector<6400x128xf32>
    %convert_element_type3A_4 = arith.truncf %get3A_3 : vector<6400x128xf32> to vector<6400x128xbf16>
    %get3A_5 = arith.constant 0 : index
    %get3A_6 = arith.constant 0 : index
    %get3A_7 = arith.constant 0 : index
    %get3A_8 = vector.load %arg2[%get3A_5, %get3A_6, %get3A_7] : memref<1x1x6400xf32, #tpu.memory_space<vmem>>, vector<1x1x6400xf32>
    %get3A_9 = vector.shape_cast %get3A_8 : vector<1x1x6400xf32> to vector<1x6400xf32>
    %get3A_10 = arith.constant 0 : index
    %get3A_11 = arith.constant 0 : index
    %get3A_12 = arith.constant 0 : index
    %get3A_13 = vector.load %arg3[%get3A_10, %get3A_11, %get3A_12] : memref<1x1x6400xf32, #tpu.memory_space<vmem>>, vector<1x1x6400xf32>
    %get3A_14 = vector.shape_cast %get3A_13 : vector<1x1x6400xf32> to vector<1x6400xf32>
    %get3A_15 = arith.constant 0 : index
    %get3A_16 = arith.constant 0 : index
    %get3A_17 = vector.load %arg6[%get3A_15, %get3A_16] : memref<64x2xf32, #tpu.memory_space<vmem>>, vector<64x1xf32>
    %mul3A = vector.broadcast %get3A_17 : vector<64x1xf32> to vector<64x6400xf32>
    %mul3A_18 = vector.broadcast %get3A_9 : vector<1x6400xf32> to vector<64x6400xf32>
    %mul3A_19 = arith.mulf %mul3A, %mul3A_18 : vector<64x6400xf32>
    %get3A_20 = arith.constant 0 : index
    %get3A_21 = arith.constant 1 : index
    %get3A_22 = vector.load %arg6[%get3A_20, %get3A_21] : memref<64x2xf32, #tpu.memory_space<vmem>>, vector<64x1xf32>
    %mul3A_23 = vector.broadcast %get3A_22 : vector<64x1xf32> to vector<64x6400xf32>
    %mul3A_24 = vector.broadcast %get3A_14 : vector<1x6400xf32> to vector<64x6400xf32>
    %mul3A_25 = arith.mulf %mul3A_23, %mul3A_24 : vector<64x6400xf32>
    %add3A = arith.addf %mul3A_19, %mul3A_25 : vector<64x6400xf32>
    %get3A_26 = arith.constant 0 : index
    %get3A_27 = arith.constant 0 : index
    %get3A_28 = vector.load %arg7[%get3A_26, %get3A_27] : memref<64x1xf32, #tpu.memory_space<vmem>>, vector<64x1xf32>
    %add3A_29 = vector.broadcast %get3A_28 : vector<64x1xf32> to vector<64x6400xf32>
    %add3A_30 = arith.addf %add3A, %add3A_29 : vector<64x6400xf32>
    %max3A = arith.constant 0.000000e+00 : f32
    %max3A_31 = vector.broadcast %max3A : f32 to vector<64x6400xf32>
    %max3A_32 = arith.maximumf %add3A_30, %max3A_31 : vector<64x6400xf32>
    %convert_element_type3A_33 = arith.truncf %max3A_32 : vector<64x6400xf32> to vector<64x6400xbf16>
    %iota3A = tpu.iota {dimensions = array<i32: 0>} : vector<48x6400xi32>
    %get3A_34 = arith.constant 0 : index
    %get3A_35 = arith.constant 0 : index
    %get3A_36 = arith.constant 0 : index
    %get3A_37 = vector.load %arg4[%get3A_34, %get3A_35, %get3A_36] : memref<1x1x6400xi32, #tpu.memory_space<vmem>>, vector<1x1x6400xi32>
    %get3A_38 = vector.shape_cast %get3A_37 : vector<1x1x6400xi32> to vector<1x6400xi32>
    %eq3A_39 = vector.broadcast %get3A_38 : vector<1x6400xi32> to vector<48x6400xi32>
    %eq3A_40 = arith.cmpi eq, %iota3A, %eq3A_39 : vector<48x6400xi32>
    %convert_element_type3A_41 = arith.extui %eq3A_40 : vector<48x6400xi1> to vector<48x6400xi32>
    %convert_element_type3A_42 = arith.sitofp %convert_element_type3A_41 : vector<48x6400xi32> to vector<48x6400xf32>
    %convert_element_type3A_43 = arith.truncf %convert_element_type3A_42 : vector<48x6400xf32> to vector<48x6400xbf16>
    %iota3A_44 = tpu.iota {dimensions = array<i32: 0>} : vector<8x6400xi32>
    %get3A_45 = arith.constant 0 : index
    %get3A_46 = arith.constant 0 : index
    %get3A_47 = arith.constant 0 : index
    %get3A_48 = vector.load %arg5[%get3A_45, %get3A_46, %get3A_47] : memref<1x1x6400xi32, #tpu.memory_space<vmem>>, vector<1x1x6400xi32>
    %get3A_49 = vector.shape_cast %get3A_48 : vector<1x1x6400xi32> to vector<1x6400xi32>
    %eq3A_50 = vector.broadcast %get3A_49 : vector<1x6400xi32> to vector<8x6400xi32>
    %eq3A_51 = arith.cmpi eq, %iota3A_44, %eq3A_50 : vector<8x6400xi32>
    %convert_element_type3A_52 = arith.extui %eq3A_51 : vector<8x6400xi1> to vector<8x6400xi32>
    %convert_element_type3A_53 = arith.sitofp %convert_element_type3A_52 : vector<8x6400xi32> to vector<8x6400xf32>
    %convert_element_type3A_54 = arith.truncf %convert_element_type3A_53 : vector<8x6400xf32> to vector<8x6400xbf16>
    %get3A_55 = arith.constant 0 : index
    %get3A_56 = arith.constant 0 : index
    %get3A_57 = vector.load %arg17[%get3A_55, %get3A_56] : memref<256x128xbf16, #tpu.memory_space<vmem>>, vector<128x128xbf16>
    %dot_general3A = arith.constant dense<0.000000e+00> : vector<6400x128xf32>
    %dot_general3A_58 = tpu.matmul %convert_element_type3A_4, %get3A_57, %dot_general3A {dimension_numbers = #tpu.dot_dimension_numbers<[1], [0], [0], [1], [0, 0, 1, 1], [], []>, transpose_lhs_hint = false} : vector<6400x128xbf16>, vector<128x128xbf16>, vector<6400x128xf32> -> vector<6400x128xf32>
    %get3A_59 = arith.constant 0 : index
    %get3A_60 = arith.constant 0 : index
    %get3A_61 = vector.load %arg18[%get3A_59, %get3A_60] : memref<64x128xbf16, #tpu.memory_space<vmem>>, vector<64x128xbf16>
    %dot_general3A_62 = arith.constant dense<0.000000e+00> : vector<6400x128xf32>
    %dot_general3A_63 = tpu.matmul %convert_element_type3A_33, %get3A_61, %dot_general3A_62 {dimension_numbers = #tpu.dot_dimension_numbers<[0], [0], [1], [1], [0, 1, 1, 1], [], []>, transpose_lhs_hint = false} : vector<64x6400xbf16>, vector<64x128xbf16>, vector<6400x128xf32> -> vector<6400x128xf32>
    %add3A_64 = arith.addf %dot_general3A_58, %dot_general3A_63 : vector<6400x128xf32>
    %get3A_65 = arith.constant 0 : index
    %get3A_66 = arith.constant 0 : index
    %get3A_67 = vector.load %arg19[%get3A_65, %get3A_66] : memref<48x128xbf16, #tpu.memory_space<vmem>>, vector<48x128xbf16>
    %dot_general3A_68 = arith.constant dense<0.000000e+00> : vector<6400x128xf32>
    %dot_general3A_69 = tpu.matmul %convert_element_type3A_43, %get3A_67, %dot_general3A_68 {dimension_numbers = #tpu.dot_dimension_numbers<[0], [0], [1], [1], [0, 1, 1, 1], [], []>, transpose_lhs_hint = false} : vector<48x6400xbf16>, vector<48x128xbf16>, vector<6400x128xf32> -> vector<6400x128xf32>
    %add3A_70 = arith.addf %add3A_64, %dot_general3A_69 : vector<6400x128xf32>
    %get3A_71 = arith.constant 0 : index
    %get3A_72 = arith.constant 0 : index
    %get3A_73 = vector.load %arg20[%get3A_71, %get3A_72] : memref<8x128xbf16, #tpu.memory_space<vmem>>, vector<8x128xbf16>
    %dot_general3A_74 = arith.constant dense<0.000000e+00> : vector<6400x128xf32>
    %dot_general3A_75 = tpu.matmul %convert_element_type3A_54, %get3A_73, %dot_general3A_74 {dimension_numbers = #tpu.dot_dimension_numbers<[0], [0], [1], [1], [0, 1, 1, 1], [], []>, transpose_lhs_hint = false} : vector<8x6400xbf16>, vector<8x128xbf16>, vector<6400x128xf32> -> vector<6400x128xf32>
    %add3A_76 = arith.addf %add3A_70, %dot_general3A_75 : vector<6400x128xf32>
    %broadcast_in_dim3A = arith.constant 7.812500e-03 : bf16
    %broadcast_in_dim3A_77 = vector.broadcast %broadcast_in_dim3A : bf16 to vector<128x128xbf16>
    %mul3A_78 = arith.mulf %add3A_76, %add3A_76 : vector<6400x128xf32>
    %convert_element_type3A_79 = arith.truncf %mul3A_78 : vector<6400x128xf32> to vector<6400x128xbf16>
    %dot_general3A_80 = arith.constant dense<0.000000e+00> : vector<6400x128xf32>
    %dot_general3A_81 = tpu.matmul %convert_element_type3A_79, %broadcast_in_dim3A_77, %dot_general3A_80 {dimension_numbers = #tpu.dot_dimension_numbers<[1], [0], [0], [1], [0, 0, 1, 1], [], []>, transpose_lhs_hint = false} : vector<6400x128xbf16>, vector<128x128xbf16>, vector<6400x128xf32> -> vector<6400x128xf32>
    %add3A_82 = arith.constant 9.99999974E-6 : f32
    %add3A_83 = vector.broadcast %add3A_82 : f32 to vector<6400x128xf32>
    %add3A_84 = arith.addf %dot_general3A_81, %add3A_83 : vector<6400x128xf32>
    %rsqrt3A = math.rsqrt %add3A_84 : vector<6400x128xf32>
    %mul3A_85 = arith.mulf %add3A_76, %rsqrt3A : vector<6400x128xf32>
    %get3A_86 = arith.constant 0 : index
    %get3A_87 = arith.constant 0 : index
    %get3A_88 = vector.load %arg12[%get3A_86, %get3A_87] : memref<1x128xf32, #tpu.memory_space<vmem>>, vector<1x128xf32>
    %mul3A_89 = vector.broadcast %get3A_88 : vector<1x128xf32> to vector<6400x128xf32>
    %mul3A_90 = arith.mulf %mul3A_85, %mul3A_89 : vector<6400x128xf32>
    %get3A_91 = arith.constant 0 : index
    %get3A_92 = arith.constant 0 : index
    %get3A_93 = vector.load %arg13[%get3A_91, %get3A_92] : memref<1x128xf32, #tpu.memory_space<vmem>>, vector<1x128xf32>
    %add3A_94 = vector.broadcast %get3A_93 : vector<1x128xf32> to vector<6400x128xf32>
    %add3A_95 = arith.addf %mul3A_90, %add3A_94 : vector<6400x128xf32>
    %swap3A = arith.constant 0 : index
    %swap3A_96 = arith.constant 0 : index
    %swap3A_97 = vector.load %arg16[%swap3A, %swap3A_96] : memref<6400x128xf32, #tpu.memory_space<vmem>>, vector<6400x128xf32>
    tpu.vector_store %arg16[%swap3A, %swap3A_96], %add3A_95 {strides = array<i32>} : memref<6400x128xf32, #tpu.memory_space<vmem>>, vector<6400x128xf32>,
    return
  }
  func.func @transform_0(%arg0: i32) -> (i32, i32) {
    %c0_i32 = arith.constant 0 : i32
    %c0_i32_0 = arith.constant 0 : i32
    return %arg0, %c0_i32 : i32, i32
  }
  func.func @transform_1(%arg0: i32) -> (i32, i32, i32) {
    %c0_i32 = arith.constant 0 : i32
    %c0_i32_0 = arith.constant 0 : i32
    %c0_i32_1 = arith.constant 0 : i32
    return %arg0, %c0_i32, %c0_i32_0 : i32, i32, i32
  }
  func.func @transform_2(%arg0: i32) -> (i32, i32, i32) {
    %c0_i32 = arith.constant 0 : i32
    %c0_i32_0 = arith.constant 0 : i32
    %c0_i32_1 = arith.constant 0 : i32
    return %arg0, %c0_i32, %c0_i32_0 : i32, i32, i32
  }
  func.func @transform_3(%arg0: i32) -> (i32, i32, i32) {
    %c0_i32 = arith.constant 0 : i32
    %c0_i32_0 = arith.constant 0 : i32
    %c0_i32_1 = arith.constant 0 : i32
    return %arg0, %c0_i32, %c0_i32_0 : i32, i32, i32
  }
  func.func @transform_4(%arg0: i32) -> (i32, i32, i32) {
    %c0_i32 = arith.constant 0 : i32
    %c0_i32_0 = arith.constant 0 : i32
    %c0_i32_1 = arith.constant 0 : i32
    return %arg0, %c0_i32, %c0_i32_0 : i32, i32, i32
  }
  func.func @transform_5(%arg0: i32) -> (i32, i32) {
    %c0_i32 = arith.constant 0 : i32
    %c0_i32_0 = arith.constant 0 : i32
    %c0_i32_1 = arith.constant 0 : i32
    return %c0_i32, %c0_i32_0 : i32, i32
  }
  func.func @transform_6(%arg0: i32) -> (i32, i32) {
    %c0_i32 = arith.constant 0 : i32
    %c0_i32_0 = arith.constant 0 : i32
    %c0_i32_1 = arith.constant 0 : i32
    return %c0_i32, %c0_i32_0 : i32, i32
  }
  func.func @transform_7(%arg0: i32) -> (i32, i32) {
    %c0_i32 = arith.constant 0 : i32
    %c0_i32_0 = arith.constant 0 : i32
    %c0_i32_1 = arith.constant 0 : i32
    return %c0_i32, %c0_i32_0 : i32, i32
  }
  func.func @transform_8(%arg0: i32) -> (i32, i32) {
    %c0_i32 = arith.constant 0 : i32
    %c0_i32_0 = arith.constant 0 : i32
    %c0_i32_1 = arith.constant 0 : i32
    return %c0_i32, %c0_i32_0 : i32, i32
  }
  func.func @transform_9(%arg0: i32) -> (i32, i32) {
    %c0_i32 = arith.constant 0 : i32
    %c0_i32_0 = arith.constant 0 : i32
    %c0_i32_1 = arith.constant 0 : i32
    return %c0_i32, %c0_i32_0 : i32, i32
  }
  func.func @transform_10(%arg0: i32) -> (i32, i32) {
    %c0_i32 = arith.constant 0 : i32
    %c0_i32_0 = arith.constant 0 : i32
    %c0_i32_1 = arith.constant 0 : i32
    return %c0_i32, %c0_i32_0 : i32, i32
  }
  func.func @transform_11(%arg0: i32) -> (i32, i32) {
    %c0_i32 = arith.constant 0 : i32
    %c0_i32_0 = arith.constant 0 : i32
    %c0_i32_1 = arith.constant 0 : i32
    return %c0_i32, %c0_i32_0 : i32, i32
  }
  func.func @transform_12(%arg0: i32) -> (i32, i32) {
    %c0_i32 = arith.constant 0 : i32
    %c0_i32_0 = arith.constant 0 : i32
    %c0_i32_1 = arith.constant 0 : i32
    return %c0_i32, %c0_i32_0 : i32, i32
  }
  func.func @transform_13(%arg0: i32) -> (i32, i32) {
    %c0_i32 = arith.constant 0 : i32
    %c0_i32_0 = arith.constant 0 : i32
    %c0_i32_1 = arith.constant 0 : i32
    return %c0_i32, %c0_i32_0 : i32, i32
  }
  func.func @transform_14(%arg0: i32) -> (i32, i32) {
    %c0_i32 = arith.constant 0 : i32
    %c0_i32_0 = arith.constant 0 : i32
    %c0_i32_1 = arith.constant 0 : i32
    return %c0_i32, %c0_i32_0 : i32, i32
  }
  func.func @transform_15(%arg0: i32) -> (i32, i32) {
    %add3A = arith.constant 0 : i32
    %add3A_0 = arith.addi %arg0, %add3A : i32
    %c0_i32 = arith.constant 0 : i32
    %c0_i32_1 = arith.constant 0 : i32
    return %add3A_0, %c0_i32 : i32, i32
  }
}

module attributes {stable_mosaic.version = 14 : i64} {
  func.func @body(%arg0: i32, %arg1: memref<6400x128xf32, #tpu.memory_space<vmem>>, %arg2: memref<1x1x6400xf32, #tpu.memory_space<vmem>>, %arg3: memref<1x1x6400xf32, #tpu.memory_space<vmem>>, %arg4: memref<1x1x6400xi32, #tpu.memory_space<vmem>>, %arg5: memref<1x1x6400xi32, #tpu.memory_space<vmem>>, %arg6: memref<64x2xf32, #tpu.memory_space<vmem>>, %arg7: memref<64x1xf32, #tpu.memory_space<vmem>>, %arg8: memref<64x64xf32, #tpu.memory_space<vmem>>, %arg9: memref<1x64xf32, #tpu.memory_space<vmem>>, %arg10: memref<256x128xf32, #tpu.memory_space<vmem>>, %arg11: memref<1x128xf32, #tpu.memory_space<vmem>>, %arg12: memref<1x128xf32, #tpu.memory_space<vmem>>, %arg13: memref<1x128xf32, #tpu.memory_space<vmem>>, %arg14: memref<48x32xf32, #tpu.memory_space<vmem>>, %arg15: memref<7x32xf32, #tpu.memory_space<vmem>>, %arg16: memref<204800x128xf32, #tpu.memory_space<any>>, %arg17: memref<6400x128xf32, #tpu.memory_space<vmem>>, %arg18: memref<256x128xbf16, #tpu.memory_space<vmem>>, %arg19: memref<64x128xbf16, #tpu.memory_space<vmem>>, %arg20: memref<48x128xbf16, #tpu.memory_space<vmem>>, %arg21: memref<8x128xbf16, #tpu.memory_space<vmem>>) attributes {dimension_semantics = [#tpu.dimension_semantics<arbitrary>], iteration_bounds = array<i64: 8>, scalar_prefetch = 0 : i64, scratch_operands = 4 : i64, tpu.core_type = #tpu.core_type<tc>, window_params = [{transform_indices = @transform_0, window_bounds = array<i64: 6400, 128>}, {transform_indices = @transform_1, window_bounds = array<i64: 1, 1, 6400>}, {transform_indices = @transform_2, window_bounds = array<i64: 1, 1, 6400>}, {transform_indices = @transform_3, window_bounds = array<i64: 1, 1, 6400>}, {transform_indices = @transform_4, window_bounds = array<i64: 1, 1, 6400>}, {pipeline_mode = #tpu.pipeline_mode<synchronous>, transform_indices = @transform_5, window_bounds = array<i64: 64, 2>}, {pipeline_mode = #tpu.pipeline_mode<synchronous>, transform_indices = @transform_6, window_bounds = array<i64: 64, 1>}, {pipeline_mode = #tpu.pipeline_mode<synchronous>, transform_indices = @transform_7, window_bounds = array<i64: 64, 64>}, {pipeline_mode = #tpu.pipeline_mode<synchronous>, transform_indices = @transform_8, window_bounds = array<i64: 1, 64>}, {pipeline_mode = #tpu.pipeline_mode<synchronous>, transform_indices = @transform_9, window_bounds = array<i64: 256, 128>}, {pipeline_mode = #tpu.pipeline_mode<synchronous>, transform_indices = @transform_10, window_bounds = array<i64: 1, 128>}, {pipeline_mode = #tpu.pipeline_mode<synchronous>, transform_indices = @transform_11, window_bounds = array<i64: 1, 128>}, {pipeline_mode = #tpu.pipeline_mode<synchronous>, transform_indices = @transform_12, window_bounds = array<i64: 1, 128>}, {pipeline_mode = #tpu.pipeline_mode<synchronous>, transform_indices = @transform_13, window_bounds = array<i64: 48, 32>}, {pipeline_mode = #tpu.pipeline_mode<synchronous>, transform_indices = @transform_14, window_bounds = array<i64: 7, 32>}, {}, {transform_indices = @transform_16, window_bounds = array<i64: 6400, 128>}]} {
    %eq3A = arith.constant 0 : i32
    %eq3A_0 = arith.cmpi eq, %arg0, %eq3A : i32
    %convert_element_type3A = arith.extui %eq3A_0 : i1 to i32
    %cond3A = arith.constant 0 : i32
    %cond3A_1 = arith.cmpi ne, %convert_element_type3A, %cond3A : i32
    scf.if %cond3A_1 {
      %get3A_98 = arith.constant 0 : index
      %get3A_99 = arith.constant 0 : index
      %get3A_100 = vector.load %arg10[%get3A_98, %get3A_99] : memref<256x128xf32, #tpu.memory_space<vmem>>, vector<256x128xf32>
      %reduce_sum3A = arith.constant dense<0.000000e+00> : vector<256xf32>
      %reduce_sum3A_101 = vector.multi_reduction <add>, %get3A_100, %reduce_sum3A [1] : vector<256x128xf32> to vector<256xf32>
      %broadcast_in_dim3A_102 = vector.shape_cast %reduce_sum3A_101 : vector<256xf32> to vector<256x1xf32>
      %div3A = arith.constant 1.280000e+02 : f32
      %div3A_103 = vector.broadcast %div3A : f32 to vector<256x1xf32>
      %div3A_104 = arith.divf %broadcast_in_dim3A_102, %div3A_103 : vector<256x1xf32>
      %sub3A = vector.broadcast %div3A_104 : vector<256x1xf32> to vector<256x128xf32>
      %sub3A_105 = arith.subf %get3A_100, %sub3A : vector<256x128xf32>
      %convert_element_type3A_106 = arith.truncf %sub3A_105 : vector<256x128xf32> to vector<256x128xbf16>
      %swap3A_107 = arith.constant 0 : index
      %swap3A_108 = arith.constant 0 : index
      %swap3A_109 = vector.load %arg18[%swap3A_107, %swap3A_108] : memref<256x128xbf16, #tpu.memory_space<vmem>>, vector<256x128xbf16>
      tpu.vector_store %arg18[%swap3A_107, %swap3A_108], %convert_element_type3A_106 {strides = array<i32>} : memref<256x128xbf16, #tpu.memory_space<vmem>>, vector<256x128xbf16>,
      %get3A_110 = arith.constant 0 : index
      %get3A_111 = arith.constant 0 : index
      %get3A_112 = vector.load %arg8[%get3A_110, %get3A_111] : memref<64x64xf32, #tpu.memory_space<vmem>>, vector<64x64xf32>
      %slice3A = vector.extract_strided_slice %sub3A_105 {offsets = [128, 0], sizes = [64, 128], strides = [1, 1]} : vector<256x128xf32> to vector<64x128xf32>
      %dot_general3A_113 = arith.constant dense<0.000000e+00> : vector<64x128xf32>
      %dot_general3A_114 = tpu.matmul %get3A_112, %slice3A, %dot_general3A_113 {dimension_numbers = #tpu.dot_dimension_numbers<[1], [0], [0], [1], [0, 0, 1, 1], [], []>, transpose_lhs_hint = false} : vector<64x64xf32>, vector<64x128xf32>, vector<64x128xf32> -> vector<64x128xf32>
      %convert_element_type3A_115 = arith.truncf %dot_general3A_114 : vector<64x128xf32> to vector<64x128xbf16>
      %swap3A_116 = arith.constant 0 : index
      %swap3A_117 = arith.constant 0 : index
      %swap3A_118 = vector.load %arg19[%swap3A_116, %swap3A_117] : memref<64x128xbf16, #tpu.memory_space<vmem>>, vector<64x128xbf16>
      tpu.vector_store %arg19[%swap3A_116, %swap3A_117], %convert_element_type3A_115 {strides = array<i32>} : memref<64x128xbf16, #tpu.memory_space<vmem>>, vector<64x128xbf16>,
      %get3A_119 = arith.constant 0 : index
      %get3A_120 = arith.constant 0 : index
      %get3A_121 = vector.load %arg9[%get3A_119, %get3A_120] : memref<1x64xf32, #tpu.memory_space<vmem>>, vector<1x64xf32>
      %dot_general3A_122 = arith.constant dense<0.000000e+00> : vector<1x128xf32>
      %dot_general3A_123 = tpu.matmul %get3A_121, %dot_general3A_114, %dot_general3A_122 {dimension_numbers = #tpu.dot_dimension_numbers<[1], [0], [0], [1], [0, 0, 1, 1], [], []>, transpose_lhs_hint = false} : vector<1x64xf32>, vector<64x128xf32>, vector<1x128xf32> -> vector<1x128xf32>
      %get3A_124 = arith.constant 0 : index
      %get3A_125 = arith.constant 0 : index
      %get3A_126 = vector.load %arg14[%get3A_124, %get3A_125] : memref<48x32xf32, #tpu.memory_space<vmem>>, vector<48x32xf32>
      %slice3A_127 = vector.extract_strided_slice %sub3A_105 {offsets = [192, 0], sizes = [32, 128], strides = [1, 1]} : vector<256x128xf32> to vector<32x128xf32>
      %dot_general3A_128 = arith.constant dense<0.000000e+00> : vector<48x128xf32>
      %dot_general3A_129 = tpu.matmul %get3A_126, %slice3A_127, %dot_general3A_128 {dimension_numbers = #tpu.dot_dimension_numbers<[1], [0], [0], [1], [0, 0, 1, 1], [], []>, transpose_lhs_hint = false} : vector<48x32xf32>, vector<32x128xf32>, vector<48x128xf32> -> vector<48x128xf32>
      %get3A_130 = arith.constant 0 : index
      %get3A_131 = arith.constant 0 : index
      %get3A_132 = vector.load %arg15[%get3A_130, %get3A_131] : memref<7x32xf32, #tpu.memory_space<vmem>>, vector<7x32xf32>
      %slice3A_133 = vector.extract_strided_slice %sub3A_105 {offsets = [224, 0], sizes = [32, 128], strides = [1, 1]} : vector<256x128xf32> to vector<32x128xf32>
      %dot_general3A_134 = arith.constant dense<0.000000e+00> : vector<7x128xf32>
      %dot_general3A_135 = tpu.matmul %get3A_132, %slice3A_133, %dot_general3A_134 {dimension_numbers = #tpu.dot_dimension_numbers<[1], [0], [0], [1], [0, 0, 1, 1], [], []>, transpose_lhs_hint = false} : vector<7x32xf32>, vector<32x128xf32>, vector<7x128xf32> -> vector<7x128xf32>
      %get3A_136 = arith.constant 0 : index
      %get3A_137 = arith.constant 0 : index
      %get3A_138 = vector.load %arg11[%get3A_136, %get3A_137] : memref<1x128xf32, #tpu.memory_space<vmem>>, vector<1x128xf32>
      %get3A_139 = arith.constant 0 : index
      %get3A_140 = arith.constant 0 : index
      %get3A_141 = vector.load %arg11[%get3A_139, %get3A_140] : memref<1x128xf32, #tpu.memory_space<vmem>>, vector<1x128xf32>
      %reduce_sum3A_142 = arith.constant dense<0.000000e+00> : vector<1xf32>
      %reduce_sum3A_143 = vector.multi_reduction <add>, %get3A_141, %reduce_sum3A_142 [1] : vector<1x128xf32> to vector<1xf32>
      %broadcast_in_dim3A_144 = vector.shape_cast %reduce_sum3A_143 : vector<1xf32> to vector<1x1xf32>
      %div3A_145 = arith.constant 1.280000e+02 : f32
      %div3A_146 = vector.broadcast %div3A_145 : f32 to vector<1x1xf32>
      %div3A_147 = arith.divf %broadcast_in_dim3A_144, %div3A_146 : vector<1x1xf32>
      %sub3A_148 = vector.broadcast %div3A_147 : vector<1x1xf32> to vector<1x128xf32>
      %sub3A_149 = arith.subf %get3A_138, %sub3A_148 : vector<1x128xf32>
      %add3A_150 = vector.broadcast %dot_general3A_123 : vector<1x128xf32> to vector<48x128xf32>
      %add3A_151 = arith.addf %dot_general3A_129, %add3A_150 : vector<48x128xf32>
      %add3A_152 = vector.broadcast %sub3A_149 : vector<1x128xf32> to vector<48x128xf32>
      %add3A_153 = arith.addf %add3A_151, %add3A_152 : vector<48x128xf32>
      %convert_element_type3A_154 = arith.truncf %add3A_153 : vector<48x128xf32> to vector<48x128xbf16>
      %swap3A_155 = arith.constant 0 : index
      %swap3A_156 = arith.constant 0 : index
      %swap3A_157 = vector.load %arg20[%swap3A_155, %swap3A_156] : memref<48x128xbf16, #tpu.memory_space<vmem>>, vector<48x128xbf16>
      tpu.vector_store %arg20[%swap3A_155, %swap3A_156], %convert_element_type3A_154 {strides = array<i32>} : memref<48x128xbf16, #tpu.memory_space<vmem>>, vector<48x128xbf16>,
      %broadcast_in_dim3A_158 = arith.constant 0.000000e+00 : f32
      %broadcast_in_dim3A_159 = vector.broadcast %broadcast_in_dim3A_158 : f32 to vector<1x128xf32>
      %concatenate3A = tpu.concatenate %dot_general3A_135, %broadcast_in_dim3A_159 in 0 : vector<7x128xf32>, vector<1x128xf32> -> vector<8x128xf32>
      %convert_element_type3A_160 = arith.truncf %concatenate3A : vector<8x128xf32> to vector<8x128xbf16>
      %swap3A_161 = arith.constant 0 : index
      %swap3A_162 = arith.constant 0 : index
      %swap3A_163 = vector.load %arg21[%swap3A_161, %swap3A_162] : memref<8x128xbf16, #tpu.memory_space<vmem>>, vector<8x128xbf16>
      tpu.vector_store %arg21[%swap3A_161, %swap3A_162], %convert_element_type3A_160 {strides = array<i32>} : memref<8x128xbf16, #tpu.memory_space<vmem>>, vector<8x128xbf16>,
    } else {
    }
    %get3A = arith.constant 0 : index
    %get3A_2 = arith.constant 0 : index
    %get3A_3 = vector.load %arg1[%get3A, %get3A_2] : memref<6400x128xf32, #tpu.memory_space<vmem>>, vector<6400x128xf32>
    %convert_element_type3A_4 = arith.truncf %get3A_3 : vector<6400x128xf32> to vector<6400x128xbf16>
    %get3A_5 = arith.constant 0 : index
    %get3A_6 = arith.constant 0 : index
    %get3A_7 = arith.constant 0 : index
    %get3A_8 = vector.load %arg2[%get3A_5, %get3A_6, %get3A_7] : memref<1x1x6400xf32, #tpu.memory_space<vmem>>, vector<1x1x6400xf32>
    %get3A_9 = vector.shape_cast %get3A_8 : vector<1x1x6400xf32> to vector<1x6400xf32>
    %get3A_10 = arith.constant 0 : index
    %get3A_11 = arith.constant 0 : index
    %get3A_12 = arith.constant 0 : index
    %get3A_13 = vector.load %arg3[%get3A_10, %get3A_11, %get3A_12] : memref<1x1x6400xf32, #tpu.memory_space<vmem>>, vector<1x1x6400xf32>
    %get3A_14 = vector.shape_cast %get3A_13 : vector<1x1x6400xf32> to vector<1x6400xf32>
    %get3A_15 = arith.constant 0 : index
    %get3A_16 = arith.constant 0 : index
    %get3A_17 = vector.load %arg6[%get3A_15, %get3A_16] : memref<64x2xf32, #tpu.memory_space<vmem>>, vector<64x1xf32>
    %mul3A = vector.broadcast %get3A_17 : vector<64x1xf32> to vector<64x6400xf32>
    %mul3A_18 = vector.broadcast %get3A_9 : vector<1x6400xf32> to vector<64x6400xf32>
    %mul3A_19 = arith.mulf %mul3A, %mul3A_18 : vector<64x6400xf32>
    %get3A_20 = arith.constant 0 : index
    %get3A_21 = arith.constant 1 : index
    %get3A_22 = vector.load %arg6[%get3A_20, %get3A_21] : memref<64x2xf32, #tpu.memory_space<vmem>>, vector<64x1xf32>
    %mul3A_23 = vector.broadcast %get3A_22 : vector<64x1xf32> to vector<64x6400xf32>
    %mul3A_24 = vector.broadcast %get3A_14 : vector<1x6400xf32> to vector<64x6400xf32>
    %mul3A_25 = arith.mulf %mul3A_23, %mul3A_24 : vector<64x6400xf32>
    %add3A = arith.addf %mul3A_19, %mul3A_25 : vector<64x6400xf32>
    %get3A_26 = arith.constant 0 : index
    %get3A_27 = arith.constant 0 : index
    %get3A_28 = vector.load %arg7[%get3A_26, %get3A_27] : memref<64x1xf32, #tpu.memory_space<vmem>>, vector<64x1xf32>
    %add3A_29 = vector.broadcast %get3A_28 : vector<64x1xf32> to vector<64x6400xf32>
    %add3A_30 = arith.addf %add3A, %add3A_29 : vector<64x6400xf32>
    %max3A = arith.constant 0.000000e+00 : f32
    %max3A_31 = vector.broadcast %max3A : f32 to vector<64x6400xf32>
    %max3A_32 = arith.maximumf %add3A_30, %max3A_31 : vector<64x6400xf32>
    %convert_element_type3A_33 = arith.truncf %max3A_32 : vector<64x6400xf32> to vector<64x6400xbf16>
    %iota3A = tpu.iota {dimensions = array<i32: 0>} : vector<48x6400xi32>
    %get3A_34 = arith.constant 0 : index
    %get3A_35 = arith.constant 0 : index
    %get3A_36 = arith.constant 0 : index
    %get3A_37 = vector.load %arg4[%get3A_34, %get3A_35, %get3A_36] : memref<1x1x6400xi32, #tpu.memory_space<vmem>>, vector<1x1x6400xi32>
    %get3A_38 = vector.shape_cast %get3A_37 : vector<1x1x6400xi32> to vector<1x6400xi32>
    %eq3A_39 = vector.broadcast %get3A_38 : vector<1x6400xi32> to vector<48x6400xi32>
    %eq3A_40 = arith.cmpi eq, %iota3A, %eq3A_39 : vector<48x6400xi32>
    %convert_element_type3A_41 = arith.extui %eq3A_40 : vector<48x6400xi1> to vector<48x6400xi32>
    %convert_element_type3A_42 = arith.sitofp %convert_element_type3A_41 : vector<48x6400xi32> to vector<48x6400xf32>
    %convert_element_type3A_43 = arith.truncf %convert_element_type3A_42 : vector<48x6400xf32> to vector<48x6400xbf16>
    %iota3A_44 = tpu.iota {dimensions = array<i32: 0>} : vector<8x6400xi32>
    %get3A_45 = arith.constant 0 : index
    %get3A_46 = arith.constant 0 : index
    %get3A_47 = arith.constant 0 : index
    %get3A_48 = vector.load %arg5[%get3A_45, %get3A_46, %get3A_47] : memref<1x1x6400xi32, #tpu.memory_space<vmem>>, vector<1x1x6400xi32>
    %get3A_49 = vector.shape_cast %get3A_48 : vector<1x1x6400xi32> to vector<1x6400xi32>
    %eq3A_50 = vector.broadcast %get3A_49 : vector<1x6400xi32> to vector<8x6400xi32>
    %eq3A_51 = arith.cmpi eq, %iota3A_44, %eq3A_50 : vector<8x6400xi32>
    %convert_element_type3A_52 = arith.extui %eq3A_51 : vector<8x6400xi1> to vector<8x6400xi32>
    %convert_element_type3A_53 = arith.sitofp %convert_element_type3A_52 : vector<8x6400xi32> to vector<8x6400xf32>
    %convert_element_type3A_54 = arith.truncf %convert_element_type3A_53 : vector<8x6400xf32> to vector<8x6400xbf16>
    %get3A_55 = arith.constant 0 : index
    %get3A_56 = arith.constant 0 : index
    %get3A_57 = vector.load %arg18[%get3A_55, %get3A_56] : memref<256x128xbf16, #tpu.memory_space<vmem>>, vector<128x128xbf16>
    %dot_general3A = arith.constant dense<0.000000e+00> : vector<6400x128xf32>
    %dot_general3A_58 = tpu.matmul %convert_element_type3A_4, %get3A_57, %dot_general3A {dimension_numbers = #tpu.dot_dimension_numbers<[1], [0], [0], [1], [0, 0, 1, 1], [], []>, transpose_lhs_hint = false} : vector<6400x128xbf16>, vector<128x128xbf16>, vector<6400x128xf32> -> vector<6400x128xf32>
    %get3A_59 = arith.constant 0 : index
    %get3A_60 = arith.constant 0 : index
    %get3A_61 = vector.load %arg19[%get3A_59, %get3A_60] : memref<64x128xbf16, #tpu.memory_space<vmem>>, vector<64x128xbf16>
    %dot_general3A_62 = arith.constant dense<0.000000e+00> : vector<6400x128xf32>
    %dot_general3A_63 = tpu.matmul %convert_element_type3A_33, %get3A_61, %dot_general3A_62 {dimension_numbers = #tpu.dot_dimension_numbers<[0], [0], [1], [1], [0, 1, 1, 1], [], []>, transpose_lhs_hint = false} : vector<64x6400xbf16>, vector<64x128xbf16>, vector<6400x128xf32> -> vector<6400x128xf32>
    %add3A_64 = arith.addf %dot_general3A_58, %dot_general3A_63 : vector<6400x128xf32>
    %get3A_65 = arith.constant 0 : index
    %get3A_66 = arith.constant 0 : index
    %get3A_67 = vector.load %arg20[%get3A_65, %get3A_66] : memref<48x128xbf16, #tpu.memory_space<vmem>>, vector<48x128xbf16>
    %dot_general3A_68 = arith.constant dense<0.000000e+00> : vector<6400x128xf32>
    %dot_general3A_69 = tpu.matmul %convert_element_type3A_43, %get3A_67, %dot_general3A_68 {dimension_numbers = #tpu.dot_dimension_numbers<[0], [0], [1], [1], [0, 1, 1, 1], [], []>, transpose_lhs_hint = false} : vector<48x6400xbf16>, vector<48x128xbf16>, vector<6400x128xf32> -> vector<6400x128xf32>
    %add3A_70 = arith.addf %add3A_64, %dot_general3A_69 : vector<6400x128xf32>
    %get3A_71 = arith.constant 0 : index
    %get3A_72 = arith.constant 0 : index
    %get3A_73 = vector.load %arg21[%get3A_71, %get3A_72] : memref<8x128xbf16, #tpu.memory_space<vmem>>, vector<8x128xbf16>
    %dot_general3A_74 = arith.constant dense<0.000000e+00> : vector<6400x128xf32>
    %dot_general3A_75 = tpu.matmul %convert_element_type3A_54, %get3A_73, %dot_general3A_74 {dimension_numbers = #tpu.dot_dimension_numbers<[0], [0], [1], [1], [0, 1, 1, 1], [], []>, transpose_lhs_hint = false} : vector<8x6400xbf16>, vector<8x128xbf16>, vector<6400x128xf32> -> vector<6400x128xf32>
    %add3A_76 = arith.addf %add3A_70, %dot_general3A_75 : vector<6400x128xf32>
    %broadcast_in_dim3A = arith.constant 7.812500e-03 : bf16
    %broadcast_in_dim3A_77 = vector.broadcast %broadcast_in_dim3A : bf16 to vector<128x128xbf16>
    %mul3A_78 = arith.mulf %add3A_76, %add3A_76 : vector<6400x128xf32>
    %convert_element_type3A_79 = arith.truncf %mul3A_78 : vector<6400x128xf32> to vector<6400x128xbf16>
    %dot_general3A_80 = arith.constant dense<0.000000e+00> : vector<6400x128xf32>
    %dot_general3A_81 = tpu.matmul %convert_element_type3A_79, %broadcast_in_dim3A_77, %dot_general3A_80 {dimension_numbers = #tpu.dot_dimension_numbers<[1], [0], [0], [1], [0, 0, 1, 1], [], []>, transpose_lhs_hint = false} : vector<6400x128xbf16>, vector<128x128xbf16>, vector<6400x128xf32> -> vector<6400x128xf32>
    %add3A_82 = arith.constant 9.99999974E-6 : f32
    %add3A_83 = vector.broadcast %add3A_82 : f32 to vector<6400x128xf32>
    %add3A_84 = arith.addf %dot_general3A_81, %add3A_83 : vector<6400x128xf32>
    %rsqrt3A = math.rsqrt %add3A_84 : vector<6400x128xf32>
    %mul3A_85 = arith.mulf %add3A_76, %rsqrt3A : vector<6400x128xf32>
    %get3A_86 = arith.constant 0 : index
    %get3A_87 = arith.constant 0 : index
    %get3A_88 = vector.load %arg12[%get3A_86, %get3A_87] : memref<1x128xf32, #tpu.memory_space<vmem>>, vector<1x128xf32>
    %mul3A_89 = vector.broadcast %get3A_88 : vector<1x128xf32> to vector<6400x128xf32>
    %mul3A_90 = arith.mulf %mul3A_85, %mul3A_89 : vector<6400x128xf32>
    %get3A_91 = arith.constant 0 : index
    %get3A_92 = arith.constant 0 : index
    %get3A_93 = vector.load %arg13[%get3A_91, %get3A_92] : memref<1x128xf32, #tpu.memory_space<vmem>>, vector<1x128xf32>
    %add3A_94 = vector.broadcast %get3A_93 : vector<1x128xf32> to vector<6400x128xf32>
    %add3A_95 = arith.addf %mul3A_90, %add3A_94 : vector<6400x128xf32>
    %swap3A = arith.constant 0 : index
    %swap3A_96 = arith.constant 0 : index
    %swap3A_97 = vector.load %arg17[%swap3A, %swap3A_96] : memref<6400x128xf32, #tpu.memory_space<vmem>>, vector<6400x128xf32>
    tpu.vector_store %arg17[%swap3A, %swap3A_96], %add3A_95 {strides = array<i32>} : memref<6400x128xf32, #tpu.memory_space<vmem>>, vector<6400x128xf32>,
    return
  }
  func.func @transform_0(%arg0: i32) -> (i32, i32) {
    %c0_i32 = arith.constant 0 : i32
    %c0_i32_0 = arith.constant 0 : i32
    return %arg0, %c0_i32 : i32, i32
  }
  func.func @transform_1(%arg0: i32) -> (i32, i32, i32) {
    %c0_i32 = arith.constant 0 : i32
    %c0_i32_0 = arith.constant 0 : i32
    %c0_i32_1 = arith.constant 0 : i32
    return %arg0, %c0_i32, %c0_i32_0 : i32, i32, i32
  }
  func.func @transform_2(%arg0: i32) -> (i32, i32, i32) {
    %c0_i32 = arith.constant 0 : i32
    %c0_i32_0 = arith.constant 0 : i32
    %c0_i32_1 = arith.constant 0 : i32
    return %arg0, %c0_i32, %c0_i32_0 : i32, i32, i32
  }
  func.func @transform_3(%arg0: i32) -> (i32, i32, i32) {
    %c0_i32 = arith.constant 0 : i32
    %c0_i32_0 = arith.constant 0 : i32
    %c0_i32_1 = arith.constant 0 : i32
    return %arg0, %c0_i32, %c0_i32_0 : i32, i32, i32
  }
  func.func @transform_4(%arg0: i32) -> (i32, i32, i32) {
    %c0_i32 = arith.constant 0 : i32
    %c0_i32_0 = arith.constant 0 : i32
    %c0_i32_1 = arith.constant 0 : i32
    return %arg0, %c0_i32, %c0_i32_0 : i32, i32, i32
  }
  func.func @transform_5(%arg0: i32) -> (i32, i32) {
    %c0_i32 = arith.constant 0 : i32
    %c0_i32_0 = arith.constant 0 : i32
    %c0_i32_1 = arith.constant 0 : i32
    return %c0_i32, %c0_i32_0 : i32, i32
  }
  func.func @transform_6(%arg0: i32) -> (i32, i32) {
    %c0_i32 = arith.constant 0 : i32
    %c0_i32_0 = arith.constant 0 : i32
    %c0_i32_1 = arith.constant 0 : i32
    return %c0_i32, %c0_i32_0 : i32, i32
  }
  func.func @transform_7(%arg0: i32) -> (i32, i32) {
    %c0_i32 = arith.constant 0 : i32
    %c0_i32_0 = arith.constant 0 : i32
    %c0_i32_1 = arith.constant 0 : i32
    return %c0_i32, %c0_i32_0 : i32, i32
  }
  func.func @transform_8(%arg0: i32) -> (i32, i32) {
    %c0_i32 = arith.constant 0 : i32
    %c0_i32_0 = arith.constant 0 : i32
    %c0_i32_1 = arith.constant 0 : i32
    return %c0_i32, %c0_i32_0 : i32, i32
  }
  func.func @transform_9(%arg0: i32) -> (i32, i32) {
    %c0_i32 = arith.constant 0 : i32
    %c0_i32_0 = arith.constant 0 : i32
    %c0_i32_1 = arith.constant 0 : i32
    return %c0_i32, %c0_i32_0 : i32, i32
  }
  func.func @transform_10(%arg0: i32) -> (i32, i32) {
    %c0_i32 = arith.constant 0 : i32
    %c0_i32_0 = arith.constant 0 : i32
    %c0_i32_1 = arith.constant 0 : i32
    return %c0_i32, %c0_i32_0 : i32, i32
  }
  func.func @transform_11(%arg0: i32) -> (i32, i32) {
    %c0_i32 = arith.constant 0 : i32
    %c0_i32_0 = arith.constant 0 : i32
    %c0_i32_1 = arith.constant 0 : i32
    return %c0_i32, %c0_i32_0 : i32, i32
  }
  func.func @transform_12(%arg0: i32) -> (i32, i32) {
    %c0_i32 = arith.constant 0 : i32
    %c0_i32_0 = arith.constant 0 : i32
    %c0_i32_1 = arith.constant 0 : i32
    return %c0_i32, %c0_i32_0 : i32, i32
  }
  func.func @transform_13(%arg0: i32) -> (i32, i32) {
    %c0_i32 = arith.constant 0 : i32
    %c0_i32_0 = arith.constant 0 : i32
    %c0_i32_1 = arith.constant 0 : i32
    return %c0_i32, %c0_i32_0 : i32, i32
  }
  func.func @transform_14(%arg0: i32) -> (i32, i32) {
    %c0_i32 = arith.constant 0 : i32
    %c0_i32_0 = arith.constant 0 : i32
    %c0_i32_1 = arith.constant 0 : i32
    return %c0_i32, %c0_i32_0 : i32, i32
  }
  func.func @transform_16(%arg0: i32) -> (i32, i32) {
    %add3A = arith.constant 8 : i32
    %add3A_0 = arith.addi %arg0, %add3A : i32
    %c0_i32 = arith.constant 0 : i32
    %c0_i32_1 = arith.constant 0 : i32
    return %add3A_0, %c0_i32 : i32, i32
  }
}

module attributes {stable_mosaic.version = 14 : i64} {
  func.func @body(%arg0: i32, %arg1: memref<6400x128xf32, #tpu.memory_space<vmem>>, %arg2: memref<1x1x6400xf32, #tpu.memory_space<vmem>>, %arg3: memref<1x1x6400xf32, #tpu.memory_space<vmem>>, %arg4: memref<1x1x6400xi32, #tpu.memory_space<vmem>>, %arg5: memref<1x1x6400xi32, #tpu.memory_space<vmem>>, %arg6: memref<64x2xf32, #tpu.memory_space<vmem>>, %arg7: memref<64x1xf32, #tpu.memory_space<vmem>>, %arg8: memref<64x64xf32, #tpu.memory_space<vmem>>, %arg9: memref<1x64xf32, #tpu.memory_space<vmem>>, %arg10: memref<256x128xf32, #tpu.memory_space<vmem>>, %arg11: memref<1x128xf32, #tpu.memory_space<vmem>>, %arg12: memref<1x128xf32, #tpu.memory_space<vmem>>, %arg13: memref<1x128xf32, #tpu.memory_space<vmem>>, %arg14: memref<48x32xf32, #tpu.memory_space<vmem>>, %arg15: memref<7x32xf32, #tpu.memory_space<vmem>>, %arg16: memref<204800x128xf32, #tpu.memory_space<any>>, %arg17: memref<6400x128xf32, #tpu.memory_space<vmem>>, %arg18: memref<256x128xbf16, #tpu.memory_space<vmem>>, %arg19: memref<64x128xbf16, #tpu.memory_space<vmem>>, %arg20: memref<48x128xbf16, #tpu.memory_space<vmem>>, %arg21: memref<8x128xbf16, #tpu.memory_space<vmem>>) attributes {dimension_semantics = [#tpu.dimension_semantics<arbitrary>], iteration_bounds = array<i64: 8>, scalar_prefetch = 0 : i64, scratch_operands = 4 : i64, tpu.core_type = #tpu.core_type<tc>, window_params = [{transform_indices = @transform_0, window_bounds = array<i64: 6400, 128>}, {transform_indices = @transform_1, window_bounds = array<i64: 1, 1, 6400>}, {transform_indices = @transform_2, window_bounds = array<i64: 1, 1, 6400>}, {transform_indices = @transform_3, window_bounds = array<i64: 1, 1, 6400>}, {transform_indices = @transform_4, window_bounds = array<i64: 1, 1, 6400>}, {pipeline_mode = #tpu.pipeline_mode<synchronous>, transform_indices = @transform_5, window_bounds = array<i64: 64, 2>}, {pipeline_mode = #tpu.pipeline_mode<synchronous>, transform_indices = @transform_6, window_bounds = array<i64: 64, 1>}, {pipeline_mode = #tpu.pipeline_mode<synchronous>, transform_indices = @transform_7, window_bounds = array<i64: 64, 64>}, {pipeline_mode = #tpu.pipeline_mode<synchronous>, transform_indices = @transform_8, window_bounds = array<i64: 1, 64>}, {pipeline_mode = #tpu.pipeline_mode<synchronous>, transform_indices = @transform_9, window_bounds = array<i64: 256, 128>}, {pipeline_mode = #tpu.pipeline_mode<synchronous>, transform_indices = @transform_10, window_bounds = array<i64: 1, 128>}, {pipeline_mode = #tpu.pipeline_mode<synchronous>, transform_indices = @transform_11, window_bounds = array<i64: 1, 128>}, {pipeline_mode = #tpu.pipeline_mode<synchronous>, transform_indices = @transform_12, window_bounds = array<i64: 1, 128>}, {pipeline_mode = #tpu.pipeline_mode<synchronous>, transform_indices = @transform_13, window_bounds = array<i64: 48, 32>}, {pipeline_mode = #tpu.pipeline_mode<synchronous>, transform_indices = @transform_14, window_bounds = array<i64: 7, 32>}, {}, {transform_indices = @transform_16, window_bounds = array<i64: 6400, 128>}]} {
    %eq3A = arith.constant 0 : i32
    %eq3A_0 = arith.cmpi eq, %arg0, %eq3A : i32
    %convert_element_type3A = arith.extui %eq3A_0 : i1 to i32
    %cond3A = arith.constant 0 : i32
    %cond3A_1 = arith.cmpi ne, %convert_element_type3A, %cond3A : i32
    scf.if %cond3A_1 {
      %get3A_98 = arith.constant 0 : index
      %get3A_99 = arith.constant 0 : index
      %get3A_100 = vector.load %arg10[%get3A_98, %get3A_99] : memref<256x128xf32, #tpu.memory_space<vmem>>, vector<256x128xf32>
      %reduce_sum3A = arith.constant dense<0.000000e+00> : vector<256xf32>
      %reduce_sum3A_101 = vector.multi_reduction <add>, %get3A_100, %reduce_sum3A [1] : vector<256x128xf32> to vector<256xf32>
      %broadcast_in_dim3A_102 = vector.shape_cast %reduce_sum3A_101 : vector<256xf32> to vector<256x1xf32>
      %div3A = arith.constant 1.280000e+02 : f32
      %div3A_103 = vector.broadcast %div3A : f32 to vector<256x1xf32>
      %div3A_104 = arith.divf %broadcast_in_dim3A_102, %div3A_103 : vector<256x1xf32>
      %sub3A = vector.broadcast %div3A_104 : vector<256x1xf32> to vector<256x128xf32>
      %sub3A_105 = arith.subf %get3A_100, %sub3A : vector<256x128xf32>
      %convert_element_type3A_106 = arith.truncf %sub3A_105 : vector<256x128xf32> to vector<256x128xbf16>
      %swap3A_107 = arith.constant 0 : index
      %swap3A_108 = arith.constant 0 : index
      %swap3A_109 = vector.load %arg18[%swap3A_107, %swap3A_108] : memref<256x128xbf16, #tpu.memory_space<vmem>>, vector<256x128xbf16>
      tpu.vector_store %arg18[%swap3A_107, %swap3A_108], %convert_element_type3A_106 {strides = array<i32>} : memref<256x128xbf16, #tpu.memory_space<vmem>>, vector<256x128xbf16>,
      %get3A_110 = arith.constant 0 : index
      %get3A_111 = arith.constant 0 : index
      %get3A_112 = vector.load %arg8[%get3A_110, %get3A_111] : memref<64x64xf32, #tpu.memory_space<vmem>>, vector<64x64xf32>
      %slice3A = vector.extract_strided_slice %sub3A_105 {offsets = [128, 0], sizes = [64, 128], strides = [1, 1]} : vector<256x128xf32> to vector<64x128xf32>
      %dot_general3A_113 = arith.constant dense<0.000000e+00> : vector<64x128xf32>
      %dot_general3A_114 = tpu.matmul %get3A_112, %slice3A, %dot_general3A_113 {dimension_numbers = #tpu.dot_dimension_numbers<[1], [0], [0], [1], [0, 0, 1, 1], [], []>, transpose_lhs_hint = false} : vector<64x64xf32>, vector<64x128xf32>, vector<64x128xf32> -> vector<64x128xf32>
      %convert_element_type3A_115 = arith.truncf %dot_general3A_114 : vector<64x128xf32> to vector<64x128xbf16>
      %swap3A_116 = arith.constant 0 : index
      %swap3A_117 = arith.constant 0 : index
      %swap3A_118 = vector.load %arg19[%swap3A_116, %swap3A_117] : memref<64x128xbf16, #tpu.memory_space<vmem>>, vector<64x128xbf16>
      tpu.vector_store %arg19[%swap3A_116, %swap3A_117], %convert_element_type3A_115 {strides = array<i32>} : memref<64x128xbf16, #tpu.memory_space<vmem>>, vector<64x128xbf16>,
      %get3A_119 = arith.constant 0 : index
      %get3A_120 = arith.constant 0 : index
      %get3A_121 = vector.load %arg9[%get3A_119, %get3A_120] : memref<1x64xf32, #tpu.memory_space<vmem>>, vector<1x64xf32>
      %dot_general3A_122 = arith.constant dense<0.000000e+00> : vector<1x128xf32>
      %dot_general3A_123 = tpu.matmul %get3A_121, %dot_general3A_114, %dot_general3A_122 {dimension_numbers = #tpu.dot_dimension_numbers<[1], [0], [0], [1], [0, 0, 1, 1], [], []>, transpose_lhs_hint = false} : vector<1x64xf32>, vector<64x128xf32>, vector<1x128xf32> -> vector<1x128xf32>
      %get3A_124 = arith.constant 0 : index
      %get3A_125 = arith.constant 0 : index
      %get3A_126 = vector.load %arg14[%get3A_124, %get3A_125] : memref<48x32xf32, #tpu.memory_space<vmem>>, vector<48x32xf32>
      %slice3A_127 = vector.extract_strided_slice %sub3A_105 {offsets = [192, 0], sizes = [32, 128], strides = [1, 1]} : vector<256x128xf32> to vector<32x128xf32>
      %dot_general3A_128 = arith.constant dense<0.000000e+00> : vector<48x128xf32>
      %dot_general3A_129 = tpu.matmul %get3A_126, %slice3A_127, %dot_general3A_128 {dimension_numbers = #tpu.dot_dimension_numbers<[1], [0], [0], [1], [0, 0, 1, 1], [], []>, transpose_lhs_hint = false} : vector<48x32xf32>, vector<32x128xf32>, vector<48x128xf32> -> vector<48x128xf32>
      %get3A_130 = arith.constant 0 : index
      %get3A_131 = arith.constant 0 : index
      %get3A_132 = vector.load %arg15[%get3A_130, %get3A_131] : memref<7x32xf32, #tpu.memory_space<vmem>>, vector<7x32xf32>
      %slice3A_133 = vector.extract_strided_slice %sub3A_105 {offsets = [224, 0], sizes = [32, 128], strides = [1, 1]} : vector<256x128xf32> to vector<32x128xf32>
      %dot_general3A_134 = arith.constant dense<0.000000e+00> : vector<7x128xf32>
      %dot_general3A_135 = tpu.matmul %get3A_132, %slice3A_133, %dot_general3A_134 {dimension_numbers = #tpu.dot_dimension_numbers<[1], [0], [0], [1], [0, 0, 1, 1], [], []>, transpose_lhs_hint = false} : vector<7x32xf32>, vector<32x128xf32>, vector<7x128xf32> -> vector<7x128xf32>
      %get3A_136 = arith.constant 0 : index
      %get3A_137 = arith.constant 0 : index
      %get3A_138 = vector.load %arg11[%get3A_136, %get3A_137] : memref<1x128xf32, #tpu.memory_space<vmem>>, vector<1x128xf32>
      %get3A_139 = arith.constant 0 : index
      %get3A_140 = arith.constant 0 : index
      %get3A_141 = vector.load %arg11[%get3A_139, %get3A_140] : memref<1x128xf32, #tpu.memory_space<vmem>>, vector<1x128xf32>
      %reduce_sum3A_142 = arith.constant dense<0.000000e+00> : vector<1xf32>
      %reduce_sum3A_143 = vector.multi_reduction <add>, %get3A_141, %reduce_sum3A_142 [1] : vector<1x128xf32> to vector<1xf32>
      %broadcast_in_dim3A_144 = vector.shape_cast %reduce_sum3A_143 : vector<1xf32> to vector<1x1xf32>
      %div3A_145 = arith.constant 1.280000e+02 : f32
      %div3A_146 = vector.broadcast %div3A_145 : f32 to vector<1x1xf32>
      %div3A_147 = arith.divf %broadcast_in_dim3A_144, %div3A_146 : vector<1x1xf32>
      %sub3A_148 = vector.broadcast %div3A_147 : vector<1x1xf32> to vector<1x128xf32>
      %sub3A_149 = arith.subf %get3A_138, %sub3A_148 : vector<1x128xf32>
      %add3A_150 = vector.broadcast %dot_general3A_123 : vector<1x128xf32> to vector<48x128xf32>
      %add3A_151 = arith.addf %dot_general3A_129, %add3A_150 : vector<48x128xf32>
      %add3A_152 = vector.broadcast %sub3A_149 : vector<1x128xf32> to vector<48x128xf32>
      %add3A_153 = arith.addf %add3A_151, %add3A_152 : vector<48x128xf32>
      %convert_element_type3A_154 = arith.truncf %add3A_153 : vector<48x128xf32> to vector<48x128xbf16>
      %swap3A_155 = arith.constant 0 : index
      %swap3A_156 = arith.constant 0 : index
      %swap3A_157 = vector.load %arg20[%swap3A_155, %swap3A_156] : memref<48x128xbf16, #tpu.memory_space<vmem>>, vector<48x128xbf16>
      tpu.vector_store %arg20[%swap3A_155, %swap3A_156], %convert_element_type3A_154 {strides = array<i32>} : memref<48x128xbf16, #tpu.memory_space<vmem>>, vector<48x128xbf16>,
      %broadcast_in_dim3A_158 = arith.constant 0.000000e+00 : f32
      %broadcast_in_dim3A_159 = vector.broadcast %broadcast_in_dim3A_158 : f32 to vector<1x128xf32>
      %concatenate3A = tpu.concatenate %dot_general3A_135, %broadcast_in_dim3A_159 in 0 : vector<7x128xf32>, vector<1x128xf32> -> vector<8x128xf32>
      %convert_element_type3A_160 = arith.truncf %concatenate3A : vector<8x128xf32> to vector<8x128xbf16>
      %swap3A_161 = arith.constant 0 : index
      %swap3A_162 = arith.constant 0 : index
      %swap3A_163 = vector.load %arg21[%swap3A_161, %swap3A_162] : memref<8x128xbf16, #tpu.memory_space<vmem>>, vector<8x128xbf16>
      tpu.vector_store %arg21[%swap3A_161, %swap3A_162], %convert_element_type3A_160 {strides = array<i32>} : memref<8x128xbf16, #tpu.memory_space<vmem>>, vector<8x128xbf16>,
    } else {
    }
    %get3A = arith.constant 0 : index
    %get3A_2 = arith.constant 0 : index
    %get3A_3 = vector.load %arg1[%get3A, %get3A_2] : memref<6400x128xf32, #tpu.memory_space<vmem>>, vector<6400x128xf32>
    %convert_element_type3A_4 = arith.truncf %get3A_3 : vector<6400x128xf32> to vector<6400x128xbf16>
    %get3A_5 = arith.constant 0 : index
    %get3A_6 = arith.constant 0 : index
    %get3A_7 = arith.constant 0 : index
    %get3A_8 = vector.load %arg2[%get3A_5, %get3A_6, %get3A_7] : memref<1x1x6400xf32, #tpu.memory_space<vmem>>, vector<1x1x6400xf32>
    %get3A_9 = vector.shape_cast %get3A_8 : vector<1x1x6400xf32> to vector<1x6400xf32>
    %get3A_10 = arith.constant 0 : index
    %get3A_11 = arith.constant 0 : index
    %get3A_12 = arith.constant 0 : index
    %get3A_13 = vector.load %arg3[%get3A_10, %get3A_11, %get3A_12] : memref<1x1x6400xf32, #tpu.memory_space<vmem>>, vector<1x1x6400xf32>
    %get3A_14 = vector.shape_cast %get3A_13 : vector<1x1x6400xf32> to vector<1x6400xf32>
    %get3A_15 = arith.constant 0 : index
    %get3A_16 = arith.constant 0 : index
    %get3A_17 = vector.load %arg6[%get3A_15, %get3A_16] : memref<64x2xf32, #tpu.memory_space<vmem>>, vector<64x1xf32>
    %mul3A = vector.broadcast %get3A_17 : vector<64x1xf32> to vector<64x6400xf32>
    %mul3A_18 = vector.broadcast %get3A_9 : vector<1x6400xf32> to vector<64x6400xf32>
    %mul3A_19 = arith.mulf %mul3A, %mul3A_18 : vector<64x6400xf32>
    %get3A_20 = arith.constant 0 : index
    %get3A_21 = arith.constant 1 : index
    %get3A_22 = vector.load %arg6[%get3A_20, %get3A_21] : memref<64x2xf32, #tpu.memory_space<vmem>>, vector<64x1xf32>
    %mul3A_23 = vector.broadcast %get3A_22 : vector<64x1xf32> to vector<64x6400xf32>
    %mul3A_24 = vector.broadcast %get3A_14 : vector<1x6400xf32> to vector<64x6400xf32>
    %mul3A_25 = arith.mulf %mul3A_23, %mul3A_24 : vector<64x6400xf32>
    %add3A = arith.addf %mul3A_19, %mul3A_25 : vector<64x6400xf32>
    %get3A_26 = arith.constant 0 : index
    %get3A_27 = arith.constant 0 : index
    %get3A_28 = vector.load %arg7[%get3A_26, %get3A_27] : memref<64x1xf32, #tpu.memory_space<vmem>>, vector<64x1xf32>
    %add3A_29 = vector.broadcast %get3A_28 : vector<64x1xf32> to vector<64x6400xf32>
    %add3A_30 = arith.addf %add3A, %add3A_29 : vector<64x6400xf32>
    %max3A = arith.constant 0.000000e+00 : f32
    %max3A_31 = vector.broadcast %max3A : f32 to vector<64x6400xf32>
    %max3A_32 = arith.maximumf %add3A_30, %max3A_31 : vector<64x6400xf32>
    %convert_element_type3A_33 = arith.truncf %max3A_32 : vector<64x6400xf32> to vector<64x6400xbf16>
    %iota3A = tpu.iota {dimensions = array<i32: 0>} : vector<48x6400xi32>
    %get3A_34 = arith.constant 0 : index
    %get3A_35 = arith.constant 0 : index
    %get3A_36 = arith.constant 0 : index
    %get3A_37 = vector.load %arg4[%get3A_34, %get3A_35, %get3A_36] : memref<1x1x6400xi32, #tpu.memory_space<vmem>>, vector<1x1x6400xi32>
    %get3A_38 = vector.shape_cast %get3A_37 : vector<1x1x6400xi32> to vector<1x6400xi32>
    %eq3A_39 = vector.broadcast %get3A_38 : vector<1x6400xi32> to vector<48x6400xi32>
    %eq3A_40 = arith.cmpi eq, %iota3A, %eq3A_39 : vector<48x6400xi32>
    %convert_element_type3A_41 = arith.extui %eq3A_40 : vector<48x6400xi1> to vector<48x6400xi32>
    %convert_element_type3A_42 = arith.sitofp %convert_element_type3A_41 : vector<48x6400xi32> to vector<48x6400xf32>
    %convert_element_type3A_43 = arith.truncf %convert_element_type3A_42 : vector<48x6400xf32> to vector<48x6400xbf16>
    %iota3A_44 = tpu.iota {dimensions = array<i32: 0>} : vector<8x6400xi32>
    %get3A_45 = arith.constant 0 : index
    %get3A_46 = arith.constant 0 : index
    %get3A_47 = arith.constant 0 : index
    %get3A_48 = vector.load %arg5[%get3A_45, %get3A_46, %get3A_47] : memref<1x1x6400xi32, #tpu.memory_space<vmem>>, vector<1x1x6400xi32>
    %get3A_49 = vector.shape_cast %get3A_48 : vector<1x1x6400xi32> to vector<1x6400xi32>
    %eq3A_50 = vector.broadcast %get3A_49 : vector<1x6400xi32> to vector<8x6400xi32>
    %eq3A_51 = arith.cmpi eq, %iota3A_44, %eq3A_50 : vector<8x6400xi32>
    %convert_element_type3A_52 = arith.extui %eq3A_51 : vector<8x6400xi1> to vector<8x6400xi32>
    %convert_element_type3A_53 = arith.sitofp %convert_element_type3A_52 : vector<8x6400xi32> to vector<8x6400xf32>
    %convert_element_type3A_54 = arith.truncf %convert_element_type3A_53 : vector<8x6400xf32> to vector<8x6400xbf16>
    %get3A_55 = arith.constant 0 : index
    %get3A_56 = arith.constant 0 : index
    %get3A_57 = vector.load %arg18[%get3A_55, %get3A_56] : memref<256x128xbf16, #tpu.memory_space<vmem>>, vector<128x128xbf16>
    %dot_general3A = arith.constant dense<0.000000e+00> : vector<6400x128xf32>
    %dot_general3A_58 = tpu.matmul %convert_element_type3A_4, %get3A_57, %dot_general3A {dimension_numbers = #tpu.dot_dimension_numbers<[1], [0], [0], [1], [0, 0, 1, 1], [], []>, transpose_lhs_hint = false} : vector<6400x128xbf16>, vector<128x128xbf16>, vector<6400x128xf32> -> vector<6400x128xf32>
    %get3A_59 = arith.constant 0 : index
    %get3A_60 = arith.constant 0 : index
    %get3A_61 = vector.load %arg19[%get3A_59, %get3A_60] : memref<64x128xbf16, #tpu.memory_space<vmem>>, vector<64x128xbf16>
    %dot_general3A_62 = arith.constant dense<0.000000e+00> : vector<6400x128xf32>
    %dot_general3A_63 = tpu.matmul %convert_element_type3A_33, %get3A_61, %dot_general3A_62 {dimension_numbers = #tpu.dot_dimension_numbers<[0], [0], [1], [1], [0, 1, 1, 1], [], []>, transpose_lhs_hint = false} : vector<64x6400xbf16>, vector<64x128xbf16>, vector<6400x128xf32> -> vector<6400x128xf32>
    %add3A_64 = arith.addf %dot_general3A_58, %dot_general3A_63 : vector<6400x128xf32>
    %get3A_65 = arith.constant 0 : index
    %get3A_66 = arith.constant 0 : index
    %get3A_67 = vector.load %arg20[%get3A_65, %get3A_66] : memref<48x128xbf16, #tpu.memory_space<vmem>>, vector<48x128xbf16>
    %dot_general3A_68 = arith.constant dense<0.000000e+00> : vector<6400x128xf32>
    %dot_general3A_69 = tpu.matmul %convert_element_type3A_43, %get3A_67, %dot_general3A_68 {dimension_numbers = #tpu.dot_dimension_numbers<[0], [0], [1], [1], [0, 1, 1, 1], [], []>, transpose_lhs_hint = false} : vector<48x6400xbf16>, vector<48x128xbf16>, vector<6400x128xf32> -> vector<6400x128xf32>
    %add3A_70 = arith.addf %add3A_64, %dot_general3A_69 : vector<6400x128xf32>
    %get3A_71 = arith.constant 0 : index
    %get3A_72 = arith.constant 0 : index
    %get3A_73 = vector.load %arg21[%get3A_71, %get3A_72] : memref<8x128xbf16, #tpu.memory_space<vmem>>, vector<8x128xbf16>
    %dot_general3A_74 = arith.constant dense<0.000000e+00> : vector<6400x128xf32>
    %dot_general3A_75 = tpu.matmul %convert_element_type3A_54, %get3A_73, %dot_general3A_74 {dimension_numbers = #tpu.dot_dimension_numbers<[0], [0], [1], [1], [0, 1, 1, 1], [], []>, transpose_lhs_hint = false} : vector<8x6400xbf16>, vector<8x128xbf16>, vector<6400x128xf32> -> vector<6400x128xf32>
    %add3A_76 = arith.addf %add3A_70, %dot_general3A_75 : vector<6400x128xf32>
    %broadcast_in_dim3A = arith.constant 7.812500e-03 : bf16
    %broadcast_in_dim3A_77 = vector.broadcast %broadcast_in_dim3A : bf16 to vector<128x128xbf16>
    %mul3A_78 = arith.mulf %add3A_76, %add3A_76 : vector<6400x128xf32>
    %convert_element_type3A_79 = arith.truncf %mul3A_78 : vector<6400x128xf32> to vector<6400x128xbf16>
    %dot_general3A_80 = arith.constant dense<0.000000e+00> : vector<6400x128xf32>
    %dot_general3A_81 = tpu.matmul %convert_element_type3A_79, %broadcast_in_dim3A_77, %dot_general3A_80 {dimension_numbers = #tpu.dot_dimension_numbers<[1], [0], [0], [1], [0, 0, 1, 1], [], []>, transpose_lhs_hint = false} : vector<6400x128xbf16>, vector<128x128xbf16>, vector<6400x128xf32> -> vector<6400x128xf32>
    %add3A_82 = arith.constant 9.99999974E-6 : f32
    %add3A_83 = vector.broadcast %add3A_82 : f32 to vector<6400x128xf32>
    %add3A_84 = arith.addf %dot_general3A_81, %add3A_83 : vector<6400x128xf32>
    %rsqrt3A = math.rsqrt %add3A_84 : vector<6400x128xf32>
    %mul3A_85 = arith.mulf %add3A_76, %rsqrt3A : vector<6400x128xf32>
    %get3A_86 = arith.constant 0 : index
    %get3A_87 = arith.constant 0 : index
    %get3A_88 = vector.load %arg12[%get3A_86, %get3A_87] : memref<1x128xf32, #tpu.memory_space<vmem>>, vector<1x128xf32>
    %mul3A_89 = vector.broadcast %get3A_88 : vector<1x128xf32> to vector<6400x128xf32>
    %mul3A_90 = arith.mulf %mul3A_85, %mul3A_89 : vector<6400x128xf32>
    %get3A_91 = arith.constant 0 : index
    %get3A_92 = arith.constant 0 : index
    %get3A_93 = vector.load %arg13[%get3A_91, %get3A_92] : memref<1x128xf32, #tpu.memory_space<vmem>>, vector<1x128xf32>
    %add3A_94 = vector.broadcast %get3A_93 : vector<1x128xf32> to vector<6400x128xf32>
    %add3A_95 = arith.addf %mul3A_90, %add3A_94 : vector<6400x128xf32>
    %swap3A = arith.constant 0 : index
    %swap3A_96 = arith.constant 0 : index
    %swap3A_97 = vector.load %arg17[%swap3A, %swap3A_96] : memref<6400x128xf32, #tpu.memory_space<vmem>>, vector<6400x128xf32>
    tpu.vector_store %arg17[%swap3A, %swap3A_96], %add3A_95 {strides = array<i32>} : memref<6400x128xf32, #tpu.memory_space<vmem>>, vector<6400x128xf32>,
    return
  }
  func.func @transform_0(%arg0: i32) -> (i32, i32) {
    %c0_i32 = arith.constant 0 : i32
    %c0_i32_0 = arith.constant 0 : i32
    return %arg0, %c0_i32 : i32, i32
  }
  func.func @transform_1(%arg0: i32) -> (i32, i32, i32) {
    %c0_i32 = arith.constant 0 : i32
    %c0_i32_0 = arith.constant 0 : i32
    %c0_i32_1 = arith.constant 0 : i32
    return %arg0, %c0_i32, %c0_i32_0 : i32, i32, i32
  }
  func.func @transform_2(%arg0: i32) -> (i32, i32, i32) {
    %c0_i32 = arith.constant 0 : i32
    %c0_i32_0 = arith.constant 0 : i32
    %c0_i32_1 = arith.constant 0 : i32
    return %arg0, %c0_i32, %c0_i32_0 : i32, i32, i32
  }
  func.func @transform_3(%arg0: i32) -> (i32, i32, i32) {
    %c0_i32 = arith.constant 0 : i32
    %c0_i32_0 = arith.constant 0 : i32
    %c0_i32_1 = arith.constant 0 : i32
    return %arg0, %c0_i32, %c0_i32_0 : i32, i32, i32
  }
  func.func @transform_4(%arg0: i32) -> (i32, i32, i32) {
    %c0_i32 = arith.constant 0 : i32
    %c0_i32_0 = arith.constant 0 : i32
    %c0_i32_1 = arith.constant 0 : i32
    return %arg0, %c0_i32, %c0_i32_0 : i32, i32, i32
  }
  func.func @transform_5(%arg0: i32) -> (i32, i32) {
    %c0_i32 = arith.constant 0 : i32
    %c0_i32_0 = arith.constant 0 : i32
    %c0_i32_1 = arith.constant 0 : i32
    return %c0_i32, %c0_i32_0 : i32, i32
  }
  func.func @transform_6(%arg0: i32) -> (i32, i32) {
    %c0_i32 = arith.constant 0 : i32
    %c0_i32_0 = arith.constant 0 : i32
    %c0_i32_1 = arith.constant 0 : i32
    return %c0_i32, %c0_i32_0 : i32, i32
  }
  func.func @transform_7(%arg0: i32) -> (i32, i32) {
    %c0_i32 = arith.constant 0 : i32
    %c0_i32_0 = arith.constant 0 : i32
    %c0_i32_1 = arith.constant 0 : i32
    return %c0_i32, %c0_i32_0 : i32, i32
  }
  func.func @transform_8(%arg0: i32) -> (i32, i32) {
    %c0_i32 = arith.constant 0 : i32
    %c0_i32_0 = arith.constant 0 : i32
    %c0_i32_1 = arith.constant 0 : i32
    return %c0_i32, %c0_i32_0 : i32, i32
  }
  func.func @transform_9(%arg0: i32) -> (i32, i32) {
    %c0_i32 = arith.constant 0 : i32
    %c0_i32_0 = arith.constant 0 : i32
    %c0_i32_1 = arith.constant 0 : i32
    return %c0_i32, %c0_i32_0 : i32, i32
  }
  func.func @transform_10(%arg0: i32) -> (i32, i32) {
    %c0_i32 = arith.constant 0 : i32
    %c0_i32_0 = arith.constant 0 : i32
    %c0_i32_1 = arith.constant 0 : i32
    return %c0_i32, %c0_i32_0 : i32, i32
  }
  func.func @transform_11(%arg0: i32) -> (i32, i32) {
    %c0_i32 = arith.constant 0 : i32
    %c0_i32_0 = arith.constant 0 : i32
    %c0_i32_1 = arith.constant 0 : i32
    return %c0_i32, %c0_i32_0 : i32, i32
  }
  func.func @transform_12(%arg0: i32) -> (i32, i32) {
    %c0_i32 = arith.constant 0 : i32
    %c0_i32_0 = arith.constant 0 : i32
    %c0_i32_1 = arith.constant 0 : i32
    return %c0_i32, %c0_i32_0 : i32, i32
  }
  func.func @transform_13(%arg0: i32) -> (i32, i32) {
    %c0_i32 = arith.constant 0 : i32
    %c0_i32_0 = arith.constant 0 : i32
    %c0_i32_1 = arith.constant 0 : i32
    return %c0_i32, %c0_i32_0 : i32, i32
  }
  func.func @transform_14(%arg0: i32) -> (i32, i32) {
    %c0_i32 = arith.constant 0 : i32
    %c0_i32_0 = arith.constant 0 : i32
    %c0_i32_1 = arith.constant 0 : i32
    return %c0_i32, %c0_i32_0 : i32, i32
  }
  func.func @transform_16(%arg0: i32) -> (i32, i32) {
    %add3A = arith.constant 16 : i32
    %add3A_0 = arith.addi %arg0, %add3A : i32
    %c0_i32 = arith.constant 0 : i32
    %c0_i32_1 = arith.constant 0 : i32
    return %add3A_0, %c0_i32 : i32, i32
  }
}

module attributes {stable_mosaic.version = 14 : i64} {
  func.func @body(%arg0: i32, %arg1: memref<6400x128xf32, #tpu.memory_space<vmem>>, %arg2: memref<1x1x6400xf32, #tpu.memory_space<vmem>>, %arg3: memref<1x1x6400xf32, #tpu.memory_space<vmem>>, %arg4: memref<1x1x6400xi32, #tpu.memory_space<vmem>>, %arg5: memref<1x1x6400xi32, #tpu.memory_space<vmem>>, %arg6: memref<64x2xf32, #tpu.memory_space<vmem>>, %arg7: memref<64x1xf32, #tpu.memory_space<vmem>>, %arg8: memref<64x64xf32, #tpu.memory_space<vmem>>, %arg9: memref<1x64xf32, #tpu.memory_space<vmem>>, %arg10: memref<256x128xf32, #tpu.memory_space<vmem>>, %arg11: memref<1x128xf32, #tpu.memory_space<vmem>>, %arg12: memref<1x128xf32, #tpu.memory_space<vmem>>, %arg13: memref<1x128xf32, #tpu.memory_space<vmem>>, %arg14: memref<48x32xf32, #tpu.memory_space<vmem>>, %arg15: memref<7x32xf32, #tpu.memory_space<vmem>>, %arg16: memref<204800x128xf32, #tpu.memory_space<any>>, %arg17: memref<6400x128xf32, #tpu.memory_space<vmem>>, %arg18: memref<256x128xbf16, #tpu.memory_space<vmem>>, %arg19: memref<64x128xbf16, #tpu.memory_space<vmem>>, %arg20: memref<48x128xbf16, #tpu.memory_space<vmem>>, %arg21: memref<8x128xbf16, #tpu.memory_space<vmem>>) attributes {dimension_semantics = [#tpu.dimension_semantics<arbitrary>], iteration_bounds = array<i64: 8>, scalar_prefetch = 0 : i64, scratch_operands = 4 : i64, tpu.core_type = #tpu.core_type<tc>, window_params = [{transform_indices = @transform_0, window_bounds = array<i64: 6400, 128>}, {transform_indices = @transform_1, window_bounds = array<i64: 1, 1, 6400>}, {transform_indices = @transform_2, window_bounds = array<i64: 1, 1, 6400>}, {transform_indices = @transform_3, window_bounds = array<i64: 1, 1, 6400>}, {transform_indices = @transform_4, window_bounds = array<i64: 1, 1, 6400>}, {pipeline_mode = #tpu.pipeline_mode<synchronous>, transform_indices = @transform_5, window_bounds = array<i64: 64, 2>}, {pipeline_mode = #tpu.pipeline_mode<synchronous>, transform_indices = @transform_6, window_bounds = array<i64: 64, 1>}, {pipeline_mode = #tpu.pipeline_mode<synchronous>, transform_indices = @transform_7, window_bounds = array<i64: 64, 64>}, {pipeline_mode = #tpu.pipeline_mode<synchronous>, transform_indices = @transform_8, window_bounds = array<i64: 1, 64>}, {pipeline_mode = #tpu.pipeline_mode<synchronous>, transform_indices = @transform_9, window_bounds = array<i64: 256, 128>}, {pipeline_mode = #tpu.pipeline_mode<synchronous>, transform_indices = @transform_10, window_bounds = array<i64: 1, 128>}, {pipeline_mode = #tpu.pipeline_mode<synchronous>, transform_indices = @transform_11, window_bounds = array<i64: 1, 128>}, {pipeline_mode = #tpu.pipeline_mode<synchronous>, transform_indices = @transform_12, window_bounds = array<i64: 1, 128>}, {pipeline_mode = #tpu.pipeline_mode<synchronous>, transform_indices = @transform_13, window_bounds = array<i64: 48, 32>}, {pipeline_mode = #tpu.pipeline_mode<synchronous>, transform_indices = @transform_14, window_bounds = array<i64: 7, 32>}, {}, {transform_indices = @transform_16, window_bounds = array<i64: 6400, 128>}]} {
    %eq3A = arith.constant 0 : i32
    %eq3A_0 = arith.cmpi eq, %arg0, %eq3A : i32
    %convert_element_type3A = arith.extui %eq3A_0 : i1 to i32
    %cond3A = arith.constant 0 : i32
    %cond3A_1 = arith.cmpi ne, %convert_element_type3A, %cond3A : i32
    scf.if %cond3A_1 {
      %get3A_98 = arith.constant 0 : index
      %get3A_99 = arith.constant 0 : index
      %get3A_100 = vector.load %arg10[%get3A_98, %get3A_99] : memref<256x128xf32, #tpu.memory_space<vmem>>, vector<256x128xf32>
      %reduce_sum3A = arith.constant dense<0.000000e+00> : vector<256xf32>
      %reduce_sum3A_101 = vector.multi_reduction <add>, %get3A_100, %reduce_sum3A [1] : vector<256x128xf32> to vector<256xf32>
      %broadcast_in_dim3A_102 = vector.shape_cast %reduce_sum3A_101 : vector<256xf32> to vector<256x1xf32>
      %div3A = arith.constant 1.280000e+02 : f32
      %div3A_103 = vector.broadcast %div3A : f32 to vector<256x1xf32>
      %div3A_104 = arith.divf %broadcast_in_dim3A_102, %div3A_103 : vector<256x1xf32>
      %sub3A = vector.broadcast %div3A_104 : vector<256x1xf32> to vector<256x128xf32>
      %sub3A_105 = arith.subf %get3A_100, %sub3A : vector<256x128xf32>
      %convert_element_type3A_106 = arith.truncf %sub3A_105 : vector<256x128xf32> to vector<256x128xbf16>
      %swap3A_107 = arith.constant 0 : index
      %swap3A_108 = arith.constant 0 : index
      %swap3A_109 = vector.load %arg18[%swap3A_107, %swap3A_108] : memref<256x128xbf16, #tpu.memory_space<vmem>>, vector<256x128xbf16>
      tpu.vector_store %arg18[%swap3A_107, %swap3A_108], %convert_element_type3A_106 {strides = array<i32>} : memref<256x128xbf16, #tpu.memory_space<vmem>>, vector<256x128xbf16>,
      %get3A_110 = arith.constant 0 : index
      %get3A_111 = arith.constant 0 : index
      %get3A_112 = vector.load %arg8[%get3A_110, %get3A_111] : memref<64x64xf32, #tpu.memory_space<vmem>>, vector<64x64xf32>
      %slice3A = vector.extract_strided_slice %sub3A_105 {offsets = [128, 0], sizes = [64, 128], strides = [1, 1]} : vector<256x128xf32> to vector<64x128xf32>
      %dot_general3A_113 = arith.constant dense<0.000000e+00> : vector<64x128xf32>
      %dot_general3A_114 = tpu.matmul %get3A_112, %slice3A, %dot_general3A_113 {dimension_numbers = #tpu.dot_dimension_numbers<[1], [0], [0], [1], [0, 0, 1, 1], [], []>, transpose_lhs_hint = false} : vector<64x64xf32>, vector<64x128xf32>, vector<64x128xf32> -> vector<64x128xf32>
      %convert_element_type3A_115 = arith.truncf %dot_general3A_114 : vector<64x128xf32> to vector<64x128xbf16>
      %swap3A_116 = arith.constant 0 : index
      %swap3A_117 = arith.constant 0 : index
      %swap3A_118 = vector.load %arg19[%swap3A_116, %swap3A_117] : memref<64x128xbf16, #tpu.memory_space<vmem>>, vector<64x128xbf16>
      tpu.vector_store %arg19[%swap3A_116, %swap3A_117], %convert_element_type3A_115 {strides = array<i32>} : memref<64x128xbf16, #tpu.memory_space<vmem>>, vector<64x128xbf16>,
      %get3A_119 = arith.constant 0 : index
      %get3A_120 = arith.constant 0 : index
      %get3A_121 = vector.load %arg9[%get3A_119, %get3A_120] : memref<1x64xf32, #tpu.memory_space<vmem>>, vector<1x64xf32>
      %dot_general3A_122 = arith.constant dense<0.000000e+00> : vector<1x128xf32>
      %dot_general3A_123 = tpu.matmul %get3A_121, %dot_general3A_114, %dot_general3A_122 {dimension_numbers = #tpu.dot_dimension_numbers<[1], [0], [0], [1], [0, 0, 1, 1], [], []>, transpose_lhs_hint = false} : vector<1x64xf32>, vector<64x128xf32>, vector<1x128xf32> -> vector<1x128xf32>
      %get3A_124 = arith.constant 0 : index
      %get3A_125 = arith.constant 0 : index
      %get3A_126 = vector.load %arg14[%get3A_124, %get3A_125] : memref<48x32xf32, #tpu.memory_space<vmem>>, vector<48x32xf32>
      %slice3A_127 = vector.extract_strided_slice %sub3A_105 {offsets = [192, 0], sizes = [32, 128], strides = [1, 1]} : vector<256x128xf32> to vector<32x128xf32>
      %dot_general3A_128 = arith.constant dense<0.000000e+00> : vector<48x128xf32>
      %dot_general3A_129 = tpu.matmul %get3A_126, %slice3A_127, %dot_general3A_128 {dimension_numbers = #tpu.dot_dimension_numbers<[1], [0], [0], [1], [0, 0, 1, 1], [], []>, transpose_lhs_hint = false} : vector<48x32xf32>, vector<32x128xf32>, vector<48x128xf32> -> vector<48x128xf32>
      %get3A_130 = arith.constant 0 : index
      %get3A_131 = arith.constant 0 : index
      %get3A_132 = vector.load %arg15[%get3A_130, %get3A_131] : memref<7x32xf32, #tpu.memory_space<vmem>>, vector<7x32xf32>
      %slice3A_133 = vector.extract_strided_slice %sub3A_105 {offsets = [224, 0], sizes = [32, 128], strides = [1, 1]} : vector<256x128xf32> to vector<32x128xf32>
      %dot_general3A_134 = arith.constant dense<0.000000e+00> : vector<7x128xf32>
      %dot_general3A_135 = tpu.matmul %get3A_132, %slice3A_133, %dot_general3A_134 {dimension_numbers = #tpu.dot_dimension_numbers<[1], [0], [0], [1], [0, 0, 1, 1], [], []>, transpose_lhs_hint = false} : vector<7x32xf32>, vector<32x128xf32>, vector<7x128xf32> -> vector<7x128xf32>
      %get3A_136 = arith.constant 0 : index
      %get3A_137 = arith.constant 0 : index
      %get3A_138 = vector.load %arg11[%get3A_136, %get3A_137] : memref<1x128xf32, #tpu.memory_space<vmem>>, vector<1x128xf32>
      %get3A_139 = arith.constant 0 : index
      %get3A_140 = arith.constant 0 : index
      %get3A_141 = vector.load %arg11[%get3A_139, %get3A_140] : memref<1x128xf32, #tpu.memory_space<vmem>>, vector<1x128xf32>
      %reduce_sum3A_142 = arith.constant dense<0.000000e+00> : vector<1xf32>
      %reduce_sum3A_143 = vector.multi_reduction <add>, %get3A_141, %reduce_sum3A_142 [1] : vector<1x128xf32> to vector<1xf32>
      %broadcast_in_dim3A_144 = vector.shape_cast %reduce_sum3A_143 : vector<1xf32> to vector<1x1xf32>
      %div3A_145 = arith.constant 1.280000e+02 : f32
      %div3A_146 = vector.broadcast %div3A_145 : f32 to vector<1x1xf32>
      %div3A_147 = arith.divf %broadcast_in_dim3A_144, %div3A_146 : vector<1x1xf32>
      %sub3A_148 = vector.broadcast %div3A_147 : vector<1x1xf32> to vector<1x128xf32>
      %sub3A_149 = arith.subf %get3A_138, %sub3A_148 : vector<1x128xf32>
      %add3A_150 = vector.broadcast %dot_general3A_123 : vector<1x128xf32> to vector<48x128xf32>
      %add3A_151 = arith.addf %dot_general3A_129, %add3A_150 : vector<48x128xf32>
      %add3A_152 = vector.broadcast %sub3A_149 : vector<1x128xf32> to vector<48x128xf32>
      %add3A_153 = arith.addf %add3A_151, %add3A_152 : vector<48x128xf32>
      %convert_element_type3A_154 = arith.truncf %add3A_153 : vector<48x128xf32> to vector<48x128xbf16>
      %swap3A_155 = arith.constant 0 : index
      %swap3A_156 = arith.constant 0 : index
      %swap3A_157 = vector.load %arg20[%swap3A_155, %swap3A_156] : memref<48x128xbf16, #tpu.memory_space<vmem>>, vector<48x128xbf16>
      tpu.vector_store %arg20[%swap3A_155, %swap3A_156], %convert_element_type3A_154 {strides = array<i32>} : memref<48x128xbf16, #tpu.memory_space<vmem>>, vector<48x128xbf16>,
      %broadcast_in_dim3A_158 = arith.constant 0.000000e+00 : f32
      %broadcast_in_dim3A_159 = vector.broadcast %broadcast_in_dim3A_158 : f32 to vector<1x128xf32>
      %concatenate3A = tpu.concatenate %dot_general3A_135, %broadcast_in_dim3A_159 in 0 : vector<7x128xf32>, vector<1x128xf32> -> vector<8x128xf32>
      %convert_element_type3A_160 = arith.truncf %concatenate3A : vector<8x128xf32> to vector<8x128xbf16>
      %swap3A_161 = arith.constant 0 : index
      %swap3A_162 = arith.constant 0 : index
      %swap3A_163 = vector.load %arg21[%swap3A_161, %swap3A_162] : memref<8x128xbf16, #tpu.memory_space<vmem>>, vector<8x128xbf16>
      tpu.vector_store %arg21[%swap3A_161, %swap3A_162], %convert_element_type3A_160 {strides = array<i32>} : memref<8x128xbf16, #tpu.memory_space<vmem>>, vector<8x128xbf16>,
    } else {
    }
    %get3A = arith.constant 0 : index
    %get3A_2 = arith.constant 0 : index
    %get3A_3 = vector.load %arg1[%get3A, %get3A_2] : memref<6400x128xf32, #tpu.memory_space<vmem>>, vector<6400x128xf32>
    %convert_element_type3A_4 = arith.truncf %get3A_3 : vector<6400x128xf32> to vector<6400x128xbf16>
    %get3A_5 = arith.constant 0 : index
    %get3A_6 = arith.constant 0 : index
    %get3A_7 = arith.constant 0 : index
    %get3A_8 = vector.load %arg2[%get3A_5, %get3A_6, %get3A_7] : memref<1x1x6400xf32, #tpu.memory_space<vmem>>, vector<1x1x6400xf32>
    %get3A_9 = vector.shape_cast %get3A_8 : vector<1x1x6400xf32> to vector<1x6400xf32>
    %get3A_10 = arith.constant 0 : index
    %get3A_11 = arith.constant 0 : index
    %get3A_12 = arith.constant 0 : index
    %get3A_13 = vector.load %arg3[%get3A_10, %get3A_11, %get3A_12] : memref<1x1x6400xf32, #tpu.memory_space<vmem>>, vector<1x1x6400xf32>
    %get3A_14 = vector.shape_cast %get3A_13 : vector<1x1x6400xf32> to vector<1x6400xf32>
    %get3A_15 = arith.constant 0 : index
    %get3A_16 = arith.constant 0 : index
    %get3A_17 = vector.load %arg6[%get3A_15, %get3A_16] : memref<64x2xf32, #tpu.memory_space<vmem>>, vector<64x1xf32>
    %mul3A = vector.broadcast %get3A_17 : vector<64x1xf32> to vector<64x6400xf32>
    %mul3A_18 = vector.broadcast %get3A_9 : vector<1x6400xf32> to vector<64x6400xf32>
    %mul3A_19 = arith.mulf %mul3A, %mul3A_18 : vector<64x6400xf32>
    %get3A_20 = arith.constant 0 : index
    %get3A_21 = arith.constant 1 : index
    %get3A_22 = vector.load %arg6[%get3A_20, %get3A_21] : memref<64x2xf32, #tpu.memory_space<vmem>>, vector<64x1xf32>
    %mul3A_23 = vector.broadcast %get3A_22 : vector<64x1xf32> to vector<64x6400xf32>
    %mul3A_24 = vector.broadcast %get3A_14 : vector<1x6400xf32> to vector<64x6400xf32>
    %mul3A_25 = arith.mulf %mul3A_23, %mul3A_24 : vector<64x6400xf32>
    %add3A = arith.addf %mul3A_19, %mul3A_25 : vector<64x6400xf32>
    %get3A_26 = arith.constant 0 : index
    %get3A_27 = arith.constant 0 : index
    %get3A_28 = vector.load %arg7[%get3A_26, %get3A_27] : memref<64x1xf32, #tpu.memory_space<vmem>>, vector<64x1xf32>
    %add3A_29 = vector.broadcast %get3A_28 : vector<64x1xf32> to vector<64x6400xf32>
    %add3A_30 = arith.addf %add3A, %add3A_29 : vector<64x6400xf32>
    %max3A = arith.constant 0.000000e+00 : f32
    %max3A_31 = vector.broadcast %max3A : f32 to vector<64x6400xf32>
    %max3A_32 = arith.maximumf %add3A_30, %max3A_31 : vector<64x6400xf32>
    %convert_element_type3A_33 = arith.truncf %max3A_32 : vector<64x6400xf32> to vector<64x6400xbf16>
    %iota3A = tpu.iota {dimensions = array<i32: 0>} : vector<48x6400xi32>
    %get3A_34 = arith.constant 0 : index
    %get3A_35 = arith.constant 0 : index
    %get3A_36 = arith.constant 0 : index
    %get3A_37 = vector.load %arg4[%get3A_34, %get3A_35, %get3A_36] : memref<1x1x6400xi32, #tpu.memory_space<vmem>>, vector<1x1x6400xi32>
    %get3A_38 = vector.shape_cast %get3A_37 : vector<1x1x6400xi32> to vector<1x6400xi32>
    %eq3A_39 = vector.broadcast %get3A_38 : vector<1x6400xi32> to vector<48x6400xi32>
    %eq3A_40 = arith.cmpi eq, %iota3A, %eq3A_39 : vector<48x6400xi32>
    %convert_element_type3A_41 = arith.extui %eq3A_40 : vector<48x6400xi1> to vector<48x6400xi32>
    %convert_element_type3A_42 = arith.sitofp %convert_element_type3A_41 : vector<48x6400xi32> to vector<48x6400xf32>
    %convert_element_type3A_43 = arith.truncf %convert_element_type3A_42 : vector<48x6400xf32> to vector<48x6400xbf16>
    %iota3A_44 = tpu.iota {dimensions = array<i32: 0>} : vector<8x6400xi32>
    %get3A_45 = arith.constant 0 : index
    %get3A_46 = arith.constant 0 : index
    %get3A_47 = arith.constant 0 : index
    %get3A_48 = vector.load %arg5[%get3A_45, %get3A_46, %get3A_47] : memref<1x1x6400xi32, #tpu.memory_space<vmem>>, vector<1x1x6400xi32>
    %get3A_49 = vector.shape_cast %get3A_48 : vector<1x1x6400xi32> to vector<1x6400xi32>
    %eq3A_50 = vector.broadcast %get3A_49 : vector<1x6400xi32> to vector<8x6400xi32>
    %eq3A_51 = arith.cmpi eq, %iota3A_44, %eq3A_50 : vector<8x6400xi32>
    %convert_element_type3A_52 = arith.extui %eq3A_51 : vector<8x6400xi1> to vector<8x6400xi32>
    %convert_element_type3A_53 = arith.sitofp %convert_element_type3A_52 : vector<8x6400xi32> to vector<8x6400xf32>
    %convert_element_type3A_54 = arith.truncf %convert_element_type3A_53 : vector<8x6400xf32> to vector<8x6400xbf16>
    %get3A_55 = arith.constant 0 : index
    %get3A_56 = arith.constant 0 : index
    %get3A_57 = vector.load %arg18[%get3A_55, %get3A_56] : memref<256x128xbf16, #tpu.memory_space<vmem>>, vector<128x128xbf16>
    %dot_general3A = arith.constant dense<0.000000e+00> : vector<6400x128xf32>
    %dot_general3A_58 = tpu.matmul %convert_element_type3A_4, %get3A_57, %dot_general3A {dimension_numbers = #tpu.dot_dimension_numbers<[1], [0], [0], [1], [0, 0, 1, 1], [], []>, transpose_lhs_hint = false} : vector<6400x128xbf16>, vector<128x128xbf16>, vector<6400x128xf32> -> vector<6400x128xf32>
    %get3A_59 = arith.constant 0 : index
    %get3A_60 = arith.constant 0 : index
    %get3A_61 = vector.load %arg19[%get3A_59, %get3A_60] : memref<64x128xbf16, #tpu.memory_space<vmem>>, vector<64x128xbf16>
    %dot_general3A_62 = arith.constant dense<0.000000e+00> : vector<6400x128xf32>
    %dot_general3A_63 = tpu.matmul %convert_element_type3A_33, %get3A_61, %dot_general3A_62 {dimension_numbers = #tpu.dot_dimension_numbers<[0], [0], [1], [1], [0, 1, 1, 1], [], []>, transpose_lhs_hint = false} : vector<64x6400xbf16>, vector<64x128xbf16>, vector<6400x128xf32> -> vector<6400x128xf32>
    %add3A_64 = arith.addf %dot_general3A_58, %dot_general3A_63 : vector<6400x128xf32>
    %get3A_65 = arith.constant 0 : index
    %get3A_66 = arith.constant 0 : index
    %get3A_67 = vector.load %arg20[%get3A_65, %get3A_66] : memref<48x128xbf16, #tpu.memory_space<vmem>>, vector<48x128xbf16>
    %dot_general3A_68 = arith.constant dense<0.000000e+00> : vector<6400x128xf32>
    %dot_general3A_69 = tpu.matmul %convert_element_type3A_43, %get3A_67, %dot_general3A_68 {dimension_numbers = #tpu.dot_dimension_numbers<[0], [0], [1], [1], [0, 1, 1, 1], [], []>, transpose_lhs_hint = false} : vector<48x6400xbf16>, vector<48x128xbf16>, vector<6400x128xf32> -> vector<6400x128xf32>
    %add3A_70 = arith.addf %add3A_64, %dot_general3A_69 : vector<6400x128xf32>
    %get3A_71 = arith.constant 0 : index
    %get3A_72 = arith.constant 0 : index
    %get3A_73 = vector.load %arg21[%get3A_71, %get3A_72] : memref<8x128xbf16, #tpu.memory_space<vmem>>, vector<8x128xbf16>
    %dot_general3A_74 = arith.constant dense<0.000000e+00> : vector<6400x128xf32>
    %dot_general3A_75 = tpu.matmul %convert_element_type3A_54, %get3A_73, %dot_general3A_74 {dimension_numbers = #tpu.dot_dimension_numbers<[0], [0], [1], [1], [0, 1, 1, 1], [], []>, transpose_lhs_hint = false} : vector<8x6400xbf16>, vector<8x128xbf16>, vector<6400x128xf32> -> vector<6400x128xf32>
    %add3A_76 = arith.addf %add3A_70, %dot_general3A_75 : vector<6400x128xf32>
    %broadcast_in_dim3A = arith.constant 7.812500e-03 : bf16
    %broadcast_in_dim3A_77 = vector.broadcast %broadcast_in_dim3A : bf16 to vector<128x128xbf16>
    %mul3A_78 = arith.mulf %add3A_76, %add3A_76 : vector<6400x128xf32>
    %convert_element_type3A_79 = arith.truncf %mul3A_78 : vector<6400x128xf32> to vector<6400x128xbf16>
    %dot_general3A_80 = arith.constant dense<0.000000e+00> : vector<6400x128xf32>
    %dot_general3A_81 = tpu.matmul %convert_element_type3A_79, %broadcast_in_dim3A_77, %dot_general3A_80 {dimension_numbers = #tpu.dot_dimension_numbers<[1], [0], [0], [1], [0, 0, 1, 1], [], []>, transpose_lhs_hint = false} : vector<6400x128xbf16>, vector<128x128xbf16>, vector<6400x128xf32> -> vector<6400x128xf32>
    %add3A_82 = arith.constant 9.99999974E-6 : f32
    %add3A_83 = vector.broadcast %add3A_82 : f32 to vector<6400x128xf32>
    %add3A_84 = arith.addf %dot_general3A_81, %add3A_83 : vector<6400x128xf32>
    %rsqrt3A = math.rsqrt %add3A_84 : vector<6400x128xf32>
    %mul3A_85 = arith.mulf %add3A_76, %rsqrt3A : vector<6400x128xf32>
    %get3A_86 = arith.constant 0 : index
    %get3A_87 = arith.constant 0 : index
    %get3A_88 = vector.load %arg12[%get3A_86, %get3A_87] : memref<1x128xf32, #tpu.memory_space<vmem>>, vector<1x128xf32>
    %mul3A_89 = vector.broadcast %get3A_88 : vector<1x128xf32> to vector<6400x128xf32>
    %mul3A_90 = arith.mulf %mul3A_85, %mul3A_89 : vector<6400x128xf32>
    %get3A_91 = arith.constant 0 : index
    %get3A_92 = arith.constant 0 : index
    %get3A_93 = vector.load %arg13[%get3A_91, %get3A_92] : memref<1x128xf32, #tpu.memory_space<vmem>>, vector<1x128xf32>
    %add3A_94 = vector.broadcast %get3A_93 : vector<1x128xf32> to vector<6400x128xf32>
    %add3A_95 = arith.addf %mul3A_90, %add3A_94 : vector<6400x128xf32>
    %swap3A = arith.constant 0 : index
    %swap3A_96 = arith.constant 0 : index
    %swap3A_97 = vector.load %arg17[%swap3A, %swap3A_96] : memref<6400x128xf32, #tpu.memory_space<vmem>>, vector<6400x128xf32>
    tpu.vector_store %arg17[%swap3A, %swap3A_96], %add3A_95 {strides = array<i32>} : memref<6400x128xf32, #tpu.memory_space<vmem>>, vector<6400x128xf32>,
    return
  }
  func.func @transform_0(%arg0: i32) -> (i32, i32) {
    %c0_i32 = arith.constant 0 : i32
    %c0_i32_0 = arith.constant 0 : i32
    return %arg0, %c0_i32 : i32, i32
  }
  func.func @transform_1(%arg0: i32) -> (i32, i32, i32) {
    %c0_i32 = arith.constant 0 : i32
    %c0_i32_0 = arith.constant 0 : i32
    %c0_i32_1 = arith.constant 0 : i32
    return %arg0, %c0_i32, %c0_i32_0 : i32, i32, i32
  }
  func.func @transform_2(%arg0: i32) -> (i32, i32, i32) {
    %c0_i32 = arith.constant 0 : i32
    %c0_i32_0 = arith.constant 0 : i32
    %c0_i32_1 = arith.constant 0 : i32
    return %arg0, %c0_i32, %c0_i32_0 : i32, i32, i32
  }
  func.func @transform_3(%arg0: i32) -> (i32, i32, i32) {
    %c0_i32 = arith.constant 0 : i32
    %c0_i32_0 = arith.constant 0 : i32
    %c0_i32_1 = arith.constant 0 : i32
    return %arg0, %c0_i32, %c0_i32_0 : i32, i32, i32
  }
  func.func @transform_4(%arg0: i32) -> (i32, i32, i32) {
    %c0_i32 = arith.constant 0 : i32
    %c0_i32_0 = arith.constant 0 : i32
    %c0_i32_1 = arith.constant 0 : i32
    return %arg0, %c0_i32, %c0_i32_0 : i32, i32, i32
  }
  func.func @transform_5(%arg0: i32) -> (i32, i32) {
    %c0_i32 = arith.constant 0 : i32
    %c0_i32_0 = arith.constant 0 : i32
    %c0_i32_1 = arith.constant 0 : i32
    return %c0_i32, %c0_i32_0 : i32, i32
  }
  func.func @transform_6(%arg0: i32) -> (i32, i32) {
    %c0_i32 = arith.constant 0 : i32
    %c0_i32_0 = arith.constant 0 : i32
    %c0_i32_1 = arith.constant 0 : i32
    return %c0_i32, %c0_i32_0 : i32, i32
  }
  func.func @transform_7(%arg0: i32) -> (i32, i32) {
    %c0_i32 = arith.constant 0 : i32
    %c0_i32_0 = arith.constant 0 : i32
    %c0_i32_1 = arith.constant 0 : i32
    return %c0_i32, %c0_i32_0 : i32, i32
  }
  func.func @transform_8(%arg0: i32) -> (i32, i32) {
    %c0_i32 = arith.constant 0 : i32
    %c0_i32_0 = arith.constant 0 : i32
    %c0_i32_1 = arith.constant 0 : i32
    return %c0_i32, %c0_i32_0 : i32, i32
  }
  func.func @transform_9(%arg0: i32) -> (i32, i32) {
    %c0_i32 = arith.constant 0 : i32
    %c0_i32_0 = arith.constant 0 : i32
    %c0_i32_1 = arith.constant 0 : i32
    return %c0_i32, %c0_i32_0 : i32, i32
  }
  func.func @transform_10(%arg0: i32) -> (i32, i32) {
    %c0_i32 = arith.constant 0 : i32
    %c0_i32_0 = arith.constant 0 : i32
    %c0_i32_1 = arith.constant 0 : i32
    return %c0_i32, %c0_i32_0 : i32, i32
  }
  func.func @transform_11(%arg0: i32) -> (i32, i32) {
    %c0_i32 = arith.constant 0 : i32
    %c0_i32_0 = arith.constant 0 : i32
    %c0_i32_1 = arith.constant 0 : i32
    return %c0_i32, %c0_i32_0 : i32, i32
  }
  func.func @transform_12(%arg0: i32) -> (i32, i32) {
    %c0_i32 = arith.constant 0 : i32
    %c0_i32_0 = arith.constant 0 : i32
    %c0_i32_1 = arith.constant 0 : i32
    return %c0_i32, %c0_i32_0 : i32, i32
  }
  func.func @transform_13(%arg0: i32) -> (i32, i32) {
    %c0_i32 = arith.constant 0 : i32
    %c0_i32_0 = arith.constant 0 : i32
    %c0_i32_1 = arith.constant 0 : i32
    return %c0_i32, %c0_i32_0 : i32, i32
  }
  func.func @transform_14(%arg0: i32) -> (i32, i32) {
    %c0_i32 = arith.constant 0 : i32
    %c0_i32_0 = arith.constant 0 : i32
    %c0_i32_1 = arith.constant 0 : i32
    return %c0_i32, %c0_i32_0 : i32, i32
  }
  func.func @transform_16(%arg0: i32) -> (i32, i32) {
    %add3A = arith.constant 24 : i32
    %add3A_0 = arith.addi %arg0, %add3A : i32
    %c0_i32 = arith.constant 0 : i32
    %c0_i32_1 = arith.constant 0 : i32
    return %add3A_0, %c0_i32 : i32, i32
  }
}

</mosaic_0001>

<sc_bundles>
// kernel: kernel.10.cloned.1.call-start
scs
__scs_entry_jumppad:
0x0: {  	(pc) =	sbr.rel $0x88, $3  }
0x1: {  	(tag) =	ssettag $0x0;
	lr =	simm.s32 $0x1  }
0x2: {  	[smem:$0x3F92] =	sst lr;
	_ =	strace $0xD0000000  }
0x3: {  	_ = 	snop  }
0x4: {  	_ = 	snop  }
0x5: {  	_ = 	snop  }
0x6: {  	_ = 	snop  }
0x7: {  	_ = 	snop  }
__scs_overlays_trampoline_lowered:
0x8: {  	[smem:$0x3FA1] =	sst s0  }
0x9: {  	[smem:$0x3FA2] =	sst s1  }
0xa: {  	[smem:$0x3FA3] =	sst s2  }
0xb: {  	[smem:$0x3FA4] =	sst s3  }
0xc: {  	[smem:$0x3FA5] =	sst s4  }
0xd: {  	[smem:$0x3FA6] =	sst s5  }
0xe: {  	[smem:$0x3FA7] =	sst s6  }
0xf: {  	[smem:$0x3FA8] =	sst s7  }
0x10: {  	[smem:$0x3FA9] =	sst s8  }
0x11: {  	[smem:$0x3FAA] =	sst s9;
	s0 =	simm.s32 @!p0 $0x0  }
0x12: {  	s1 =	sld [smem:$0x3F90];
	s0 =	simm.s32 @p0 $0x1  }
0x13: {  	[smem:$0x3FAB] =	sst s0;
	s0 =	simm.s32 @!p1 $0x0  }
0x14: {  	s2 =	sld [smem:$0x3F8F];
	s0 =	simm.s32 @p1 $0x1  }
0x15: {  	[smem:$0x3FAC] =	sst s0;
	s0 =	simm.s32 @!p2 $0x0  }
0x16: {  	s3 =	sld [smem:$0x3FDB];
	s0 =	simm.s32 @p2 $0x1  }
0x17: {  	s4 =	simm.s32 $0x1BF5;
	[smem:$0x3FAE] =	sst s0  }
0x18: {  	s0 =	sld [smem:$0x3F91];
	_ =	swait.ge [sflag:s4], $0x0  }
0x19: {  	s7 =	sld [smem:$0x3F92]  }
0x1a: {  	s8 =	sadd.s32 $0xFFFFE003, lr  }
0x1b: {  	s9 =	sadd.s32 $0xFFFFFEF7, lr;
	s5 =	simm.s32 $0xFFFFFFFF;
	p2 =	slt.u32 s8, $0xFFFFF086  }
0x1c: {  	p1 =	slt.u32 s9, $0xF7A;
	s5 =	simm.s32 @!p2 $0x0  }
0x1d: {  	s5 =	simm.s32 @p1 $0x1;
	p0 =	seq.s32 s7, s2  }
0x1e: {  	s7 =	smul.u32 @!p0 $0xF7A, s2;
	p2 =	seq.s32 @!p0 s5, $0x0  }
0x1f: {  	s9 =	smul.u32 $0xF7A, s1;
	s8 =	simm.s32 @!p0 $0x1BF5;
	p2 =	por !p2, p0  }
0x20: {  	[sflag:s8] =	ssyncset.s32 @!p0 $0xFFFFF086;
	s6 =	sadd.s32 @!p0 s3, s7;
	s7 =	simm.s32 @!p0 $0x108  }
0x21: {  	s3 =	sadd.s32 s3, s9;
	s6 =	sadd.s32 @!p0 $0x88, s6;
	s7 =	simm.s32 @p2 $0x1082  }
0x22: {  	[simem:s7], [sflag:s8] =	dma.local @!p0 [hbm:s6], $0xF7A  }
0x23: {  	s9 =	sor.u32 $0xD0000000, s2;
	s6 =	simm.s32 $0x108;
	_ =	swait.ge @!p0 [sflag:s8], $0x0  }
0x24: {  	s3 =	sadd.s32 $0x88, s3;
	s6 =	simm.s32 @!p1 $0x1082;
	[sflag:s4] =	ssyncset.s32 $0xFFFFF086  }
0x25: {  	[simem:s6], [sflag:s4] =	dma.local [hbm:s3], $0xF7A  }
0x26: {  	[smem:$0x3F92] =	sst s1;
	(tag) =	ssettag s2;
	_ =	strace s9  }
0x27: {  	s1 =	sld [smem:$0x3FA2]  }
0x28: {  	s2 =	sld [smem:$0x3FA3]  }
0x29: {  	s4 =	sld [smem:$0x3FA5]  }
0x2a: {  	p0 =	seq.s32 s5, $0x0;
	s5 =	sld [smem:$0x3FA6]  }
0x2b: {  	s6 =	sld [smem:$0x3FA7]  }
0x2c: {  	s7 =	sld [smem:$0x3FA8]  }
0x2d: {  	s3 =	simm.s32 $0x108;
	s8 =	sld [smem:$0x3FA9]  }
0x2e: {  	s3 =	simm.s32 @!p0 $0x1082;
	s9 =	sld [smem:$0x3FAA]  }
0x2f: {  	lr =	sadd.s32 s0, s3;
	s0 =	sld [smem:$0x3FA1]  }
0x30: {  	s3 =	sld [smem:$0x3FA4]  }
0x31: {  	[smem:$0x3FAD] =	sst s10  }
0x32: {  	s10 =	sld [smem:$0x3FAB];
	_ =	sdelay $0x3  }
0x33: {  	p0 =	seq.s32 s10, $0x1;
	s10 =	sld [smem:$0x3FAD];
	_ =	sdelay $0x3  }
0x34: {  	[smem:$0x3FAD] =	sst s10  }
0x35: {  	s10 =	sld [smem:$0x3FAC];
	_ =	sdelay $0x3  }
0x36: {  	p1 =	seq.s32 s10, $0x1;
	s10 =	sld [smem:$0x3FAD];
	_ =	sdelay $0x3  }
0x37: {  	[smem:$0x3FAD] =	sst s10  }
0x38: {  	s10 =	sld [smem:$0x3FAE]  }
0x39: {  	_ = 	snop;
	(pc) =	sbr.ind lr, $3  }
0x3a: {  	_ = 	snop  }
0x3b: {  	_ = 	snop  }
0x3c: {  	p2 =	seq.s32 s10, $0x1;
	s10 =	sld [smem:$0x3FAD]  }
0x3d: {  	_ =	shalt  }
0x3e: {  	_ =	shalt  }
0x3f: {  	_ =	shalt  }
0x40: {  	_ =	shalt  }
0x41: {  	_ =	shalt  }
0x42: {  	_ =	shalt  }
0x43: {  	_ =	shalt  }
0x44: {  	_ =	shalt  }
0x45: {  	_ =	shalt  }
0x46: {  	_ =	shalt  }
0x47: {  	_ =	shalt  }
0x48: {  	_ =	shalt  }
0x49: {  	_ =	shalt  }
0x4a: {  	_ =	shalt  }
0x4b: {  	_ =	shalt  }
0x4c: {  	_ =	shalt  }
0x4d: {  	_ =	shalt  }
0x4e: {  	_ =	shalt  }
0x4f: {  	_ =	shalt  }
0x50: {  	_ =	shalt  }
0x51: {  	_ =	shalt  }
0x52: {  	_ =	shalt  }
0x53: {  	_ =	shalt  }
0x54: {  	_ =	shalt  }
0x55: {  	_ =	shalt  }
0x56: {  	_ =	shalt  }
0x57: {  	_ =	shalt  }
0x58: {  	_ =	shalt  }
0x59: {  	_ =	shalt  }
0x5a: {  	_ =	shalt  }
0x5b: {  	_ =	shalt  }
0x5c: {  	_ =	shalt  }
0x5d: {  	_ =	shalt  }
0x5e: {  	_ =	shalt  }
0x5f: {  	_ =	shalt  }
0x60: {  	_ =	shalt  }
0x61: {  	_ =	shalt  }
0x62: {  	_ =	shalt  }
0x63: {  	_ =	shalt  }
0x64: {  	_ =	shalt  }
0x65: {  	_ =	shalt  }
0x66: {  	_ =	shalt  }
0x67: {  	_ =	shalt  }
0x68: {  	_ =	shalt  }
0x69: {  	_ =	shalt  }
0x6a: {  	_ =	shalt  }
0x6b: {  	_ =	shalt  }
0x6c: {  	_ =	shalt  }
0x6d: {  	_ =	shalt  }
0x6e: {  	_ =	shalt  }
0x6f: {  	_ =	shalt  }
0x70: {  	_ =	shalt  }
0x71: {  	_ =	shalt  }
0x72: {  	_ =	shalt  }
0x73: {  	_ =	shalt  }
0x74: {  	_ =	shalt  }
0x75: {  	_ =	shalt  }
0x76: {  	_ =	shalt  }
0x77: {  	_ =	shalt  }
0x78: {  	_ =	shalt  }
0x79: {  	_ =	shalt  }
0x7a: {  	_ =	shalt  }
0x7b: {  	_ =	shalt  }
0x7c: {  	_ =	shalt  }
0x7d: {  	_ =	shalt  }
0x7e: {  	_ =	shalt  }
0x7f: {  	_ =	shalt  }
0x80: {  	_ =	shalt  }
0x81: {  	_ =	shalt  }
0x82: {  	_ =	shalt  }
0x83: {  	_ =	shalt  }
0x84: {  	_ =	shalt  }
0x85: {  	_ =	shalt  }
0x86: {  	_ =	shalt  }
0x87: {  	_ =	shalt  }
.Lfunc_end0:
.L_simem_size_0:
called_computation_lowered:
.L_overlay_start_0:
0x88: {  	s2 =	sld [smem:$0x3FD9]  }
0x89: {  	s3 =	sld [smem:$0x3FFE];
	_ =	sdelay $0x1  }
0x8a: {  	s1 =	srdreg.scid  }
0x8b: {  	s0 =	sand.u32 $0x1, s1  }
0x8c: {  	s17 =	sshll.u32 s0, $0xA;
	s2 =	sadd.s32 s3, s2  }
0x8d: {  	s2 =	sadd.s32 s2, s17  }
0x8e: {  	[smem:$0x3FB9] =	sst s2  }
0x8f: {  	_ = 	snop  }
0x90: {  	s2 =	sld [smem:$0x3FC5]  }
0x91: {  	s18 =	sld [smem:$0x3FD0];
	(tm) =	ssettm $0x1  }
0x92: {  	s4 =	sld [smem:$0x3FFB];
	_ =	sdelay $0x3  }
0x93: {  	_ =	strace s4  }
0x94: {  	s4 =	sld [smem:$0x3FFC];
	_ =	sdelay $0x3  }
0x95: {  	_ =	strace s4  }
0x96: {  	s4 =	sld [smem:$0x3FFD];
	_ =	sdelay $0x3  }
0x97: {  	_ =	strace s4  }
0x98: {  	_ =	strace $0x8FFFFFFF  }
0x99: {  	s19 =	sld [smem:$0x3FDB];
	_ =	sdelay $0x1  }
0x9a: {  	s5 =	simm.s32 $_scs_section_size  }
0x9b: {  	s6 =	simm.s32 $_size__tile_overlayer_lowered;
	s7 =	simm.s32 $_tile_overlayer_lowered  }
0x9c: {  	s22 =	simm.s32 $0x1BFF;
	s21 =	sshll.u32 s7, $0x1;
	s4 =	sadd.s32 s5, s19  }
0x9d: {  	s8 =	simm.s32 $0x0;
	s20 =	sshll.u32 s6, $0x1;
	s6 =	sadd.s32 s21, s4  }
0x9e: {  	[timem:s8], [sflag:s22] =	dma.local [hbm:s6], s20  }
0x9f: {  	_ =	swait.ge [sflag:s22], s20  }
0xa0: {  	s5 =	ssub.s32 $0x0, s20;
	[sflag:s22] =	ssyncset.done $0x0  }
0xa1: {  	[sflag:s22] =	ssyncadd.s32 s5;
	_ =	sdelay $0x1  }
0xa2: {  	s23 =	simm.s32 $0x1B8B  }
0xa3: {  	_ =	swait.ge [sflag:s23], $0x1  }
0xa4: {  	[sflag:s23] =	ssyncset.done $0x0  }
0xa5: {  	s25 =	simm.s32 $0x1B8E;
	s24 =	sld [smem:$0x3FFE];
	[sflag:s23] =	ssyncadd.s32 $0xFFFFFFFF  }
0xa6: {  	s26 =	simm.s32 $execute0_lowered;
	[smem:$0x3FD2] =	sst s25  }
0xa7: {  	s6 =	sshll.u32 s26, $0x1;
	_ =	strace $0x80000046;
	[dreg:$0x1] =	wrdreg $0xFFFFFFFF  }
0xa8: {  	s28 =	simm.s32 $_size_execute0_lowered;
	s4 =	sadd.s32 s4, s6;
	[dreg:$0x0] =	wrdreg $0x0  }
0xa9: {  	s6 =	sshll.u32 s28, $0x1;
	[dreg:$0x2] =	wrdreg s4  }
0xaa: {  	[dreg:$0x3] =	wrdreg s6  }
0xab: {  	[dreg:$0x4] =	wrdreg $0xC0  }
0xac: {  	_ =	task [dreg:s8], $0x5FFFF  }
0xad: {  	[dreg:$0x1] =	wrdreg $0xFFFFFFFF  }
0xae: {  	[dreg:$0x0] =	wrdreg $0x60  }
0xaf: {  	[dreg:$0x2] =	wrdreg s2  }
0xb0: {  	[dreg:$0x3] =	wrdreg s18  }
0xb1: {  	[dreg:$0x4] =	wrdreg s24  }
0xb2: {  	[dreg:$0x5] =	wrdreg $0x9  }
0xb3: {  	_ =	task.clear_ibuf [dreg:s8], $0x6FFFF;
	_ =	strace $0x90000046  }
0xb4: {  	s29 =	simm.s32 $0x9;
	_ =	strace $0x80000048  }
0xb5: {  	_ =	swait.ge [sflag:s29], $0x1  }
0xb6: {  	[sflag:s29] =	ssyncadd.s32 $0xFFFFFFFF  }
0xb7: {  	_ =	strace $0x90000048  }
0xb8: {  	_ =	sfence  }
0xb9: {  	s30 =	sld [smem:$0x0];
	_ =	sdelay $0x2  }
0xba: {  	s31 =	sshll.u32 s1, $0xD;
	s1 =	sshrl.u32 s1, $0x2  }
0xbb: {  	s3 =	sand.u32 $0x4000, s31;
	s1 =	sadd.s32 s1, s30  }
0xbc: {  	s0 =	sor.u32 s3, s0;
	s1 =	sshll.u32 s1, $0x11  }
0xbd: {  	s0 =	sor.u32 s1, s0  }
0xbe: {  	s0 =	sadd.s32 $0x8F2B, s0  }
0xbf: {  	[sflag:s0] =	ssyncadd.remote.s32 $0x1  }
0xc0: {  	_ =	sfence.sel $0xFFFF  }
0xc1: {  	[dreg:$0x0] =	wrdreg $0xFFFFFFFF;
	(pc) =	sbr.abs _section_cstart, $3  }
0xc2: {  	[dreg:$0x1] =	wrdreg $0xFFFFFFFF  }
0xc3: {  	_ =	task.clear_ibuf [dreg:s8], $0x2FFFF;
	_ =	strace $0x9FFFFFFF  }
0xc4: {  	(tm) =	ssettm $0x7FFFFFFF  }
0xc5: {  	_ =	shalt  }
tec
execute0_lowered:
.L_overlay_start_1:
0x0: {  	(tag) =	ssettag $0x1  }
0x1: {  	s1 =	rddreg [dreg:$0x0]  }
0x2: {  	s2 =	srdreg.scid;
	s0 =	stileid.u32  }
0x3: {  	s4 =	rddreg [dreg:$0x1];
	s18 =	sand.u32 $0x1, s2;
	s29 =	sshll.u32 s0, $0x1  }
0x4: {  	s10 =	rddreg [dreg:$0x2];
	s19 =	sor.u32 s18, s29  }
0x5: {  	s3 =	simm.s32 $0x0;
	s2 =	rddreg [dreg:$0x3];
	s5 =	smul.u32 $0xC8, s19  }
0x6: {  	[smem:$0x7FF] =	sst s3  }
0x7: {  	_ =	strace $0x80000047;
	s5 =	sadd.s32 s4, s5;
	s4 =	simm.s32 $0x3  }
0x8: {  	[tilespmem:s3], [sflag:$0x3] =	stream.linear.gather [hbm4b:s5+s3], $0x640, $0x38;
	[tilespmem:$0x14680] =	vst v63  }
0x9: {  	_ =	swait.ge [sflag:s4], $0x640  }
0xa: {  	[sflag:s4] =	ssyncset.done $0x0  }
0xb: {  	s6 =	simm.s32 $0x140;
	s7 =	simm.s32 $0x680;
	[sflag:s4] =	ssyncadd.s32 $0xFFFFF9C0  }
0xc: {  	[tilespmem:s7], [sflag:$0x1] =	stream.indirect.gather [hbm4b:s1+s6], $0x80, s3, s6, $0xb8;
	[tilespmem:$0x14680] =	vst v63  }
0xd: {  	s8 =	simm.s32 $0xA680;
	s9 =	simm.s32 $0x1  }
0xe: {  	[tilespmem:s8], [sflag:$0x2] =	stream.indirect.gather [hbm4b:s1+s6], $0x80, s6, s6, $0xb8;
	[tilespmem:$0x14680] =	vst v63  }
0xf: {  	s11 =	smul.u32 $0x6400, s19;
	_ =	swait.ge [sflag:s9], $0xA000  }
0x10: {  	s20 =	sadd.s32 $0x8C00, s10;
	[sflag:s9] =	ssyncset.done $0x0  }
0x11: {  	s10 =	sadd.s32 s20, s11;
	[sflag:s9] =	ssyncadd.s32 $0xFFFF6000  }
0x12: {  	[hbm4b:s10+s3] =	stream.linear.scatter [tilespmem:s7], [sflag:$0x3], $0xA000, $0x38;
	[tilespmem:$0x14680] =	vst v63  }
0x13: {  	_ =	swait.ge [sflag:s4], $0xA000  }
0x14: {  	[sflag:s4] =	ssyncset.done $0x0  }
0x15: {  	s12 =	simm.s32 $0x2;
	s11 =	simm.s32 $0x280;
	[sflag:s4] =	ssyncadd.s32 $0xFFFF6000  }
0x16: {  	[tilespmem:s7], [sflag:$0x1] =	stream.indirect.gather [hbm4b:s1+s6], $0x80, s11, s6, $0xb8;
	[tilespmem:$0x14680] =	vst v63  }
0x17: {  	_ =	swait.ge [sflag:s12], $0xA000  }
0x18: {  	[sflag:s12] =	ssyncset.done $0x0  }
0x19: {  	s13 =	sadd.s32 $0x1400, s10;
	[sflag:s12] =	ssyncadd.s32 $0xFFFF6000  }
0x1a: {  	[hbm4b:s13+s3] =	stream.linear.scatter [tilespmem:s8], [sflag:$0x3], $0xA000, $0x38;
	[tilespmem:$0x14680] =	vst v63  }
0x1b: {  	_ =	swait.ge [sflag:s4], $0xA000  }
0x1c: {  	[sflag:s4] =	ssyncset.done $0x0  }
0x1d: {  	s14 =	simm.s32 $0x3C0;
	[sflag:s4] =	ssyncadd.s32 $0xFFFF6000  }
0x1e: {  	[tilespmem:s8], [sflag:$0x2] =	stream.indirect.gather [hbm4b:s1+s6], $0x80, s14, s6, $0xb8;
	[tilespmem:$0x14680] =	vst v63  }
0x1f: {  	_ =	swait.ge [sflag:s9], $0xA000  }
0x20: {  	[sflag:s9] =	ssyncset.done $0x0  }
0x21: {  	s15 =	sadd.s32 $0x2800, s10;
	[sflag:s9] =	ssyncadd.s32 $0xFFFF6000  }
0x22: {  	[hbm4b:s15+s3] =	stream.linear.scatter [tilespmem:s7], [sflag:$0x3], $0xA000, $0x38;
	[tilespmem:$0x14680] =	vst v63  }
0x23: {  	_ =	swait.ge [sflag:s4], $0xA000  }
0x24: {  	[sflag:s4] =	ssyncset.done $0x0  }
0x25: {  	s16 =	simm.s32 $0x500;
	[sflag:s4] =	ssyncadd.s32 $0xFFFF6000  }
0x26: {  	[tilespmem:s7], [sflag:$0x1] =	stream.indirect.gather [hbm4b:s1+s6], $0x80, s16, s6, $0xb8;
	[tilespmem:$0x14680] =	vst v63  }
0x27: {  	_ =	swait.ge [sflag:s12], $0xA000  }
0x28: {  	[sflag:s12] =	ssyncset.done $0x0  }
0x29: {  	s18 =	ssub.s32 $0x2, s18;
	s17 =	sadd.s32 $0x3C00, s10;
	[sflag:s12] =	ssyncadd.s32 $0xFFFF6000  }
0x2a: {  	[hbm4b:s17+s3] =	stream.linear.scatter [tilespmem:s8], [sflag:$0x3], $0xA000, $0x38;
	[tilespmem:$0x14680] =	vst v63  }
0x2b: {  	s21 =	sshrl.u32 s18, $0x1;
	_ =	swait.ge [sflag:s4], $0xA000  }
0x2c: {  	s19 =	smul.u32 $0x32000, s19;
	s21 =	ssub.s32 s18, s21;
	[sflag:s4] =	ssyncset.done $0x0  }
0x2d: {  	s31 =	smax.u32 s21, $0x1;
	[sflag:s4] =	ssyncadd.s32 $0xFFFF6000  }
0x2e: {  	s19 =	sshrl.u32 s19, $0x3;
	p0 =	sne.s32 s31, $0x1;
	_ =	swait.ge [sflag:s9], $0xA000  }
.Ltmp0:
0x2f: {  	s30 =	sadd.s32 s20, s19;
	[sflag:s9] =	ssyncset.done $0x0;
	(pc) =	sbr.rel @!p0 .LBB2_2-.Ltmp0, $4  }
0x30: {  	s18 =	sadd.s32 $0x5000, s30;
	[sflag:s9] =	ssyncadd.s32 $0xFFFF6000  }
0x31: {  	[hbm4b:s18+s3] =	stream.linear.scatter [tilespmem:s7], [sflag:$0x3], $0xA000, $0x38;
	[tilespmem:$0x14680] =	vst v63  }
0x32: {  	_ =	swait.ge [sflag:s4], $0xA000  }
0x33: {  	s19 =	sadd.s32 $0xFFFFFFFF, s31;
	[sflag:s4] =	ssyncset.done $0x0  }
.LBB2_1:
0x34: {  	p0 =	sne.s32 s19, $0x1;
	s19 =	sadd.s32 $0xFFFFFFFF, s19;
	[sflag:s4] =	ssyncadd.s32 $0xFFFF6000  }
0x35: {  	[tilespmem:s3], [sflag:$0x3] =	stream.linear.gather [hbm4b:s5+s3], $0x640, $0x38;
	[tilespmem:$0x14680] =	vst v63  }
0x36: {  	_ =	swait.ge [sflag:s4], $0x640  }
0x37: {  	[sflag:s4] =	ssyncset.done $0x0  }
0x38: {  	[sflag:s4] =	ssyncadd.s32 $0xFFFFF9C0  }
0x39: {  	[tilespmem:s7], [sflag:$0x1] =	stream.indirect.gather [hbm4b:s1+s6], $0x80, s3, s6, $0xb8;
	[tilespmem:$0x14680] =	vst v63  }
0x3a: {  	_ = 	snop  }
0x3b: {  	[tilespmem:s8], [sflag:$0x2] =	stream.indirect.gather [hbm4b:s1+s6], $0x80, s6, s6, $0xb8;
	[tilespmem:$0x14680] =	vst v63  }
0x3c: {  	_ =	swait.ge [sflag:s9], $0xA000  }
0x3d: {  	[sflag:s9] =	ssyncset.done $0x0  }
0x3e: {  	[sflag:s9] =	ssyncadd.s32 $0xFFFF6000  }
0x3f: {  	[hbm4b:s10+s3] =	stream.linear.scatter [tilespmem:s7], [sflag:$0x3], $0xA000, $0x38;
	[tilespmem:$0x14680] =	vst v63  }
0x40: {  	_ =	swait.ge [sflag:s4], $0xA000  }
0x41: {  	[sflag:s4] =	ssyncset.done $0x0  }
0x42: {  	[sflag:s4] =	ssyncadd.s32 $0xFFFF6000  }
0x43: {  	[tilespmem:s7], [sflag:$0x1] =	stream.indirect.gather [hbm4b:s1+s6], $0x80, s11, s6, $0xb8;
	[tilespmem:$0x14680] =	vst v63  }
0x44: {  	_ =	swait.ge [sflag:s12], $0xA000  }
0x45: {  	[sflag:s12] =	ssyncset.done $0x0  }
0x46: {  	[sflag:s12] =	ssyncadd.s32 $0xFFFF6000  }
0x47: {  	[hbm4b:s13+s3] =	stream.linear.scatter [tilespmem:s8], [sflag:$0x3], $0xA000, $0x38;
	[tilespmem:$0x14680] =	vst v63  }
0x48: {  	_ =	swait.ge [sflag:s4], $0xA000  }
0x49: {  	[sflag:s4] =	ssyncset.done $0x0  }
0x4a: {  	[sflag:s4] =	ssyncadd.s32 $0xFFFF6000  }
0x4b: {  	[tilespmem:s8], [sflag:$0x2] =	stream.indirect.gather [hbm4b:s1+s6], $0x80, s14, s6, $0xb8;
	[tilespmem:$0x14680] =	vst v63  }
0x4c: {  	_ =	swait.ge [sflag:s9], $0xA000  }
0x4d: {  	[sflag:s9] =	ssyncset.done $0x0  }
0x4e: {  	[sflag:s9] =	ssyncadd.s32 $0xFFFF6000  }
0x4f: {  	[hbm4b:s15+s3] =	stream.linear.scatter [tilespmem:s7], [sflag:$0x3], $0xA000, $0x38;
	[tilespmem:$0x14680] =	vst v63  }
0x50: {  	_ =	swait.ge [sflag:s4], $0xA000  }
0x51: {  	[sflag:s4] =	ssyncset.done $0x0  }
0x52: {  	[sflag:s4] =	ssyncadd.s32 $0xFFFF6000  }
0x53: {  	[tilespmem:s7], [sflag:$0x1] =	stream.indirect.gather [hbm4b:s1+s6], $0x80, s16, s6, $0xb8;
	[tilespmem:$0x14680] =	vst v63  }
0x54: {  	_ =	swait.ge [sflag:s12], $0xA000  }
0x55: {  	[sflag:s12] =	ssyncset.done $0x0  }
0x56: {  	[sflag:s12] =	ssyncadd.s32 $0xFFFF6000  }
0x57: {  	[hbm4b:s17+s3] =	stream.linear.scatter [tilespmem:s8], [sflag:$0x3], $0xA000, $0x38;
	[tilespmem:$0x14680] =	vst v63  }
0x58: {  	_ =	swait.ge [sflag:s4], $0xA000  }
0x59: {  	[sflag:s4] =	ssyncset.done $0x0  }
0x5a: {  	[sflag:s4] =	ssyncadd.s32 $0xFFFF6000  }
0x5b: {  	_ =	swait.ge [sflag:s9], $0xA000  }
.Ltmp1:
0x5c: {  	[sflag:s9] =	ssyncset.done $0x0;
	(pc) =	sbr.rel @p0 .LBB2_1-.Ltmp1, $4  }
0x5d: {  	[sflag:s9] =	ssyncadd.s32 $0xFFFF6000  }
0x5e: {  	[hbm4b:s18+s3] =	stream.linear.scatter [tilespmem:s7], [sflag:$0x3], $0xA000, $0x38;
	[tilespmem:$0x14680] =	vst v63  }
0x5f: {  	_ =	swait.ge [sflag:s4], $0xA000  }
0x60: {  	[sflag:s4] =	ssyncset.done $0x0  }
.LBB2_2:
0x61: {  	[sflag:s4] =	ssyncadd.s32 $0xFFFF6000  }
0x62: {  	_ =	sfence.sel $0x180000  }
0x63: {  	[bflag:$0x0] =	sbarrier.arrive $0xFFFF  }
0x64: {  	p0 =	sne.s32 s0, $0x0;
	_ =	strace $0x90000047  }
0x65: {  	s0 =	sadd.s32 @!p0 $0x100000, s2;
	[bflag:$0x2] =	sbarrier.arrive $0xFFFF  }
0x66: {  	[sflag:s0] =	ssyncadd.tile.s32 @!p0 $0x1;
	_ =	shalt  }
.Lfunc_end2:
_tile_overlayer_lowered:
.L_overlay_start_2:
0x67: {  	(tag) =	ssettag $0x2  }
0x68: {  	s0 =	rddreg [dreg:$0x0];
	s2 =	stileid.u32  }
0x69: {  	s1 =	rddreg [dreg:$0x1];
	p0 =	sne.s32 s2, $0x0  }
0x6a: {  	s3 =	rddreg [dreg:$0x2];
	[bflag:$0x3] =	sbarrier.arrive $0xFFFF;
	s2 =	simm.s32 @!p0 $0x1C03  }
0x6b: {  	[timem:s3], [sflag:s2] =	dma.local @!p0 [hbm:s0], s1  }
0x6c: {  	s0 =	simm.s32 @!p0 $0x3  }
0x6d: {  	_ =	swait.ge @!p0 [sflag:s0], s1  }
0x6e: {  	s1 =	ssub.s32 @!p0 $0x0, s1;
	[sflag:s0] =	ssyncset.done @!p0 $0x0  }
0x6f: {  	[sflag:s0] =	ssyncadd.s32 @!p0 s1  }
0x70: {  	[bflag:$0x3] =	sbarrier.arrive $0xFFFF  }
0x71: {  	_ =	shalt  }

// kernel: kernel.13.cloned.1.call-start
scs
__scs_entry_jumppad:
0x0: {  	(pc) =	sbr.rel $0x88, $3  }
0x1: {  	(tag) =	ssettag $0x0;
	lr =	simm.s32 $0x1  }
0x2: {  	[smem:$0x3F92] =	sst lr;
	_ =	strace $0xD0000000  }
0x3: {  	_ = 	snop  }
0x4: {  	_ = 	snop  }
0x5: {  	_ = 	snop  }
0x6: {  	_ = 	snop  }
0x7: {  	_ = 	snop  }
__scs_overlays_trampoline_lowered:
0x8: {  	[smem:$0x3FA1] =	sst s0  }
0x9: {  	[smem:$0x3FA2] =	sst s1  }
0xa: {  	[smem:$0x3FA3] =	sst s2  }
0xb: {  	[smem:$0x3FA4] =	sst s3  }
0xc: {  	[smem:$0x3FA5] =	sst s4  }
0xd: {  	[smem:$0x3FA6] =	sst s5  }
0xe: {  	[smem:$0x3FA7] =	sst s6  }
0xf: {  	[smem:$0x3FA8] =	sst s7  }
0x10: {  	[smem:$0x3FA9] =	sst s8  }
0x11: {  	[smem:$0x3FAA] =	sst s9;
	s0 =	simm.s32 @!p0 $0x0  }
0x12: {  	s1 =	sld [smem:$0x3F90];
	s0 =	simm.s32 @p0 $0x1  }
0x13: {  	[smem:$0x3FAB] =	sst s0;
	s0 =	simm.s32 @!p1 $0x0  }
0x14: {  	s2 =	sld [smem:$0x3F8F];
	s0 =	simm.s32 @p1 $0x1  }
0x15: {  	[smem:$0x3FAC] =	sst s0;
	s0 =	simm.s32 @!p2 $0x0  }
0x16: {  	s3 =	sld [smem:$0x3FDB];
	s0 =	simm.s32 @p2 $0x1  }
0x17: {  	s4 =	simm.s32 $0x1BF5;
	[smem:$0x3FAE] =	sst s0  }
0x18: {  	s0 =	sld [smem:$0x3F91];
	_ =	swait.ge [sflag:s4], $0x0  }
0x19: {  	s7 =	sld [smem:$0x3F92]  }
0x1a: {  	s8 =	sadd.s32 $0xFFFFE003, lr  }
0x1b: {  	s9 =	sadd.s32 $0xFFFFFEF7, lr;
	s5 =	simm.s32 $0xFFFFFFFF;
	p2 =	slt.u32 s8, $0xFFFFF086  }
0x1c: {  	p1 =	slt.u32 s9, $0xF7A;
	s5 =	simm.s32 @!p2 $0x0  }
0x1d: {  	s5 =	simm.s32 @p1 $0x1;
	p0 =	seq.s32 s7, s2  }
0x1e: {  	s7 =	smul.u32 @!p0 $0xF7A, s2;
	p2 =	seq.s32 @!p0 s5, $0x0  }
0x1f: {  	s9 =	smul.u32 $0xF7A, s1;
	s8 =	simm.s32 @!p0 $0x1BF5;
	p2 =	por !p2, p0  }
0x20: {  	[sflag:s8] =	ssyncset.s32 @!p0 $0xFFFFF086;
	s6 =	sadd.s32 @!p0 s3, s7;
	s7 =	simm.s32 @!p0 $0x108  }
0x21: {  	s3 =	sadd.s32 s3, s9;
	s6 =	sadd.s32 @!p0 $0x88, s6;
	s7 =	simm.s32 @p2 $0x1082  }
0x22: {  	[simem:s7], [sflag:s8] =	dma.local @!p0 [hbm:s6], $0xF7A  }
0x23: {  	s9 =	sor.u32 $0xD0000000, s2;
	s6 =	simm.s32 $0x108;
	_ =	swait.ge @!p0 [sflag:s8], $0x0  }
0x24: {  	s3 =	sadd.s32 $0x88, s3;
	s6 =	simm.s32 @!p1 $0x1082;
	[sflag:s4] =	ssyncset.s32 $0xFFFFF086  }
0x25: {  	[simem:s6], [sflag:s4] =	dma.local [hbm:s3], $0xF7A  }
0x26: {  	[smem:$0x3F92] =	sst s1;
	(tag) =	ssettag s2;
	_ =	strace s9  }
0x27: {  	s1 =	sld [smem:$0x3FA2]  }
0x28: {  	s2 =	sld [smem:$0x3FA3]  }
0x29: {  	s4 =	sld [smem:$0x3FA5]  }
0x2a: {  	p0 =	seq.s32 s5, $0x0;
	s5 =	sld [smem:$0x3FA6]  }
0x2b: {  	s6 =	sld [smem:$0x3FA7]  }
0x2c: {  	s7 =	sld [smem:$0x3FA8]  }
0x2d: {  	s3 =	simm.s32 $0x108;
	s8 =	sld [smem:$0x3FA9]  }
0x2e: {  	s3 =	simm.s32 @!p0 $0x1082;
	s9 =	sld [smem:$0x3FAA]  }
0x2f: {  	lr =	sadd.s32 s0, s3;
	s0 =	sld [smem:$0x3FA1]  }
0x30: {  	s3 =	sld [smem:$0x3FA4]  }
0x31: {  	[smem:$0x3FAD] =	sst s10  }
0x32: {  	s10 =	sld [smem:$0x3FAB];
	_ =	sdelay $0x3  }
0x33: {  	p0 =	seq.s32 s10, $0x1;
	s10 =	sld [smem:$0x3FAD];
	_ =	sdelay $0x3  }
0x34: {  	[smem:$0x3FAD] =	sst s10  }
0x35: {  	s10 =	sld [smem:$0x3FAC];
	_ =	sdelay $0x3  }
0x36: {  	p1 =	seq.s32 s10, $0x1;
	s10 =	sld [smem:$0x3FAD];
	_ =	sdelay $0x3  }
0x37: {  	[smem:$0x3FAD] =	sst s10  }
0x38: {  	s10 =	sld [smem:$0x3FAE]  }
0x39: {  	_ = 	snop;
	(pc) =	sbr.ind lr, $3  }
0x3a: {  	_ = 	snop  }
0x3b: {  	_ = 	snop  }
0x3c: {  	p2 =	seq.s32 s10, $0x1;
	s10 =	sld [smem:$0x3FAD]  }
0x3d: {  	_ =	shalt  }
0x3e: {  	_ =	shalt  }
0x3f: {  	_ =	shalt  }
0x40: {  	_ =	shalt  }
0x41: {  	_ =	shalt  }
0x42: {  	_ =	shalt  }
0x43: {  	_ =	shalt  }
0x44: {  	_ =	shalt  }
0x45: {  	_ =	shalt  }
0x46: {  	_ =	shalt  }
0x47: {  	_ =	shalt  }
0x48: {  	_ =	shalt  }
0x49: {  	_ =	shalt  }
0x4a: {  	_ =	shalt  }
0x4b: {  	_ =	shalt  }
0x4c: {  	_ =	shalt  }
0x4d: {  	_ =	shalt  }
0x4e: {  	_ =	shalt  }
0x4f: {  	_ =	shalt  }
0x50: {  	_ =	shalt  }
0x51: {  	_ =	shalt  }
0x52: {  	_ =	shalt  }
0x53: {  	_ =	shalt  }
0x54: {  	_ =	shalt  }
0x55: {  	_ =	shalt  }
0x56: {  	_ =	shalt  }
0x57: {  	_ =	shalt  }
0x58: {  	_ =	shalt  }
0x59: {  	_ =	shalt  }
0x5a: {  	_ =	shalt  }
0x5b: {  	_ =	shalt  }
0x5c: {  	_ =	shalt  }
0x5d: {  	_ =	shalt  }
0x5e: {  	_ =	shalt  }
0x5f: {  	_ =	shalt  }
0x60: {  	_ =	shalt  }
0x61: {  	_ =	shalt  }
0x62: {  	_ =	shalt  }
0x63: {  	_ =	shalt  }
0x64: {  	_ =	shalt  }
0x65: {  	_ =	shalt  }
0x66: {  	_ =	shalt  }
0x67: {  	_ =	shalt  }
0x68: {  	_ =	shalt  }
0x69: {  	_ =	shalt  }
0x6a: {  	_ =	shalt  }
0x6b: {  	_ =	shalt  }
0x6c: {  	_ =	shalt  }
0x6d: {  	_ =	shalt  }
0x6e: {  	_ =	shalt  }
0x6f: {  	_ =	shalt  }
0x70: {  	_ =	shalt  }
0x71: {  	_ =	shalt  }
0x72: {  	_ =	shalt  }
0x73: {  	_ =	shalt  }
0x74: {  	_ =	shalt  }
0x75: {  	_ =	shalt  }
0x76: {  	_ =	shalt  }
0x77: {  	_ =	shalt  }
0x78: {  	_ =	shalt  }
0x79: {  	_ =	shalt  }
0x7a: {  	_ =	shalt  }
0x7b: {  	_ =	shalt  }
0x7c: {  	_ =	shalt  }
0x7d: {  	_ =	shalt  }
0x7e: {  	_ =	shalt  }
0x7f: {  	_ =	shalt  }
0x80: {  	_ =	shalt  }
0x81: {  	_ =	shalt  }
0x82: {  	_ =	shalt  }
0x83: {  	_ =	shalt  }
0x84: {  	_ =	shalt  }
0x85: {  	_ =	shalt  }
0x86: {  	_ =	shalt  }
0x87: {  	_ =	shalt  }
.Lfunc_end0:
.L_simem_size_0:
called_computation.1_lowered:
.L_overlay_start_0:
0x88: {  	s2 =	sld [smem:$0x3FD9]  }
0x89: {  	s3 =	sld [smem:$0x3FFE];
	_ =	sdelay $0x1  }
0x8a: {  	s1 =	srdreg.scid  }
0x8b: {  	s0 =	sand.u32 $0x1, s1  }
0x8c: {  	s17 =	sshll.u32 s0, $0xA;
	s2 =	sadd.s32 s3, s2  }
0x8d: {  	s2 =	sadd.s32 s2, s17  }
0x8e: {  	[smem:$0x3FB9] =	sst s2  }
0x8f: {  	_ = 	snop  }
0x90: {  	s18 =	sld [smem:$0x3FC5];
	(tm) =	ssettm $0x1  }
0x91: {  	s19 =	sld [smem:$0x3FFB];
	_ =	sdelay $0x3  }
0x92: {  	_ =	strace s19  }
0x93: {  	s2 =	sld [smem:$0x3FFC];
	_ =	sdelay $0x3  }
0x94: {  	_ =	strace s2  }
0x95: {  	s2 =	sld [smem:$0x3FFD];
	_ =	sdelay $0x3  }
0x96: {  	_ =	strace s2  }
0x97: {  	_ =	strace $0x8FFFFFFF  }
0x98: {  	s20 =	sld [smem:$0x3FDB];
	_ =	sdelay $0x1  }
0x99: {  	s4 =	simm.s32 $_scs_section_size  }
0x9a: {  	s5 =	simm.s32 $_size__tile_overlayer_lowered;
	s6 =	simm.s32 $_tile_overlayer_lowered  }
0x9b: {  	s7 =	simm.s32 $0x1BFF;
	s21 =	sshll.u32 s6, $0x1;
	s4 =	sadd.s32 s4, s20  }
0x9c: {  	s22 =	simm.s32 $0x0;
	s5 =	sshll.u32 s5, $0x1;
	s6 =	sadd.s32 s21, s4  }
0x9d: {  	[timem:s22], [sflag:s7] =	dma.local [hbm:s6], s5  }
0x9e: {  	_ =	swait.ge [sflag:s7], s5  }
0x9f: {  	s5 =	ssub.s32 $0x0, s5;
	[sflag:s7] =	ssyncset.done $0x0  }
0xa0: {  	[sflag:s7] =	ssyncadd.s32 s5;
	_ =	sdelay $0x1  }
0xa1: {  	s23 =	simm.s32 $0x1B8B  }
0xa2: {  	_ =	swait.ge [sflag:s23], $0x1  }
0xa3: {  	[sflag:s23] =	ssyncset.done $0x0  }
0xa4: {  	[sflag:s23] =	ssyncadd.s32 $0xFFFFFFFF  }
0xa5: {  	s5 =	sld [smem:$0x0]  }
0xa6: {  	s6 =	sand.u32 $0xFFFFFFFE, s1  }
0xa7: {  	p0 =	sne.s32 s1, s6  }
0xa8: {  	s6 =	sshll.u32 @p0 s6, $0xE  }
0xa9: {  	s6 =	sadd.s32 @p0 $0x11B8D, s6;
	s7 =	sshll.u32 @p0 s5, $0x11  }
0xaa: {  	s6 =	sor.u32 @p0 s7, s6  }
0xab: {  	[sflag:s6] =	ssyncadd.remote.s32 @p0 $0x1;
	_ =	sdelay $0x1  }
0xac: {  	s6 =	simm.s32 @p0 $0x1B8D  }
0xad: {  	_ =	swait.eq @p0 [sflag:s6], $0x1  }
0xae: {  	[sflag:s6] =	ssyncadd.s32 @p0 $0xFFFFFFFF  }
0xaf: {  	s7 =	sshll.u32 @!p0 s1, $0xE  }
0xb0: {  	s7 =	sor.u32 @!p0 $0x4000, s7;
	s6 =	simm.s32 @!p0 $0x1B8D  }
0xb1: {  	s5 =	sshll.u32 @!p0 s5, $0x11;
	s7 =	sadd.s32 @!p0 $0x11B8D, s7;
	_ =	swait.eq @!p0 [sflag:s6], $0x1  }
0xb2: {  	s5 =	sor.u32 @!p0 s5, s7;
	[sflag:s6] =	ssyncadd.s32 @!p0 $0xFFFFFFFF  }
0xb3: {  	s25 =	simm.s32 $0x1B8E;
	s24 =	sld [smem:$0x3FFE];
	[sflag:s5] =	ssyncadd.remote.s32 @!p0 $0x1  }
0xb4: {  	s26 =	simm.s32 $execute0_lowered;
	[smem:$0x3FD2] =	sst s25  }
0xb5: {  	s6 =	sshll.u32 s26, $0x1;
	_ =	strace $0x80000049;
	[dreg:$0x1] =	wrdreg $0xFFFFFFFF  }
0xb6: {  	s28 =	simm.s32 $_size_execute0_lowered;
	s4 =	sadd.s32 s4, s6;
	[dreg:$0x0] =	wrdreg $0x0  }
0xb7: {  	s6 =	sshll.u32 s28, $0x1;
	[dreg:$0x2] =	wrdreg s4  }
0xb8: {  	[dreg:$0x3] =	wrdreg s6  }
0xb9: {  	[dreg:$0x4] =	wrdreg $0xC0  }
0xba: {  	_ =	task [dreg:s22], $0x5FFFF  }
0xbb: {  	[dreg:$0x1] =	wrdreg $0xFFFFFFFF  }
0xbc: {  	[dreg:$0x0] =	wrdreg $0x60  }
0xbd: {  	[dreg:$0x2] =	wrdreg s18  }
0xbe: {  	[dreg:$0x3] =	wrdreg s24  }
0xbf: {  	[dreg:$0x4] =	wrdreg $0xA  }
0xc0: {  	_ =	task.clear_ibuf [dreg:s22], $0x5FFFF;
	_ =	strace $0x90000049  }
0xc1: {  	s29 =	simm.s32 $0xA;
	_ =	strace $0x8000004B  }
0xc2: {  	_ =	swait.ge [sflag:s29], $0x1  }
0xc3: {  	[sflag:s29] =	ssyncadd.s32 $0xFFFFFFFF  }
0xc4: {  	_ =	strace $0x9000004B  }
0xc5: {  	_ =	sfence  }
0xc6: {  	s30 =	sld [smem:$0x0];
	_ =	sdelay $0x2  }
0xc7: {  	s31 =	sshll.u32 s1, $0xD;
	s1 =	sshrl.u32 s1, $0x2  }
0xc8: {  	s4 =	sand.u32 $0x4000, s31;
	s1 =	sadd.s32 s1, s30  }
0xc9: {  	s0 =	sor.u32 s4, s0;
	s1 =	sshll.u32 s1, $0x11  }
0xca: {  	s0 =	sor.u32 s1, s0  }
0xcb: {  	s0 =	sadd.s32 $0x8F2B, s0  }
0xcc: {  	[sflag:s0] =	ssyncadd.remote.s32 $0x1  }
0xcd: {  	_ =	sfence.sel $0xFFFF  }
0xce: {  	[dreg:$0x0] =	wrdreg $0xFFFFFFFF;
	(pc) =	sbr.abs _section_cstart, $3  }
0xcf: {  	[dreg:$0x1] =	wrdreg $0xFFFFFFFF  }
0xd0: {  	_ =	task.clear_ibuf [dreg:s22], $0x2FFFF;
	_ =	strace $0x9FFFFFFF  }
0xd1: {  	(tm) =	ssettm $0x7FFFFFFF  }
tec
execute0_lowered:
.L_overlay_start_1:
0x0: {  	(tag) =	ssettag $0x1  }
0x1: {  	s1 =	srdreg.scid;
	s0 =	stileid.u32  }
0x2: {  	s18 =	sand.u32 $0x1, s1;
	s29 =	sshll.u32 s0, $0x1  }
0x3: {  	s2 =	rddreg [dreg:$0x0];
	s19 =	sor.u32 s18, s29  }
0x4: {  	s10 =	rddreg [dreg:$0x1];
	s4 =	smul.u32 $0xC8, s19  }
0x5: {  	s3 =	simm.s32 $0x0;
	s1 =	rddreg [dreg:$0x2]  }
0x6: {  	[smem:$0x7FF] =	sst s3;
	s4 =	sadd.s32 s4, s10  }
0x7: {  	_ =	strace $0x8000004A;
	s5 =	sadd.s32 $0x3E00, s4;
	s4 =	simm.s32 $0x3  }
0x8: {  	[tilespmem:s3], [sflag:$0x3] =	stream.linear.gather [hbm4b:s5+s3], $0x640, $0x38;
	[tilespmem:$0x14680] =	vst v63  }
0x9: {  	_ =	swait.ge [sflag:s4], $0x640  }
0xa: {  	[sflag:s4] =	ssyncset.done $0x0  }
0xb: {  	s6 =	simm.s32 $0x140;
	s7 =	simm.s32 $0x680;
	[sflag:s4] =	ssyncadd.s32 $0xFFFFF9C0  }
0xc: {  	[tilespmem:s7], [sflag:$0x1] =	stream.indirect.gather [hbm4b:s2+s6], $0x80, s3, s6, $0xb8;
	[tilespmem:$0x14680] =	vst v63  }
0xd: {  	s8 =	simm.s32 $0xA680;
	s9 =	simm.s32 $0x1  }
0xe: {  	[tilespmem:s8], [sflag:$0x2] =	stream.indirect.gather [hbm4b:s2+s6], $0x80, s6, s6, $0xb8;
	[tilespmem:$0x14680] =	vst v63  }
0xf: {  	s11 =	smul.u32 $0x6400, s19;
	_ =	swait.ge [sflag:s9], $0xA000  }
0x10: {  	s20 =	sadd.s32 $0xD0C00, s10;
	[sflag:s9] =	ssyncset.done $0x0  }
0x11: {  	s10 =	sadd.s32 s20, s11;
	[sflag:s9] =	ssyncadd.s32 $0xFFFF6000  }
0x12: {  	[hbm4b:s10+s3] =	stream.linear.scatter [tilespmem:s7], [sflag:$0x3], $0xA000, $0x38;
	[tilespmem:$0x14680] =	vst v63  }
0x13: {  	_ =	swait.ge [sflag:s4], $0xA000  }
0x14: {  	[sflag:s4] =	ssyncset.done $0x0  }
0x15: {  	s12 =	simm.s32 $0x2;
	s11 =	simm.s32 $0x280;
	[sflag:s4] =	ssyncadd.s32 $0xFFFF6000  }
0x16: {  	[tilespmem:s7], [sflag:$0x1] =	stream.indirect.gather [hbm4b:s2+s6], $0x80, s11, s6, $0xb8;
	[tilespmem:$0x14680] =	vst v63  }
0x17: {  	_ =	swait.ge [sflag:s12], $0xA000  }
0x18: {  	[sflag:s12] =	ssyncset.done $0x0  }
0x19: {  	s13 =	sadd.s32 $0x1400, s10;
	[sflag:s12] =	ssyncadd.s32 $0xFFFF6000  }
0x1a: {  	[hbm4b:s13+s3] =	stream.linear.scatter [tilespmem:s8], [sflag:$0x3], $0xA000, $0x38;
	[tilespmem:$0x14680] =	vst v63  }
0x1b: {  	_ =	swait.ge [sflag:s4], $0xA000  }
0x1c: {  	[sflag:s4] =	ssyncset.done $0x0  }
0x1d: {  	s14 =	simm.s32 $0x3C0;
	[sflag:s4] =	ssyncadd.s32 $0xFFFF6000  }
0x1e: {  	[tilespmem:s8], [sflag:$0x2] =	stream.indirect.gather [hbm4b:s2+s6], $0x80, s14, s6, $0xb8;
	[tilespmem:$0x14680] =	vst v63  }
0x1f: {  	_ =	swait.ge [sflag:s9], $0xA000  }
0x20: {  	[sflag:s9] =	ssyncset.done $0x0  }
0x21: {  	s15 =	sadd.s32 $0x2800, s10;
	[sflag:s9] =	ssyncadd.s32 $0xFFFF6000  }
0x22: {  	[hbm4b:s15+s3] =	stream.linear.scatter [tilespmem:s7], [sflag:$0x3], $0xA000, $0x38;
	[tilespmem:$0x14680] =	vst v63  }
0x23: {  	_ =	swait.ge [sflag:s4], $0xA000  }
0x24: {  	[sflag:s4] =	ssyncset.done $0x0  }
0x25: {  	s16 =	simm.s32 $0x500;
	[sflag:s4] =	ssyncadd.s32 $0xFFFF6000  }
0x26: {  	[tilespmem:s7], [sflag:$0x1] =	stream.indirect.gather [hbm4b:s2+s6], $0x80, s16, s6, $0xb8;
	[tilespmem:$0x14680] =	vst v63  }
0x27: {  	_ =	swait.ge [sflag:s12], $0xA000  }
0x28: {  	[sflag:s12] =	ssyncset.done $0x0  }
0x29: {  	s18 =	ssub.s32 $0x2, s18;
	s17 =	sadd.s32 $0x3C00, s10;
	[sflag:s12] =	ssyncadd.s32 $0xFFFF6000  }
0x2a: {  	[hbm4b:s17+s3] =	stream.linear.scatter [tilespmem:s8], [sflag:$0x3], $0xA000, $0x38;
	[tilespmem:$0x14680] =	vst v63  }
0x2b: {  	s21 =	sshrl.u32 s18, $0x1;
	_ =	swait.ge [sflag:s4], $0xA000  }
0x2c: {  	s19 =	smul.u32 $0x32000, s19;
	s21 =	ssub.s32 s18, s21;
	[sflag:s4] =	ssyncset.done $0x0  }
0x2d: {  	s31 =	smax.u32 s21, $0x1;
	[sflag:s4] =	ssyncadd.s32 $0xFFFF6000  }
0x2e: {  	s19 =	sshrl.u32 s19, $0x3;
	p0 =	sne.s32 s31, $0x1;
	_ =	swait.ge [sflag:s9], $0xA000  }
.Ltmp0:
0x2f: {  	s30 =	sadd.s32 s20, s19;
	[sflag:s9] =	ssyncset.done $0x0;
	(pc) =	sbr.rel @!p0 .LBB2_2-.Ltmp0, $4  }
0x30: {  	s18 =	sadd.s32 $0x5000, s30;
	[sflag:s9] =	ssyncadd.s32 $0xFFFF6000  }
0x31: {  	[hbm4b:s18+s3] =	stream.linear.scatter [tilespmem:s7], [sflag:$0x3], $0xA000, $0x38;
	[tilespmem:$0x14680] =	vst v63  }
0x32: {  	_ =	swait.ge [sflag:s4], $0xA000  }
0x33: {  	s19 =	sadd.s32 $0xFFFFFFFF, s31;
	[sflag:s4] =	ssyncset.done $0x0  }
.LBB2_1:
0x34: {  	p0 =	sne.s32 s19, $0x1;
	s19 =	sadd.s32 $0xFFFFFFFF, s19;
	[sflag:s4] =	ssyncadd.s32 $0xFFFF6000  }
0x35: {  	[tilespmem:s3], [sflag:$0x3] =	stream.linear.gather [hbm4b:s5+s3], $0x640, $0x38;
	[tilespmem:$0x14680] =	vst v63  }
0x36: {  	_ =	swait.ge [sflag:s4], $0x640  }
0x37: {  	[sflag:s4] =	ssyncset.done $0x0  }
0x38: {  	[sflag:s4] =	ssyncadd.s32 $0xFFFFF9C0  }
0x39: {  	[tilespmem:s7], [sflag:$0x1] =	stream.indirect.gather [hbm4b:s2+s6], $0x80, s3, s6, $0xb8;
	[tilespmem:$0x14680] =	vst v63  }
0x3a: {  	_ = 	snop  }
0x3b: {  	[tilespmem:s8], [sflag:$0x2] =	stream.indirect.gather [hbm4b:s2+s6], $0x80, s6, s6, $0xb8;
	[tilespmem:$0x14680] =	vst v63  }
0x3c: {  	_ =	swait.ge [sflag:s9], $0xA000  }
0x3d: {  	[sflag:s9] =	ssyncset.done $0x0  }
0x3e: {  	[sflag:s9] =	ssyncadd.s32 $0xFFFF6000  }
0x3f: {  	[hbm4b:s10+s3] =	stream.linear.scatter [tilespmem:s7], [sflag:$0x3], $0xA000, $0x38;
	[tilespmem:$0x14680] =	vst v63  }
0x40: {  	_ =	swait.ge [sflag:s4], $0xA000  }
0x41: {  	[sflag:s4] =	ssyncset.done $0x0  }
0x42: {  	[sflag:s4] =	ssyncadd.s32 $0xFFFF6000  }
0x43: {  	[tilespmem:s7], [sflag:$0x1] =	stream.indirect.gather [hbm4b:s2+s6], $0x80, s11, s6, $0xb8;
	[tilespmem:$0x14680] =	vst v63  }
0x44: {  	_ =	swait.ge [sflag:s12], $0xA000  }
0x45: {  	[sflag:s12] =	ssyncset.done $0x0  }
0x46: {  	[sflag:s12] =	ssyncadd.s32 $0xFFFF6000  }
0x47: {  	[hbm4b:s13+s3] =	stream.linear.scatter [tilespmem:s8], [sflag:$0x3], $0xA000, $0x38;
	[tilespmem:$0x14680] =	vst v63  }
0x48: {  	_ =	swait.ge [sflag:s4], $0xA000  }
0x49: {  	[sflag:s4] =	ssyncset.done $0x0  }
0x4a: {  	[sflag:s4] =	ssyncadd.s32 $0xFFFF6000  }
0x4b: {  	[tilespmem:s8], [sflag:$0x2] =	stream.indirect.gather [hbm4b:s2+s6], $0x80, s14, s6, $0xb8;
	[tilespmem:$0x14680] =	vst v63  }
0x4c: {  	_ =	swait.ge [sflag:s9], $0xA000  }
0x4d: {  	[sflag:s9] =	ssyncset.done $0x0  }
0x4e: {  	[sflag:s9] =	ssyncadd.s32 $0xFFFF6000  }
0x4f: {  	[hbm4b:s15+s3] =	stream.linear.scatter [tilespmem:s7], [sflag:$0x3], $0xA000, $0x38;
	[tilespmem:$0x14680] =	vst v63  }
0x50: {  	_ =	swait.ge [sflag:s4], $0xA000  }
0x51: {  	[sflag:s4] =	ssyncset.done $0x0  }
0x52: {  	[sflag:s4] =	ssyncadd.s32 $0xFFFF6000  }
0x53: {  	[tilespmem:s7], [sflag:$0x1] =	stream.indirect.gather [hbm4b:s2+s6], $0x80, s16, s6, $0xb8;
	[tilespmem:$0x14680] =	vst v63  }
0x54: {  	_ =	swait.ge [sflag:s12], $0xA000  }
0x55: {  	[sflag:s12] =	ssyncset.done $0x0  }
0x56: {  	[sflag:s12] =	ssyncadd.s32 $0xFFFF6000  }
0x57: {  	[hbm4b:s17+s3] =	stream.linear.scatter [tilespmem:s8], [sflag:$0x3], $0xA000, $0x38;
	[tilespmem:$0x14680] =	vst v63  }
0x58: {  	_ =	swait.ge [sflag:s4], $0xA000  }
0x59: {  	[sflag:s4] =	ssyncset.done $0x0  }
0x5a: {  	[sflag:s4] =	ssyncadd.s32 $0xFFFF6000  }
0x5b: {  	_ =	swait.ge [sflag:s9], $0xA000  }
.Ltmp1:
0x5c: {  	[sflag:s9] =	ssyncset.done $0x0;
	(pc) =	sbr.rel @p0 .LBB2_1-.Ltmp1, $4  }
0x5d: {  	[sflag:s9] =	ssyncadd.s32 $0xFFFF6000  }
0x5e: {  	[hbm4b:s18+s3] =	stream.linear.scatter [tilespmem:s7], [sflag:$0x3], $0xA000, $0x38;
	[tilespmem:$0x14680] =	vst v63  }
0x5f: {  	_ =	swait.ge [sflag:s4], $0xA000  }
0x60: {  	[sflag:s4] =	ssyncset.done $0x0  }
.LBB2_2:
0x61: {  	[sflag:s4] =	ssyncadd.s32 $0xFFFF6000  }
0x62: {  	_ =	sfence.sel $0x180000  }
0x63: {  	[bflag:$0x0] =	sbarrier.arrive $0xFFFF  }
0x64: {  	p0 =	sne.s32 s0, $0x0;
	_ =	strace $0x9000004A  }
0x65: {  	s0 =	sadd.s32 @!p0 $0x100000, s1;
	[bflag:$0x2] =	sbarrier.arrive $0xFFFF  }
0x66: {  	[sflag:s0] =	ssyncadd.tile.s32 @!p0 $0x1;
	_ =	shalt  }
.Lfunc_end2:
_tile_overlayer_lowered:
.L_overlay_start_2:
0x67: {  	(tag) =	ssettag $0x2  }
0x68: {  	s0 =	rddreg [dreg:$0x0];
	s2 =	stileid.u32  }
0x69: {  	s1 =	rddreg [dreg:$0x1];
	p0 =	sne.s32 s2, $0x0  }
0x6a: {  	s3 =	rddreg [dreg:$0x2];
	[bflag:$0x3] =	sbarrier.arrive $0xFFFF;
	s2 =	simm.s32 @!p0 $0x1C03  }
0x6b: {  	[timem:s3], [sflag:s2] =	dma.local @!p0 [hbm:s0], s1  }
0x6c: {  	s0 =	simm.s32 @!p0 $0x3  }
0x6d: {  	_ =	swait.ge @!p0 [sflag:s0], s1  }
0x6e: {  	s1 =	ssub.s32 @!p0 $0x0, s1;
	[sflag:s0] =	ssyncset.done @!p0 $0x0  }
0x6f: {  	[sflag:s0] =	ssyncadd.s32 @!p0 s1  }
0x70: {  	[bflag:$0x3] =	sbarrier.arrive $0xFFFF  }
0x71: {  	_ =	shalt  }

// kernel: kernel.16.cloned.1.call-start
scs
__scs_entry_jumppad:
0x0: {  	(pc) =	sbr.rel $0x88, $3  }
0x1: {  	(tag) =	ssettag $0x0;
	lr =	simm.s32 $0x1  }
0x2: {  	[smem:$0x3F92] =	sst lr;
	_ =	strace $0xD0000000  }
0x3: {  	_ = 	snop  }
0x4: {  	_ = 	snop  }
0x5: {  	_ = 	snop  }
0x6: {  	_ = 	snop  }
0x7: {  	_ = 	snop  }
__scs_overlays_trampoline_lowered:
0x8: {  	[smem:$0x3FA1] =	sst s0  }
0x9: {  	[smem:$0x3FA2] =	sst s1  }
0xa: {  	[smem:$0x3FA3] =	sst s2  }
0xb: {  	[smem:$0x3FA4] =	sst s3  }
0xc: {  	[smem:$0x3FA5] =	sst s4  }
0xd: {  	[smem:$0x3FA6] =	sst s5  }
0xe: {  	[smem:$0x3FA7] =	sst s6  }
0xf: {  	[smem:$0x3FA8] =	sst s7  }
0x10: {  	[smem:$0x3FA9] =	sst s8  }
0x11: {  	[smem:$0x3FAA] =	sst s9;
	s0 =	simm.s32 @!p0 $0x0  }
0x12: {  	s1 =	sld [smem:$0x3F90];
	s0 =	simm.s32 @p0 $0x1  }
0x13: {  	[smem:$0x3FAB] =	sst s0;
	s0 =	simm.s32 @!p1 $0x0  }
0x14: {  	s2 =	sld [smem:$0x3F8F];
	s0 =	simm.s32 @p1 $0x1  }
0x15: {  	[smem:$0x3FAC] =	sst s0;
	s0 =	simm.s32 @!p2 $0x0  }
0x16: {  	s3 =	sld [smem:$0x3FDB];
	s0 =	simm.s32 @p2 $0x1  }
0x17: {  	s4 =	simm.s32 $0x1BF5;
	[smem:$0x3FAE] =	sst s0  }
0x18: {  	s0 =	sld [smem:$0x3F91];
	_ =	swait.ge [sflag:s4], $0x0  }
0x19: {  	s7 =	sld [smem:$0x3F92]  }
0x1a: {  	s8 =	sadd.s32 $0xFFFFE003, lr  }
0x1b: {  	s9 =	sadd.s32 $0xFFFFFEF7, lr;
	s5 =	simm.s32 $0xFFFFFFFF;
	p2 =	slt.u32 s8, $0xFFFFF086  }
0x1c: {  	p1 =	slt.u32 s9, $0xF7A;
	s5 =	simm.s32 @!p2 $0x0  }
0x1d: {  	s5 =	simm.s32 @p1 $0x1;
	p0 =	seq.s32 s7, s2  }
0x1e: {  	s7 =	smul.u32 @!p0 $0xF7A, s2;
	p2 =	seq.s32 @!p0 s5, $0x0  }
0x1f: {  	s9 =	smul.u32 $0xF7A, s1;
	s8 =	simm.s32 @!p0 $0x1BF5;
	p2 =	por !p2, p0  }
0x20: {  	[sflag:s8] =	ssyncset.s32 @!p0 $0xFFFFF086;
	s6 =	sadd.s32 @!p0 s3, s7;
	s7 =	simm.s32 @!p0 $0x108  }
0x21: {  	s3 =	sadd.s32 s3, s9;
	s6 =	sadd.s32 @!p0 $0x88, s6;
	s7 =	simm.s32 @p2 $0x1082  }
0x22: {  	[simem:s7], [sflag:s8] =	dma.local @!p0 [hbm:s6], $0xF7A  }
0x23: {  	s9 =	sor.u32 $0xD0000000, s2;
	s6 =	simm.s32 $0x108;
	_ =	swait.ge @!p0 [sflag:s8], $0x0  }
0x24: {  	s3 =	sadd.s32 $0x88, s3;
	s6 =	simm.s32 @!p1 $0x1082;
	[sflag:s4] =	ssyncset.s32 $0xFFFFF086  }
0x25: {  	[simem:s6], [sflag:s4] =	dma.local [hbm:s3], $0xF7A  }
0x26: {  	[smem:$0x3F92] =	sst s1;
	(tag) =	ssettag s2;
	_ =	strace s9  }
0x27: {  	s1 =	sld [smem:$0x3FA2]  }
0x28: {  	s2 =	sld [smem:$0x3FA3]  }
0x29: {  	s4 =	sld [smem:$0x3FA5]  }
0x2a: {  	p0 =	seq.s32 s5, $0x0;
	s5 =	sld [smem:$0x3FA6]  }
0x2b: {  	s6 =	sld [smem:$0x3FA7]  }
0x2c: {  	s7 =	sld [smem:$0x3FA8]  }
0x2d: {  	s3 =	simm.s32 $0x108;
	s8 =	sld [smem:$0x3FA9]  }
0x2e: {  	s3 =	simm.s32 @!p0 $0x1082;
	s9 =	sld [smem:$0x3FAA]  }
0x2f: {  	lr =	sadd.s32 s0, s3;
	s0 =	sld [smem:$0x3FA1]  }
0x30: {  	s3 =	sld [smem:$0x3FA4]  }
0x31: {  	[smem:$0x3FAD] =	sst s10  }
0x32: {  	s10 =	sld [smem:$0x3FAB];
	_ =	sdelay $0x3  }
0x33: {  	p0 =	seq.s32 s10, $0x1;
	s10 =	sld [smem:$0x3FAD];
	_ =	sdelay $0x3  }
0x34: {  	[smem:$0x3FAD] =	sst s10  }
0x35: {  	s10 =	sld [smem:$0x3FAC];
	_ =	sdelay $0x3  }
0x36: {  	p1 =	seq.s32 s10, $0x1;
	s10 =	sld [smem:$0x3FAD];
	_ =	sdelay $0x3  }
0x37: {  	[smem:$0x3FAD] =	sst s10  }
0x38: {  	s10 =	sld [smem:$0x3FAE]  }
0x39: {  	_ = 	snop;
	(pc) =	sbr.ind lr, $3  }
0x3a: {  	_ = 	snop  }
0x3b: {  	_ = 	snop  }
0x3c: {  	p2 =	seq.s32 s10, $0x1;
	s10 =	sld [smem:$0x3FAD]  }
0x3d: {  	_ =	shalt  }
0x3e: {  	_ =	shalt  }
0x3f: {  	_ =	shalt  }
0x40: {  	_ =	shalt  }
0x41: {  	_ =	shalt  }
0x42: {  	_ =	shalt  }
0x43: {  	_ =	shalt  }
0x44: {  	_ =	shalt  }
0x45: {  	_ =	shalt  }
0x46: {  	_ =	shalt  }
0x47: {  	_ =	shalt  }
0x48: {  	_ =	shalt  }
0x49: {  	_ =	shalt  }
0x4a: {  	_ =	shalt  }
0x4b: {  	_ =	shalt  }
0x4c: {  	_ =	shalt  }
0x4d: {  	_ =	shalt  }
0x4e: {  	_ =	shalt  }
0x4f: {  	_ =	shalt  }
0x50: {  	_ =	shalt  }
0x51: {  	_ =	shalt  }
0x52: {  	_ =	shalt  }
0x53: {  	_ =	shalt  }
0x54: {  	_ =	shalt  }
0x55: {  	_ =	shalt  }
0x56: {  	_ =	shalt  }
0x57: {  	_ =	shalt  }
0x58: {  	_ =	shalt  }
0x59: {  	_ =	shalt  }
0x5a: {  	_ =	shalt  }
0x5b: {  	_ =	shalt  }
0x5c: {  	_ =	shalt  }
0x5d: {  	_ =	shalt  }
0x5e: {  	_ =	shalt  }
0x5f: {  	_ =	shalt  }
0x60: {  	_ =	shalt  }
0x61: {  	_ =	shalt  }
0x62: {  	_ =	shalt  }
0x63: {  	_ =	shalt  }
0x64: {  	_ =	shalt  }
0x65: {  	_ =	shalt  }
0x66: {  	_ =	shalt  }
0x67: {  	_ =	shalt  }
0x68: {  	_ =	shalt  }
0x69: {  	_ =	shalt  }
0x6a: {  	_ =	shalt  }
0x6b: {  	_ =	shalt  }
0x6c: {  	_ =	shalt  }
0x6d: {  	_ =	shalt  }
0x6e: {  	_ =	shalt  }
0x6f: {  	_ =	shalt  }
0x70: {  	_ =	shalt  }
0x71: {  	_ =	shalt  }
0x72: {  	_ =	shalt  }
0x73: {  	_ =	shalt  }
0x74: {  	_ =	shalt  }
0x75: {  	_ =	shalt  }
0x76: {  	_ =	shalt  }
0x77: {  	_ =	shalt  }
0x78: {  	_ =	shalt  }
0x79: {  	_ =	shalt  }
0x7a: {  	_ =	shalt  }
0x7b: {  	_ =	shalt  }
0x7c: {  	_ =	shalt  }
0x7d: {  	_ =	shalt  }
0x7e: {  	_ =	shalt  }
0x7f: {  	_ =	shalt  }
0x80: {  	_ =	shalt  }
0x81: {  	_ =	shalt  }
0x82: {  	_ =	shalt  }
0x83: {  	_ =	shalt  }
0x84: {  	_ =	shalt  }
0x85: {  	_ =	shalt  }
0x86: {  	_ =	shalt  }
0x87: {  	_ =	shalt  }
.Lfunc_end0:
.L_simem_size_0:
called_computation.2_lowered:
.L_overlay_start_0:
0x88: {  	s2 =	sld [smem:$0x3FD9]  }
0x89: {  	s3 =	sld [smem:$0x3FFE];
	_ =	sdelay $0x1  }
0x8a: {  	s1 =	srdreg.scid  }
0x8b: {  	s0 =	sand.u32 $0x1, s1  }
0x8c: {  	s17 =	sshll.u32 s0, $0xA;
	s2 =	sadd.s32 s3, s2  }
0x8d: {  	s2 =	sadd.s32 s2, s17  }
0x8e: {  	[smem:$0x3FB9] =	sst s2  }
0x8f: {  	_ = 	snop  }
0x90: {  	s18 =	sld [smem:$0x3FC5];
	(tm) =	ssettm $0x1  }
0x91: {  	s19 =	sld [smem:$0x3FFB];
	_ =	sdelay $0x3  }
0x92: {  	_ =	strace s19  }
0x93: {  	s2 =	sld [smem:$0x3FFC];
	_ =	sdelay $0x3  }
0x94: {  	_ =	strace s2  }
0x95: {  	s2 =	sld [smem:$0x3FFD];
	_ =	sdelay $0x3  }
0x96: {  	_ =	strace s2  }
0x97: {  	_ =	strace $0x8FFFFFFF  }
0x98: {  	s20 =	sld [smem:$0x3FDB];
	_ =	sdelay $0x1  }
0x99: {  	s4 =	simm.s32 $_scs_section_size  }
0x9a: {  	s5 =	simm.s32 $_size__tile_overlayer_lowered;
	s6 =	simm.s32 $_tile_overlayer_lowered  }
0x9b: {  	s7 =	simm.s32 $0x1BFF;
	s21 =	sshll.u32 s6, $0x1;
	s4 =	sadd.s32 s4, s20  }
0x9c: {  	s22 =	simm.s32 $0x0;
	s5 =	sshll.u32 s5, $0x1;
	s6 =	sadd.s32 s21, s4  }
0x9d: {  	[timem:s22], [sflag:s7] =	dma.local [hbm:s6], s5  }
0x9e: {  	_ =	swait.ge [sflag:s7], s5  }
0x9f: {  	s5 =	ssub.s32 $0x0, s5;
	[sflag:s7] =	ssyncset.done $0x0  }
0xa0: {  	[sflag:s7] =	ssyncadd.s32 s5;
	_ =	sdelay $0x1  }
0xa1: {  	s23 =	simm.s32 $0x1B8B  }
0xa2: {  	_ =	swait.ge [sflag:s23], $0x1  }
0xa3: {  	[sflag:s23] =	ssyncset.done $0x0  }
0xa4: {  	[sflag:s23] =	ssyncadd.s32 $0xFFFFFFFF  }
0xa5: {  	s5 =	sld [smem:$0x0]  }
0xa6: {  	s6 =	sand.u32 $0xFFFFFFFE, s1  }
0xa7: {  	p0 =	sne.s32 s1, s6  }
0xa8: {  	s6 =	sshll.u32 @p0 s6, $0xE  }
0xa9: {  	s6 =	sadd.s32 @p0 $0x11B8D, s6;
	s7 =	sshll.u32 @p0 s5, $0x11  }
0xaa: {  	s6 =	sor.u32 @p0 s7, s6  }
0xab: {  	[sflag:s6] =	ssyncadd.remote.s32 @p0 $0x1;
	_ =	sdelay $0x1  }
0xac: {  	s6 =	simm.s32 @p0 $0x1B8D  }
0xad: {  	_ =	swait.eq @p0 [sflag:s6], $0x1  }
0xae: {  	[sflag:s6] =	ssyncadd.s32 @p0 $0xFFFFFFFF  }
0xaf: {  	s7 =	sshll.u32 @!p0 s1, $0xE  }
0xb0: {  	s7 =	sor.u32 @!p0 $0x4000, s7;
	s6 =	simm.s32 @!p0 $0x1B8D  }
0xb1: {  	s5 =	sshll.u32 @!p0 s5, $0x11;
	s7 =	sadd.s32 @!p0 $0x11B8D, s7;
	_ =	swait.eq @!p0 [sflag:s6], $0x1  }
0xb2: {  	s5 =	sor.u32 @!p0 s5, s7;
	[sflag:s6] =	ssyncadd.s32 @!p0 $0xFFFFFFFF  }
0xb3: {  	s25 =	simm.s32 $0x1B8E;
	s24 =	sld [smem:$0x3FFE];
	[sflag:s5] =	ssyncadd.remote.s32 @!p0 $0x1  }
0xb4: {  	s26 =	simm.s32 $execute0_lowered;
	[smem:$0x3FD2] =	sst s25  }
0xb5: {  	s6 =	sshll.u32 s26, $0x1;
	_ =	strace $0x8000004C;
	[dreg:$0x1] =	wrdreg $0xFFFFFFFF  }
0xb6: {  	s28 =	simm.s32 $_size_execute0_lowered;
	s4 =	sadd.s32 s4, s6;
	[dreg:$0x0] =	wrdreg $0x0  }
0xb7: {  	s6 =	sshll.u32 s28, $0x1;
	[dreg:$0x2] =	wrdreg s4  }
0xb8: {  	[dreg:$0x3] =	wrdreg s6  }
0xb9: {  	[dreg:$0x4] =	wrdreg $0xC0  }
0xba: {  	_ =	task [dreg:s22], $0x5FFFF  }
0xbb: {  	[dreg:$0x1] =	wrdreg $0xFFFFFFFF  }
0xbc: {  	[dreg:$0x0] =	wrdreg $0x60  }
0xbd: {  	[dreg:$0x2] =	wrdreg s18  }
0xbe: {  	[dreg:$0x3] =	wrdreg s24  }
0xbf: {  	[dreg:$0x4] =	wrdreg $0xB  }
0xc0: {  	_ =	task.clear_ibuf [dreg:s22], $0x5FFFF;
	_ =	strace $0x9000004C  }
0xc1: {  	s29 =	simm.s32 $0xB;
	_ =	strace $0x8000004E  }
0xc2: {  	_ =	swait.ge [sflag:s29], $0x1  }
0xc3: {  	[sflag:s29] =	ssyncadd.s32 $0xFFFFFFFF  }
0xc4: {  	_ =	strace $0x9000004E  }
0xc5: {  	_ =	sfence  }
0xc6: {  	s30 =	sld [smem:$0x0];
	_ =	sdelay $0x2  }
0xc7: {  	s31 =	sshll.u32 s1, $0xD;
	s1 =	sshrl.u32 s1, $0x2  }
0xc8: {  	s4 =	sand.u32 $0x4000, s31;
	s1 =	sadd.s32 s1, s30  }
0xc9: {  	s0 =	sor.u32 s4, s0;
	s1 =	sshll.u32 s1, $0x11  }
0xca: {  	s0 =	sor.u32 s1, s0  }
0xcb: {  	s0 =	sadd.s32 $0x8F2B, s0  }
0xcc: {  	[sflag:s0] =	ssyncadd.remote.s32 $0x1  }
0xcd: {  	_ =	sfence.sel $0xFFFF  }
0xce: {  	[dreg:$0x0] =	wrdreg $0xFFFFFFFF;
	(pc) =	sbr.abs _section_cstart, $3  }
0xcf: {  	[dreg:$0x1] =	wrdreg $0xFFFFFFFF  }
0xd0: {  	_ =	task.clear_ibuf [dreg:s22], $0x2FFFF;
	_ =	strace $0x9FFFFFFF  }
0xd1: {  	(tm) =	ssettm $0x7FFFFFFF  }
tec
execute0_lowered:
.L_overlay_start_1:
0x0: {  	(tag) =	ssettag $0x1  }
0x1: {  	s1 =	srdreg.scid;
	s0 =	stileid.u32  }
0x2: {  	s18 =	sand.u32 $0x1, s1;
	s29 =	sshll.u32 s0, $0x1  }
0x3: {  	s2 =	rddreg [dreg:$0x0];
	s19 =	sor.u32 s18, s29  }
0x4: {  	s10 =	rddreg [dreg:$0x1];
	s4 =	smul.u32 $0xC8, s19  }
0x5: {  	s3 =	simm.s32 $0x0;
	s1 =	rddreg [dreg:$0x2]  }
0x6: {  	[smem:$0x7FF] =	sst s3;
	s4 =	sadd.s32 s4, s10  }
0x7: {  	_ =	strace $0x8000004D;
	s5 =	sadd.s32 $0x5800, s4;
	s4 =	simm.s32 $0x3  }
0x8: {  	[tilespmem:s3], [sflag:$0x3] =	stream.linear.gather [hbm4b:s5+s3], $0x640, $0x38;
	[tilespmem:$0x14680] =	vst v63  }
0x9: {  	_ =	swait.ge [sflag:s4], $0x640  }
0xa: {  	[sflag:s4] =	ssyncset.done $0x0  }
0xb: {  	s6 =	simm.s32 $0x140;
	s7 =	simm.s32 $0x680;
	[sflag:s4] =	ssyncadd.s32 $0xFFFFF9C0  }
0xc: {  	[tilespmem:s7], [sflag:$0x1] =	stream.indirect.gather [hbm4b:s2+s6], $0x80, s3, s6, $0xb8;
	[tilespmem:$0x14680] =	vst v63  }
0xd: {  	s8 =	simm.s32 $0xA680;
	s9 =	simm.s32 $0x1  }
0xe: {  	[tilespmem:s8], [sflag:$0x2] =	stream.indirect.gather [hbm4b:s2+s6], $0x80, s6, s6, $0xb8;
	[tilespmem:$0x14680] =	vst v63  }
0xf: {  	s11 =	smul.u32 $0x6400, s19;
	_ =	swait.ge [sflag:s9], $0xA000  }
0x10: {  	s20 =	sadd.s32 $0x198C00, s10;
	[sflag:s9] =	ssyncset.done $0x0  }
0x11: {  	s10 =	sadd.s32 s20, s11;
	[sflag:s9] =	ssyncadd.s32 $0xFFFF6000  }
0x12: {  	[hbm4b:s10+s3] =	stream.linear.scatter [tilespmem:s7], [sflag:$0x3], $0xA000, $0x38;
	[tilespmem:$0x14680] =	vst v63  }
0x13: {  	_ =	swait.ge [sflag:s4], $0xA000  }
0x14: {  	[sflag:s4] =	ssyncset.done $0x0  }
0x15: {  	s12 =	simm.s32 $0x2;
	s11 =	simm.s32 $0x280;
	[sflag:s4] =	ssyncadd.s32 $0xFFFF6000  }
0x16: {  	[tilespmem:s7], [sflag:$0x1] =	stream.indirect.gather [hbm4b:s2+s6], $0x80, s11, s6, $0xb8;
	[tilespmem:$0x14680] =	vst v63  }
0x17: {  	_ =	swait.ge [sflag:s12], $0xA000  }
0x18: {  	[sflag:s12] =	ssyncset.done $0x0  }
0x19: {  	s13 =	sadd.s32 $0x1400, s10;
	[sflag:s12] =	ssyncadd.s32 $0xFFFF6000  }
0x1a: {  	[hbm4b:s13+s3] =	stream.linear.scatter [tilespmem:s8], [sflag:$0x3], $0xA000, $0x38;
	[tilespmem:$0x14680] =	vst v63  }
0x1b: {  	_ =	swait.ge [sflag:s4], $0xA000  }
0x1c: {  	[sflag:s4] =	ssyncset.done $0x0  }
0x1d: {  	s14 =	simm.s32 $0x3C0;
	[sflag:s4] =	ssyncadd.s32 $0xFFFF6000  }
0x1e: {  	[tilespmem:s8], [sflag:$0x2] =	stream.indirect.gather [hbm4b:s2+s6], $0x80, s14, s6, $0xb8;
	[tilespmem:$0x14680] =	vst v63  }
0x1f: {  	_ =	swait.ge [sflag:s9], $0xA000  }
0x20: {  	[sflag:s9] =	ssyncset.done $0x0  }
0x21: {  	s15 =	sadd.s32 $0x2800, s10;
	[sflag:s9] =	ssyncadd.s32 $0xFFFF6000  }
0x22: {  	[hbm4b:s15+s3] =	stream.linear.scatter [tilespmem:s7], [sflag:$0x3], $0xA000, $0x38;
	[tilespmem:$0x14680] =	vst v63  }
0x23: {  	_ =	swait.ge [sflag:s4], $0xA000  }
0x24: {  	[sflag:s4] =	ssyncset.done $0x0  }
0x25: {  	s16 =	simm.s32 $0x500;
	[sflag:s4] =	ssyncadd.s32 $0xFFFF6000  }
0x26: {  	[tilespmem:s7], [sflag:$0x1] =	stream.indirect.gather [hbm4b:s2+s6], $0x80, s16, s6, $0xb8;
	[tilespmem:$0x14680] =	vst v63  }
0x27: {  	_ =	swait.ge [sflag:s12], $0xA000  }
0x28: {  	[sflag:s12] =	ssyncset.done $0x0  }
0x29: {  	s18 =	ssub.s32 $0x2, s18;
	s17 =	sadd.s32 $0x3C00, s10;
	[sflag:s12] =	ssyncadd.s32 $0xFFFF6000  }
0x2a: {  	[hbm4b:s17+s3] =	stream.linear.scatter [tilespmem:s8], [sflag:$0x3], $0xA000, $0x38;
	[tilespmem:$0x14680] =	vst v63  }
0x2b: {  	s21 =	sshrl.u32 s18, $0x1;
	_ =	swait.ge [sflag:s4], $0xA000  }
0x2c: {  	s19 =	smul.u32 $0x32000, s19;
	s21 =	ssub.s32 s18, s21;
	[sflag:s4] =	ssyncset.done $0x0  }
0x2d: {  	s31 =	smax.u32 s21, $0x1;
	[sflag:s4] =	ssyncadd.s32 $0xFFFF6000  }
0x2e: {  	s19 =	sshrl.u32 s19, $0x3;
	p0 =	sne.s32 s31, $0x1;
	_ =	swait.ge [sflag:s9], $0xA000  }
.Ltmp0:
0x2f: {  	s30 =	sadd.s32 s20, s19;
	[sflag:s9] =	ssyncset.done $0x0;
	(pc) =	sbr.rel @!p0 .LBB2_2-.Ltmp0, $4  }
0x30: {  	s18 =	sadd.s32 $0x5000, s30;
	[sflag:s9] =	ssyncadd.s32 $0xFFFF6000  }
0x31: {  	[hbm4b:s18+s3] =	stream.linear.scatter [tilespmem:s7], [sflag:$0x3], $0xA000, $0x38;
	[tilespmem:$0x14680] =	vst v63  }
0x32: {  	_ =	swait.ge [sflag:s4], $0xA000  }
0x33: {  	s19 =	sadd.s32 $0xFFFFFFFF, s31;
	[sflag:s4] =	ssyncset.done $0x0  }
.LBB2_1:
0x34: {  	p0 =	sne.s32 s19, $0x1;
	s19 =	sadd.s32 $0xFFFFFFFF, s19;
	[sflag:s4] =	ssyncadd.s32 $0xFFFF6000  }
0x35: {  	[tilespmem:s3], [sflag:$0x3] =	stream.linear.gather [hbm4b:s5+s3], $0x640, $0x38;
	[tilespmem:$0x14680] =	vst v63  }
0x36: {  	_ =	swait.ge [sflag:s4], $0x640  }
0x37: {  	[sflag:s4] =	ssyncset.done $0x0  }
0x38: {  	[sflag:s4] =	ssyncadd.s32 $0xFFFFF9C0  }
0x39: {  	[tilespmem:s7], [sflag:$0x1] =	stream.indirect.gather [hbm4b:s2+s6], $0x80, s3, s6, $0xb8;
	[tilespmem:$0x14680] =	vst v63  }
0x3a: {  	_ = 	snop  }
0x3b: {  	[tilespmem:s8], [sflag:$0x2] =	stream.indirect.gather [hbm4b:s2+s6], $0x80, s6, s6, $0xb8;
	[tilespmem:$0x14680] =	vst v63  }
0x3c: {  	_ =	swait.ge [sflag:s9], $0xA000  }
0x3d: {  	[sflag:s9] =	ssyncset.done $0x0  }
0x3e: {  	[sflag:s9] =	ssyncadd.s32 $0xFFFF6000  }
0x3f: {  	[hbm4b:s10+s3] =	stream.linear.scatter [tilespmem:s7], [sflag:$0x3], $0xA000, $0x38;
	[tilespmem:$0x14680] =	vst v63  }
0x40: {  	_ =	swait.ge [sflag:s4], $0xA000  }
0x41: {  	[sflag:s4] =	ssyncset.done $0x0  }
0x42: {  	[sflag:s4] =	ssyncadd.s32 $0xFFFF6000  }
0x43: {  	[tilespmem:s7], [sflag:$0x1] =	stream.indirect.gather [hbm4b:s2+s6], $0x80, s11, s6, $0xb8;
	[tilespmem:$0x14680] =	vst v63  }
0x44: {  	_ =	swait.ge [sflag:s12], $0xA000  }
0x45: {  	[sflag:s12] =	ssyncset.done $0x0  }
0x46: {  	[sflag:s12] =	ssyncadd.s32 $0xFFFF6000  }
0x47: {  	[hbm4b:s13+s3] =	stream.linear.scatter [tilespmem:s8], [sflag:$0x3], $0xA000, $0x38;
	[tilespmem:$0x14680] =	vst v63  }
0x48: {  	_ =	swait.ge [sflag:s4], $0xA000  }
0x49: {  	[sflag:s4] =	ssyncset.done $0x0  }
0x4a: {  	[sflag:s4] =	ssyncadd.s32 $0xFFFF6000  }
0x4b: {  	[tilespmem:s8], [sflag:$0x2] =	stream.indirect.gather [hbm4b:s2+s6], $0x80, s14, s6, $0xb8;
	[tilespmem:$0x14680] =	vst v63  }
0x4c: {  	_ =	swait.ge [sflag:s9], $0xA000  }
0x4d: {  	[sflag:s9] =	ssyncset.done $0x0  }
0x4e: {  	[sflag:s9] =	ssyncadd.s32 $0xFFFF6000  }
0x4f: {  	[hbm4b:s15+s3] =	stream.linear.scatter [tilespmem:s7], [sflag:$0x3], $0xA000, $0x38;
	[tilespmem:$0x14680] =	vst v63  }
0x50: {  	_ =	swait.ge [sflag:s4], $0xA000  }
0x51: {  	[sflag:s4] =	ssyncset.done $0x0  }
0x52: {  	[sflag:s4] =	ssyncadd.s32 $0xFFFF6000  }
0x53: {  	[tilespmem:s7], [sflag:$0x1] =	stream.indirect.gather [hbm4b:s2+s6], $0x80, s16, s6, $0xb8;
	[tilespmem:$0x14680] =	vst v63  }
0x54: {  	_ =	swait.ge [sflag:s12], $0xA000  }
0x55: {  	[sflag:s12] =	ssyncset.done $0x0  }
0x56: {  	[sflag:s12] =	ssyncadd.s32 $0xFFFF6000  }
0x57: {  	[hbm4b:s17+s3] =	stream.linear.scatter [tilespmem:s8], [sflag:$0x3], $0xA000, $0x38;
	[tilespmem:$0x14680] =	vst v63  }
0x58: {  	_ =	swait.ge [sflag:s4], $0xA000  }
0x59: {  	[sflag:s4] =	ssyncset.done $0x0  }
0x5a: {  	[sflag:s4] =	ssyncadd.s32 $0xFFFF6000  }
0x5b: {  	_ =	swait.ge [sflag:s9], $0xA000  }
.Ltmp1:
0x5c: {  	[sflag:s9] =	ssyncset.done $0x0;
	(pc) =	sbr.rel @p0 .LBB2_1-.Ltmp1, $4  }
0x5d: {  	[sflag:s9] =	ssyncadd.s32 $0xFFFF6000  }
0x5e: {  	[hbm4b:s18+s3] =	stream.linear.scatter [tilespmem:s7], [sflag:$0x3], $0xA000, $0x38;
	[tilespmem:$0x14680] =	vst v63  }
0x5f: {  	_ =	swait.ge [sflag:s4], $0xA000  }
0x60: {  	[sflag:s4] =	ssyncset.done $0x0  }
.LBB2_2:
0x61: {  	[sflag:s4] =	ssyncadd.s32 $0xFFFF6000  }
0x62: {  	_ =	sfence.sel $0x180000  }
0x63: {  	[bflag:$0x0] =	sbarrier.arrive $0xFFFF  }
0x64: {  	p0 =	sne.s32 s0, $0x0;
	_ =	strace $0x9000004D  }
0x65: {  	s0 =	sadd.s32 @!p0 $0x100000, s1;
	[bflag:$0x2] =	sbarrier.arrive $0xFFFF  }
0x66: {  	[sflag:s0] =	ssyncadd.tile.s32 @!p0 $0x1;
	_ =	shalt  }
.Lfunc_end2:
_tile_overlayer_lowered:
.L_overlay_start_2:
0x67: {  	(tag) =	ssettag $0x2  }
0x68: {  	s0 =	rddreg [dreg:$0x0];
	s2 =	stileid.u32  }
0x69: {  	s1 =	rddreg [dreg:$0x1];
	p0 =	sne.s32 s2, $0x0  }
0x6a: {  	s3 =	rddreg [dreg:$0x2];
	[bflag:$0x3] =	sbarrier.arrive $0xFFFF;
	s2 =	simm.s32 @!p0 $0x1C03  }
0x6b: {  	[timem:s3], [sflag:s2] =	dma.local @!p0 [hbm:s0], s1  }
0x6c: {  	s0 =	simm.s32 @!p0 $0x3  }
0x6d: {  	_ =	swait.ge @!p0 [sflag:s0], s1  }
0x6e: {  	s1 =	ssub.s32 @!p0 $0x0, s1;
	[sflag:s0] =	ssyncset.done @!p0 $0x0  }
0x6f: {  	[sflag:s0] =	ssyncadd.s32 @!p0 s1  }
0x70: {  	[bflag:$0x3] =	sbarrier.arrive $0xFFFF  }
0x71: {  	_ =	shalt  }

// kernel: kernel.19.cloned.1.call-start
scs
__scs_entry_jumppad:
0x0: {  	(pc) =	sbr.rel $0x88, $3  }
0x1: {  	(tag) =	ssettag $0x0;
	lr =	simm.s32 $0x1  }
0x2: {  	[smem:$0x3F92] =	sst lr;
	_ =	strace $0xD0000000  }
0x3: {  	_ = 	snop  }
0x4: {  	_ = 	snop  }
0x5: {  	_ = 	snop  }
0x6: {  	_ = 	snop  }
0x7: {  	_ = 	snop  }
__scs_overlays_trampoline_lowered:
0x8: {  	[smem:$0x3FA1] =	sst s0  }
0x9: {  	[smem:$0x3FA2] =	sst s1  }
0xa: {  	[smem:$0x3FA3] =	sst s2  }
0xb: {  	[smem:$0x3FA4] =	sst s3  }
0xc: {  	[smem:$0x3FA5] =	sst s4  }
0xd: {  	[smem:$0x3FA6] =	sst s5  }
0xe: {  	[smem:$0x3FA7] =	sst s6  }
0xf: {  	[smem:$0x3FA8] =	sst s7  }
0x10: {  	[smem:$0x3FA9] =	sst s8  }
0x11: {  	[smem:$0x3FAA] =	sst s9;
	s0 =	simm.s32 @!p0 $0x0  }
0x12: {  	s1 =	sld [smem:$0x3F90];
	s0 =	simm.s32 @p0 $0x1  }
0x13: {  	[smem:$0x3FAB] =	sst s0;
	s0 =	simm.s32 @!p1 $0x0  }
0x14: {  	s2 =	sld [smem:$0x3F8F];
	s0 =	simm.s32 @p1 $0x1  }
0x15: {  	[smem:$0x3FAC] =	sst s0;
	s0 =	simm.s32 @!p2 $0x0  }
0x16: {  	s3 =	sld [smem:$0x3FDB];
	s0 =	simm.s32 @p2 $0x1  }
0x17: {  	s4 =	simm.s32 $0x1BF5;
	[smem:$0x3FAE] =	sst s0  }
0x18: {  	s0 =	sld [smem:$0x3F91];
	_ =	swait.ge [sflag:s4], $0x0  }
0x19: {  	s7 =	sld [smem:$0x3F92]  }
0x1a: {  	s8 =	sadd.s32 $0xFFFFE003, lr  }
0x1b: {  	s9 =	sadd.s32 $0xFFFFFEF7, lr;
	s5 =	simm.s32 $0xFFFFFFFF;
	p2 =	slt.u32 s8, $0xFFFFF086  }
0x1c: {  	p1 =	slt.u32 s9, $0xF7A;
	s5 =	simm.s32 @!p2 $0x0  }
0x1d: {  	s5 =	simm.s32 @p1 $0x1;
	p0 =	seq.s32 s7, s2  }
0x1e: {  	s7 =	smul.u32 @!p0 $0xF7A, s2;
	p2 =	seq.s32 @!p0 s5, $0x0  }
0x1f: {  	s9 =	smul.u32 $0xF7A, s1;
	s8 =	simm.s32 @!p0 $0x1BF5;
	p2 =	por !p2, p0  }
0x20: {  	[sflag:s8] =	ssyncset.s32 @!p0 $0xFFFFF086;
	s6 =	sadd.s32 @!p0 s3, s7;
	s7 =	simm.s32 @!p0 $0x108  }
0x21: {  	s3 =	sadd.s32 s3, s9;
	s6 =	sadd.s32 @!p0 $0x88, s6;
	s7 =	simm.s32 @p2 $0x1082  }
0x22: {  	[simem:s7], [sflag:s8] =	dma.local @!p0 [hbm:s6], $0xF7A  }
0x23: {  	s9 =	sor.u32 $0xD0000000, s2;
	s6 =	simm.s32 $0x108;
	_ =	swait.ge @!p0 [sflag:s8], $0x0  }
0x24: {  	s3 =	sadd.s32 $0x88, s3;
	s6 =	simm.s32 @!p1 $0x1082;
	[sflag:s4] =	ssyncset.s32 $0xFFFFF086  }
0x25: {  	[simem:s6], [sflag:s4] =	dma.local [hbm:s3], $0xF7A  }
0x26: {  	[smem:$0x3F92] =	sst s1;
	(tag) =	ssettag s2;
	_ =	strace s9  }
0x27: {  	s1 =	sld [smem:$0x3FA2]  }
0x28: {  	s2 =	sld [smem:$0x3FA3]  }
0x29: {  	s4 =	sld [smem:$0x3FA5]  }
0x2a: {  	p0 =	seq.s32 s5, $0x0;
	s5 =	sld [smem:$0x3FA6]  }
0x2b: {  	s6 =	sld [smem:$0x3FA7]  }
0x2c: {  	s7 =	sld [smem:$0x3FA8]  }
0x2d: {  	s3 =	simm.s32 $0x108;
	s8 =	sld [smem:$0x3FA9]  }
0x2e: {  	s3 =	simm.s32 @!p0 $0x1082;
	s9 =	sld [smem:$0x3FAA]  }
0x2f: {  	lr =	sadd.s32 s0, s3;
	s0 =	sld [smem:$0x3FA1]  }
0x30: {  	s3 =	sld [smem:$0x3FA4]  }
0x31: {  	[smem:$0x3FAD] =	sst s10  }
0x32: {  	s10 =	sld [smem:$0x3FAB];
	_ =	sdelay $0x3  }
0x33: {  	p0 =	seq.s32 s10, $0x1;
	s10 =	sld [smem:$0x3FAD];
	_ =	sdelay $0x3  }
0x34: {  	[smem:$0x3FAD] =	sst s10  }
0x35: {  	s10 =	sld [smem:$0x3FAC];
	_ =	sdelay $0x3  }
0x36: {  	p1 =	seq.s32 s10, $0x1;
	s10 =	sld [smem:$0x3FAD];
	_ =	sdelay $0x3  }
0x37: {  	[smem:$0x3FAD] =	sst s10  }
0x38: {  	s10 =	sld [smem:$0x3FAE]  }
0x39: {  	_ = 	snop;
	(pc) =	sbr.ind lr, $3  }
0x3a: {  	_ = 	snop  }
0x3b: {  	_ = 	snop  }
0x3c: {  	p2 =	seq.s32 s10, $0x1;
	s10 =	sld [smem:$0x3FAD]  }
0x3d: {  	_ =	shalt  }
0x3e: {  	_ =	shalt  }
0x3f: {  	_ =	shalt  }
0x40: {  	_ =	shalt  }
0x41: {  	_ =	shalt  }
0x42: {  	_ =	shalt  }
0x43: {  	_ =	shalt  }
0x44: {  	_ =	shalt  }
0x45: {  	_ =	shalt  }
0x46: {  	_ =	shalt  }
0x47: {  	_ =	shalt  }
0x48: {  	_ =	shalt  }
0x49: {  	_ =	shalt  }
0x4a: {  	_ =	shalt  }
0x4b: {  	_ =	shalt  }
0x4c: {  	_ =	shalt  }
0x4d: {  	_ =	shalt  }
0x4e: {  	_ =	shalt  }
0x4f: {  	_ =	shalt  }
0x50: {  	_ =	shalt  }
0x51: {  	_ =	shalt  }
0x52: {  	_ =	shalt  }
0x53: {  	_ =	shalt  }
0x54: {  	_ =	shalt  }
0x55: {  	_ =	shalt  }
0x56: {  	_ =	shalt  }
0x57: {  	_ =	shalt  }
0x58: {  	_ =	shalt  }
0x59: {  	_ =	shalt  }
0x5a: {  	_ =	shalt  }
0x5b: {  	_ =	shalt  }
0x5c: {  	_ =	shalt  }
0x5d: {  	_ =	shalt  }
0x5e: {  	_ =	shalt  }
0x5f: {  	_ =	shalt  }
0x60: {  	_ =	shalt  }
0x61: {  	_ =	shalt  }
0x62: {  	_ =	shalt  }
0x63: {  	_ =	shalt  }
0x64: {  	_ =	shalt  }
0x65: {  	_ =	shalt  }
0x66: {  	_ =	shalt  }
0x67: {  	_ =	shalt  }
0x68: {  	_ =	shalt  }
0x69: {  	_ =	shalt  }
0x6a: {  	_ =	shalt  }
0x6b: {  	_ =	shalt  }
0x6c: {  	_ =	shalt  }
0x6d: {  	_ =	shalt  }
0x6e: {  	_ =	shalt  }
0x6f: {  	_ =	shalt  }
0x70: {  	_ =	shalt  }
0x71: {  	_ =	shalt  }
0x72: {  	_ =	shalt  }
0x73: {  	_ =	shalt  }
0x74: {  	_ =	shalt  }
0x75: {  	_ =	shalt  }
0x76: {  	_ =	shalt  }
0x77: {  	_ =	shalt  }
0x78: {  	_ =	shalt  }
0x79: {  	_ =	shalt  }
0x7a: {  	_ =	shalt  }
0x7b: {  	_ =	shalt  }
0x7c: {  	_ =	shalt  }
0x7d: {  	_ =	shalt  }
0x7e: {  	_ =	shalt  }
0x7f: {  	_ =	shalt  }
0x80: {  	_ =	shalt  }
0x81: {  	_ =	shalt  }
0x82: {  	_ =	shalt  }
0x83: {  	_ =	shalt  }
0x84: {  	_ =	shalt  }
0x85: {  	_ =	shalt  }
0x86: {  	_ =	shalt  }
0x87: {  	_ =	shalt  }
.Lfunc_end0:
.L_simem_size_0:
called_computation.3_lowered:
.L_overlay_start_0:
0x88: {  	s2 =	sld [smem:$0x3FD9]  }
0x89: {  	s3 =	sld [smem:$0x3FFE];
	_ =	sdelay $0x1  }
0x8a: {  	s1 =	srdreg.scid  }
0x8b: {  	s0 =	sand.u32 $0x1, s1  }
0x8c: {  	s17 =	sshll.u32 s0, $0xA;
	s2 =	sadd.s32 s3, s2  }
0x8d: {  	s2 =	sadd.s32 s2, s17  }
0x8e: {  	[smem:$0x3FB9] =	sst s2  }
0x8f: {  	_ = 	snop  }
0x90: {  	s18 =	sld [smem:$0x3FC5];
	(tm) =	ssettm $0x1  }
0x91: {  	s19 =	sld [smem:$0x3FFB];
	_ =	sdelay $0x3  }
0x92: {  	_ =	strace s19  }
0x93: {  	s2 =	sld [smem:$0x3FFC];
	_ =	sdelay $0x3  }
0x94: {  	_ =	strace s2  }
0x95: {  	s2 =	sld [smem:$0x3FFD];
	_ =	sdelay $0x3  }
0x96: {  	_ =	strace s2  }
0x97: {  	_ =	strace $0x8FFFFFFF  }
0x98: {  	s20 =	sld [smem:$0x3FDB];
	_ =	sdelay $0x1  }
0x99: {  	s4 =	simm.s32 $_scs_section_size  }
0x9a: {  	s5 =	simm.s32 $_size__tile_overlayer_lowered;
	s6 =	simm.s32 $_tile_overlayer_lowered  }
0x9b: {  	s7 =	simm.s32 $0x1BFF;
	s21 =	sshll.u32 s6, $0x1;
	s4 =	sadd.s32 s4, s20  }
0x9c: {  	s22 =	simm.s32 $0x0;
	s5 =	sshll.u32 s5, $0x1;
	s6 =	sadd.s32 s21, s4  }
0x9d: {  	[timem:s22], [sflag:s7] =	dma.local [hbm:s6], s5  }
0x9e: {  	_ =	swait.ge [sflag:s7], s5  }
0x9f: {  	s5 =	ssub.s32 $0x0, s5;
	[sflag:s7] =	ssyncset.done $0x0  }
0xa0: {  	[sflag:s7] =	ssyncadd.s32 s5;
	_ =	sdelay $0x1  }
0xa1: {  	s23 =	simm.s32 $0x1B8B  }
0xa2: {  	_ =	swait.ge [sflag:s23], $0x1  }
0xa3: {  	[sflag:s23] =	ssyncset.done $0x0  }
0xa4: {  	[sflag:s23] =	ssyncadd.s32 $0xFFFFFFFF  }
0xa5: {  	s5 =	sld [smem:$0x0]  }
0xa6: {  	s6 =	sand.u32 $0xFFFFFFFE, s1  }
0xa7: {  	p0 =	sne.s32 s1, s6  }
0xa8: {  	s6 =	sshll.u32 @p0 s6, $0xE  }
0xa9: {  	s6 =	sadd.s32 @p0 $0x11B8D, s6;
	s7 =	sshll.u32 @p0 s5, $0x11  }
0xaa: {  	s6 =	sor.u32 @p0 s7, s6  }
0xab: {  	[sflag:s6] =	ssyncadd.remote.s32 @p0 $0x1;
	_ =	sdelay $0x1  }
0xac: {  	s6 =	simm.s32 @p0 $0x1B8D  }
0xad: {  	_ =	swait.eq @p0 [sflag:s6], $0x1  }
0xae: {  	[sflag:s6] =	ssyncadd.s32 @p0 $0xFFFFFFFF  }
0xaf: {  	s7 =	sshll.u32 @!p0 s1, $0xE  }
0xb0: {  	s7 =	sor.u32 @!p0 $0x4000, s7;
	s6 =	simm.s32 @!p0 $0x1B8D  }
0xb1: {  	s5 =	sshll.u32 @!p0 s5, $0x11;
	s7 =	sadd.s32 @!p0 $0x11B8D, s7;
	_ =	swait.eq @!p0 [sflag:s6], $0x1  }
0xb2: {  	s5 =	sor.u32 @!p0 s5, s7;
	[sflag:s6] =	ssyncadd.s32 @!p0 $0xFFFFFFFF  }
0xb3: {  	s25 =	simm.s32 $0x1B8E;
	s24 =	sld [smem:$0x3FFE];
	[sflag:s5] =	ssyncadd.remote.s32 @!p0 $0x1  }
0xb4: {  	s26 =	simm.s32 $execute0_lowered;
	[smem:$0x3FD2] =	sst s25  }
0xb5: {  	s6 =	sshll.u32 s26, $0x1;
	_ =	strace $0x8000004F;
	[dreg:$0x1] =	wrdreg $0xFFFFFFFF  }
0xb6: {  	s28 =	simm.s32 $_size_execute0_lowered;
	s4 =	sadd.s32 s4, s6;
	[dreg:$0x0] =	wrdreg $0x0  }
0xb7: {  	s6 =	sshll.u32 s28, $0x1;
	[dreg:$0x2] =	wrdreg s4  }
0xb8: {  	[dreg:$0x3] =	wrdreg s6  }
0xb9: {  	[dreg:$0x4] =	wrdreg $0xC0  }
0xba: {  	_ =	task [dreg:s22], $0x5FFFF  }
0xbb: {  	[dreg:$0x1] =	wrdreg $0xFFFFFFFF  }
0xbc: {  	[dreg:$0x0] =	wrdreg $0x60  }
0xbd: {  	[dreg:$0x2] =	wrdreg s18  }
0xbe: {  	[dreg:$0x3] =	wrdreg s24  }
0xbf: {  	[dreg:$0x4] =	wrdreg $0xC  }
0xc0: {  	_ =	task.clear_ibuf [dreg:s22], $0x5FFFF;
	_ =	strace $0x9000004F  }
0xc1: {  	s29 =	simm.s32 $0xC;
	_ =	strace $0x80000051  }
0xc2: {  	_ =	swait.ge [sflag:s29], $0x1  }
0xc3: {  	[sflag:s29] =	ssyncadd.s32 $0xFFFFFFFF  }
0xc4: {  	_ =	strace $0x90000051  }
0xc5: {  	_ =	sfence  }
0xc6: {  	s30 =	sld [smem:$0x0];
	_ =	sdelay $0x2  }
0xc7: {  	s31 =	sshll.u32 s1, $0xD;
	s1 =	sshrl.u32 s1, $0x2  }
0xc8: {  	s4 =	sand.u32 $0x4000, s31;
	s1 =	sadd.s32 s1, s30  }
0xc9: {  	s0 =	sor.u32 s4, s0;
	s1 =	sshll.u32 s1, $0x11  }
0xca: {  	s0 =	sor.u32 s1, s0  }
0xcb: {  	s0 =	sadd.s32 $0x8F2B, s0  }
0xcc: {  	[sflag:s0] =	ssyncadd.remote.s32 $0x1  }
0xcd: {  	_ =	sfence.sel $0xFFFF  }
0xce: {  	[dreg:$0x0] =	wrdreg $0xFFFFFFFF;
	(pc) =	sbr.abs _section_cstart, $3  }
0xcf: {  	[dreg:$0x1] =	wrdreg $0xFFFFFFFF  }
0xd0: {  	_ =	task.clear_ibuf [dreg:s22], $0x2FFFF;
	_ =	strace $0x9FFFFFFF  }
0xd1: {  	(tm) =	ssettm $0x7FFFFFFF  }
tec
execute0_lowered:
.L_overlay_start_1:
0x0: {  	(tag) =	ssettag $0x1  }
0x1: {  	s1 =	srdreg.scid;
	s0 =	stileid.u32  }
0x2: {  	s18 =	sand.u32 $0x1, s1;
	s29 =	sshll.u32 s0, $0x1  }
0x3: {  	s2 =	rddreg [dreg:$0x0];
	s19 =	sor.u32 s18, s29  }
0x4: {  	s10 =	rddreg [dreg:$0x1];
	s4 =	smul.u32 $0xC8, s19  }
0x5: {  	s3 =	simm.s32 $0x0;
	s1 =	rddreg [dreg:$0x2]  }
0x6: {  	[smem:$0x7FF] =	sst s3;
	s4 =	sadd.s32 s4, s10  }
0x7: {  	_ =	strace $0x80000050;
	s5 =	sadd.s32 $0x7200, s4;
	s4 =	simm.s32 $0x3  }
0x8: {  	[tilespmem:s3], [sflag:$0x3] =	stream.linear.gather [hbm4b:s5+s3], $0x640, $0x38;
	[tilespmem:$0x14680] =	vst v63  }
0x9: {  	_ =	swait.ge [sflag:s4], $0x640  }
0xa: {  	[sflag:s4] =	ssyncset.done $0x0  }
0xb: {  	s6 =	simm.s32 $0x140;
	s7 =	simm.s32 $0x680;
	[sflag:s4] =	ssyncadd.s32 $0xFFFFF9C0  }
0xc: {  	[tilespmem:s7], [sflag:$0x1] =	stream.indirect.gather [hbm4b:s2+s6], $0x80, s3, s6, $0xb8;
	[tilespmem:$0x14680] =	vst v63  }
0xd: {  	s8 =	simm.s32 $0xA680;
	s9 =	simm.s32 $0x1  }
0xe: {  	[tilespmem:s8], [sflag:$0x2] =	stream.indirect.gather [hbm4b:s2+s6], $0x80, s6, s6, $0xb8;
	[tilespmem:$0x14680] =	vst v63  }
0xf: {  	s11 =	smul.u32 $0x6400, s19;
	_ =	swait.ge [sflag:s9], $0xA000  }
0x10: {  	s20 =	sadd.s32 $0x260C00, s10;
	[sflag:s9] =	ssyncset.done $0x0  }
0x11: {  	s10 =	sadd.s32 s20, s11;
	[sflag:s9] =	ssyncadd.s32 $0xFFFF6000  }
0x12: {  	[hbm4b:s10+s3] =	stream.linear.scatter [tilespmem:s7], [sflag:$0x3], $0xA000, $0x38;
	[tilespmem:$0x14680] =	vst v63  }
0x13: {  	_ =	swait.ge [sflag:s4], $0xA000  }
0x14: {  	[sflag:s4] =	ssyncset.done $0x0  }
0x15: {  	s12 =	simm.s32 $0x2;
	s11 =	simm.s32 $0x280;
	[sflag:s4] =	ssyncadd.s32 $0xFFFF6000  }
0x16: {  	[tilespmem:s7], [sflag:$0x1] =	stream.indirect.gather [hbm4b:s2+s6], $0x80, s11, s6, $0xb8;
	[tilespmem:$0x14680] =	vst v63  }
0x17: {  	_ =	swait.ge [sflag:s12], $0xA000  }
0x18: {  	[sflag:s12] =	ssyncset.done $0x0  }
0x19: {  	s13 =	sadd.s32 $0x1400, s10;
	[sflag:s12] =	ssyncadd.s32 $0xFFFF6000  }
0x1a: {  	[hbm4b:s13+s3] =	stream.linear.scatter [tilespmem:s8], [sflag:$0x3], $0xA000, $0x38;
	[tilespmem:$0x14680] =	vst v63  }
0x1b: {  	_ =	swait.ge [sflag:s4], $0xA000  }
0x1c: {  	[sflag:s4] =	ssyncset.done $0x0  }
0x1d: {  	s14 =	simm.s32 $0x3C0;
	[sflag:s4] =	ssyncadd.s32 $0xFFFF6000  }
0x1e: {  	[tilespmem:s8], [sflag:$0x2] =	stream.indirect.gather [hbm4b:s2+s6], $0x80, s14, s6, $0xb8;
	[tilespmem:$0x14680] =	vst v63  }
0x1f: {  	_ =	swait.ge [sflag:s9], $0xA000  }
0x20: {  	[sflag:s9] =	ssyncset.done $0x0  }
0x21: {  	s15 =	sadd.s32 $0x2800, s10;
	[sflag:s9] =	ssyncadd.s32 $0xFFFF6000  }
0x22: {  	[hbm4b:s15+s3] =	stream.linear.scatter [tilespmem:s7], [sflag:$0x3], $0xA000, $0x38;
	[tilespmem:$0x14680] =	vst v63  }
0x23: {  	_ =	swait.ge [sflag:s4], $0xA000  }
0x24: {  	[sflag:s4] =	ssyncset.done $0x0  }
0x25: {  	s16 =	simm.s32 $0x500;
	[sflag:s4] =	ssyncadd.s32 $0xFFFF6000  }
0x26: {  	[tilespmem:s7], [sflag:$0x1] =	stream.indirect.gather [hbm4b:s2+s6], $0x80, s16, s6, $0xb8;
	[tilespmem:$0x14680] =	vst v63  }
0x27: {  	_ =	swait.ge [sflag:s12], $0xA000  }
0x28: {  	[sflag:s12] =	ssyncset.done $0x0  }
0x29: {  	s18 =	ssub.s32 $0x2, s18;
	s17 =	sadd.s32 $0x3C00, s10;
	[sflag:s12] =	ssyncadd.s32 $0xFFFF6000  }
0x2a: {  	[hbm4b:s17+s3] =	stream.linear.scatter [tilespmem:s8], [sflag:$0x3], $0xA000, $0x38;
	[tilespmem:$0x14680] =	vst v63  }
0x2b: {  	s21 =	sshrl.u32 s18, $0x1;
	_ =	swait.ge [sflag:s4], $0xA000  }
0x2c: {  	s19 =	smul.u32 $0x32000, s19;
	s21 =	ssub.s32 s18, s21;
	[sflag:s4] =	ssyncset.done $0x0  }
0x2d: {  	s31 =	smax.u32 s21, $0x1;
	[sflag:s4] =	ssyncadd.s32 $0xFFFF6000  }
0x2e: {  	s19 =	sshrl.u32 s19, $0x3;
	p0 =	sne.s32 s31, $0x1;
	_ =	swait.ge [sflag:s9], $0xA000  }
.Ltmp0:
0x2f: {  	s30 =	sadd.s32 s20, s19;
	[sflag:s9] =	ssyncset.done $0x0;
	(pc) =	sbr.rel @!p0 .LBB2_2-.Ltmp0, $4  }
0x30: {  	s18 =	sadd.s32 $0x5000, s30;
	[sflag:s9] =	ssyncadd.s32 $0xFFFF6000  }
0x31: {  	[hbm4b:s18+s3] =	stream.linear.scatter [tilespmem:s7], [sflag:$0x3], $0xA000, $0x38;
	[tilespmem:$0x14680] =	vst v63  }
0x32: {  	_ =	swait.ge [sflag:s4], $0xA000  }
0x33: {  	s19 =	sadd.s32 $0xFFFFFFFF, s31;
	[sflag:s4] =	ssyncset.done $0x0  }
.LBB2_1:
0x34: {  	p0 =	sne.s32 s19, $0x1;
	s19 =	sadd.s32 $0xFFFFFFFF, s19;
	[sflag:s4] =	ssyncadd.s32 $0xFFFF6000  }
0x35: {  	[tilespmem:s3], [sflag:$0x3] =	stream.linear.gather [hbm4b:s5+s3], $0x640, $0x38;
	[tilespmem:$0x14680] =	vst v63  }
0x36: {  	_ =	swait.ge [sflag:s4], $0x640  }
0x37: {  	[sflag:s4] =	ssyncset.done $0x0  }
0x38: {  	[sflag:s4] =	ssyncadd.s32 $0xFFFFF9C0  }
0x39: {  	[tilespmem:s7], [sflag:$0x1] =	stream.indirect.gather [hbm4b:s2+s6], $0x80, s3, s6, $0xb8;
	[tilespmem:$0x14680] =	vst v63  }
0x3a: {  	_ = 	snop  }
0x3b: {  	[tilespmem:s8], [sflag:$0x2] =	stream.indirect.gather [hbm4b:s2+s6], $0x80, s6, s6, $0xb8;
	[tilespmem:$0x14680] =	vst v63  }
0x3c: {  	_ =	swait.ge [sflag:s9], $0xA000  }
0x3d: {  	[sflag:s9] =	ssyncset.done $0x0  }
0x3e: {  	[sflag:s9] =	ssyncadd.s32 $0xFFFF6000  }
0x3f: {  	[hbm4b:s10+s3] =	stream.linear.scatter [tilespmem:s7], [sflag:$0x3], $0xA000, $0x38;
	[tilespmem:$0x14680] =	vst v63  }
0x40: {  	_ =	swait.ge [sflag:s4], $0xA000  }
0x41: {  	[sflag:s4] =	ssyncset.done $0x0  }
0x42: {  	[sflag:s4] =	ssyncadd.s32 $0xFFFF6000  }
0x43: {  	[tilespmem:s7], [sflag:$0x1] =	stream.indirect.gather [hbm4b:s2+s6], $0x80, s11, s6, $0xb8;
	[tilespmem:$0x14680] =	vst v63  }
0x44: {  	_ =	swait.ge [sflag:s12], $0xA000  }
0x45: {  	[sflag:s12] =	ssyncset.done $0x0  }
0x46: {  	[sflag:s12] =	ssyncadd.s32 $0xFFFF6000  }
0x47: {  	[hbm4b:s13+s3] =	stream.linear.scatter [tilespmem:s8], [sflag:$0x3], $0xA000, $0x38;
	[tilespmem:$0x14680] =	vst v63  }
0x48: {  	_ =	swait.ge [sflag:s4], $0xA000  }
0x49: {  	[sflag:s4] =	ssyncset.done $0x0  }
0x4a: {  	[sflag:s4] =	ssyncadd.s32 $0xFFFF6000  }
0x4b: {  	[tilespmem:s8], [sflag:$0x2] =	stream.indirect.gather [hbm4b:s2+s6], $0x80, s14, s6, $0xb8;
	[tilespmem:$0x14680] =	vst v63  }
0x4c: {  	_ =	swait.ge [sflag:s9], $0xA000  }
0x4d: {  	[sflag:s9] =	ssyncset.done $0x0  }
0x4e: {  	[sflag:s9] =	ssyncadd.s32 $0xFFFF6000  }
0x4f: {  	[hbm4b:s15+s3] =	stream.linear.scatter [tilespmem:s7], [sflag:$0x3], $0xA000, $0x38;
	[tilespmem:$0x14680] =	vst v63  }
0x50: {  	_ =	swait.ge [sflag:s4], $0xA000  }
0x51: {  	[sflag:s4] =	ssyncset.done $0x0  }
0x52: {  	[sflag:s4] =	ssyncadd.s32 $0xFFFF6000  }
0x53: {  	[tilespmem:s7], [sflag:$0x1] =	stream.indirect.gather [hbm4b:s2+s6], $0x80, s16, s6, $0xb8;
	[tilespmem:$0x14680] =	vst v63  }
0x54: {  	_ =	swait.ge [sflag:s12], $0xA000  }
0x55: {  	[sflag:s12] =	ssyncset.done $0x0  }
0x56: {  	[sflag:s12] =	ssyncadd.s32 $0xFFFF6000  }
0x57: {  	[hbm4b:s17+s3] =	stream.linear.scatter [tilespmem:s8], [sflag:$0x3], $0xA000, $0x38;
	[tilespmem:$0x14680] =	vst v63  }
0x58: {  	_ =	swait.ge [sflag:s4], $0xA000  }
0x59: {  	[sflag:s4] =	ssyncset.done $0x0  }
0x5a: {  	[sflag:s4] =	ssyncadd.s32 $0xFFFF6000  }
0x5b: {  	_ =	swait.ge [sflag:s9], $0xA000  }
.Ltmp1:
0x5c: {  	[sflag:s9] =	ssyncset.done $0x0;
	(pc) =	sbr.rel @p0 .LBB2_1-.Ltmp1, $4  }
0x5d: {  	[sflag:s9] =	ssyncadd.s32 $0xFFFF6000  }
0x5e: {  	[hbm4b:s18+s3] =	stream.linear.scatter [tilespmem:s7], [sflag:$0x3], $0xA000, $0x38;
	[tilespmem:$0x14680] =	vst v63  }
0x5f: {  	_ =	swait.ge [sflag:s4], $0xA000  }
0x60: {  	[sflag:s4] =	ssyncset.done $0x0  }
.LBB2_2:
0x61: {  	[sflag:s4] =	ssyncadd.s32 $0xFFFF6000  }
0x62: {  	_ =	sfence.sel $0x180000  }
0x63: {  	[bflag:$0x0] =	sbarrier.arrive $0xFFFF  }
0x64: {  	p0 =	sne.s32 s0, $0x0;
	_ =	strace $0x90000050  }
0x65: {  	s0 =	sadd.s32 @!p0 $0x100000, s1;
	[bflag:$0x2] =	sbarrier.arrive $0xFFFF  }
0x66: {  	[sflag:s0] =	ssyncadd.tile.s32 @!p0 $0x1;
	_ =	shalt  }
.Lfunc_end2:
_tile_overlayer_lowered:
.L_overlay_start_2:
0x67: {  	(tag) =	ssettag $0x2  }
0x68: {  	s0 =	rddreg [dreg:$0x0];
	s2 =	stileid.u32  }
0x69: {  	s1 =	rddreg [dreg:$0x1];
	p0 =	sne.s32 s2, $0x0  }
0x6a: {  	s3 =	rddreg [dreg:$0x2];
	[bflag:$0x3] =	sbarrier.arrive $0xFFFF;
	s2 =	simm.s32 @!p0 $0x1C03  }
0x6b: {  	[timem:s3], [sflag:s2] =	dma.local @!p0 [hbm:s0], s1  }
0x6c: {  	s0 =	simm.s32 @!p0 $0x3  }
0x6d: {  	_ =	swait.ge @!p0 [sflag:s0], s1  }
0x6e: {  	s1 =	ssub.s32 @!p0 $0x0, s1;
	[sflag:s0] =	ssyncset.done @!p0 $0x0  }
0x6f: {  	[sflag:s0] =	ssyncadd.s32 @!p0 s1  }
0x70: {  	[bflag:$0x3] =	sbarrier.arrive $0xFFFF  }
0x71: {  	_ =	shalt  }

</sc_bundles>
